<compile_context>
chip_gen: v7x
topology: tpu7x:2x2x1
jax: 0.10.2.dev20260603
libtpu: 0.0.44.dev20260713+nightly
codegen_flags: <defaults>
</compile_context>

<pallas_src>
import functools

import jax
import jax.numpy as jnp
from jax import lax
from jax.experimental import pallas as pl
from jax.experimental.pallas import tpu as pltpu
from jax.experimental.pallas import tpu_sc as plsc

_LANES = 16
_NCORES = 2
_NSUB = 16
_NW = _NCORES * _NSUB


def _make_sc_pool(n_fine, ncp, k, bc, chunk, group, nbuf):
    ngroups = chunk // group
    kr = k - 1
    gk = group * kr
    dreg = bc // _LANES
    assert ngroups % nbuf == 0 and chunk % 8 == 0 and gk % 8 == 0
    assert gk <= 128

    def body(t_hbm, idx_hbm, out_hbm, idx_v, rows_v, outv, *sems):
        wid = lax.axis_index("s") * _NCORES + lax.axis_index("c")
        base_v = wid * chunk
        gsems = sems[:nbuf]
        ssems = sems[nbuf:2 * nbuf]
        osems = sems[2 * nbuf:]

        pltpu.sync_copy(idx_hbm.at[wid], idx_v)

        def gather(g, b):
            return pltpu.make_async_copy(
                t_hbm.at[idx_v.at[g]],
                rows_v.at[b, pl.ds(0, gk)], gsems[b])

        def selfrows(g, b):
            return pltpu.make_async_copy(
                t_hbm.at[pl.ds(base_v + g * group, group)],
                rows_v.at[b, pl.ds(gk, group)], ssems[b])

        def store(g, b):
            return pltpu.make_async_copy(
                outv.at[b], out_hbm.at[pl.ds(base_v + g * group, group)],
                osems[b])

        for b in range(nbuf):
            gather(b, b).start()
            selfrows(b, b).start()

        def do_group(g, b):
            gather(g, b).wait()
            selfrows(g, b).wait()

            @pl.when(g >= nbuf)
            def _():
                store(g - nbuf, b).wait()

            def vbody(v, carry):
                r0 = v * kr
                for d in range(dreg):
                    sl = pl.ds(d * _LANES, _LANES)
                    m0 = jnp.maximum(rows_v[b, r0, sl], rows_v[b, r0 + 1, sl])
                    m1 = jnp.maximum(rows_v[b, r0 + 2, sl],
                                     rows_v[b, r0 + 3, sl])
                    m2 = jnp.maximum(rows_v[b, r0 + 4, sl],
                                     rows_v[b, r0 + 5, sl])
                    m3 = jnp.maximum(m2, rows_v[b, gk + v, sl])
                    outv[b, v, sl] = jnp.maximum(jnp.maximum(m0, m1), m3)
                return carry

            lax.fori_loop(0, group, vbody, 0)

            @pl.when(g + nbuf < ngroups)
            def _():
                gather(g + nbuf, b).start()
                selfrows(g + nbuf, b).start()

            store(g, b).start()

        def cycle(p, carry):
            for b in range(nbuf):
                do_group(nbuf * p + b, b)
            return carry

        lax.fori_loop(0, ngroups // nbuf, cycle, 0)
        for b in range(nbuf):
            store(ngroups - nbuf + b, b).wait()

    return pl.kernel(
        body,
        out_type=jax.ShapeDtypeStruct((ncp, bc), jnp.float32),
        mesh=plsc.VectorSubcoreMesh(core_axis_name="c", subcore_axis_name="s"),
        scratch_types=[
            pltpu.VMEM((ngroups, gk), jnp.int32),
            pltpu.VMEM((nbuf, gk + group, bc), jnp.float32),
            pltpu.VMEM((nbuf, group, bc), jnp.float32),
        ] + [pltpu.SemaphoreType.DMA] * (3 * nbuf),
    )


@jax.jit
def _pool(tensor, index):
    b, c, n_fine = tensor.shape
    n_coarse, k = index.shape
    bc = b * c
    group = 16
    nbuf = 2
    per = -(-n_coarse // _NW)
    ngroups = -(-per // group)
    ngroups += (-ngroups) % nbuf
    chunk = ngroups * group
    ncp = chunk * _NW

    t2 = tensor.reshape(bc, n_fine).T
    idx_p = jnp.concatenate(
        [index[:, : k - 1],
         jnp.zeros((ncp - n_coarse, k - 1), index.dtype)], axis=0
    ).reshape(_NW, chunk // group, group * (k - 1))
    fn = _make_sc_pool(n_fine, ncp, k, bc, chunk, group, nbuf)
    out_p = fn(t2, idx_p)
    return out_p[:n_coarse].T.reshape(b, c, n_coarse)


def kernel(tensor, index):
    return _pool(tensor, index)

# --- scband reference (transcript-rebuilt; emitter-appended) ---
"""Pipeline reference for scband-sphere-pool-70025146794019 (READ-ONLY COPY).

The authoritative reference and input builder live on the scoring server;
editing this copy changes nothing except your own understanding.
"""

import jax, jax.numpy as jnp
import numpy as np

# Icosphere sizes: n_verts(level) = 10*4**level + 2
# graph_level=7 -> fine N = 163842, pooled (level 6) N = 40962
# gen_indexes(level, 'pool') yields int index of shape [N_coarse, 7]:
# each coarse vertex gathers its 6 fine-level neighbors plus itself,
# with the vertex itself in the last slot (icosphere subdivision keeps
# coarse vertex ids as a prefix of the fine vertex ids).

N_FINE = 10 * 4 ** 7 + 2   # 163842
N_COARSE = 10 * 4 ** 6 + 2 # 40962
K = 7


def setup_inputs(seed: int = 0) -> dict:
    key = jax.random.key(seed)
    k1, k2 = jax.random.split(key)
    tensor = jax.random.normal(k1, (8, 32, N_FINE), dtype=jnp.float32)
    index = jax.random.randint(k2, (N_COARSE, K), 0, N_FINE, dtype=jnp.int32)
    index = index.at[:, -1].set(jnp.arange(N_COARSE, dtype=jnp.int32))
    return {"tensor": tensor, "index": index}


def reference(tensor, index):
    # tensor: [B, C, N_fine]
    t = jnp.transpose(tensor, (2, 0, 1))      # [N_fine, B, C]
    t = jnp.take(t, index, axis=0)            # [N_coarse, K, B, C] gather
    t = jnp.transpose(t, (2, 3, 0, 1))        # [B, C, N_coarse, K]
    # method == 'max'
    out = jnp.max(t, axis=-1)                 # [B, C, N_coarse]
    return out

if __name__ == "__main__":
    import jax
    _d = setup_inputs()
    print(jax.jit(kernel)(*tuple(_d.values())))

</pallas_src>

<mosaic_0001>
#map = affine_map<(d0, d1) -> (0, 0)>
#map1 = affine_map<(d0, d1) -> (0, 0, 0)>
module attributes {stable_mosaic.version = 14 : i64} {
  func.func @body(%arg0: i32, %arg1: i32, %arg2: memref<163842x256xf32, #tpu.memory_space<hbm>>, %arg3: memref<32x82x96xi32, #tpu.memory_space<hbm>>, %arg4: memref<41984x256xf32, #tpu.memory_space<hbm>>, %arg5: memref<82x96xi32, #tpu.memory_space<vmem>>, %arg6: memref<2x112x256xf32, #tpu.memory_space<vmem>>, %arg7: memref<2x16x256xf32, #tpu.memory_space<vmem>>, %arg8: memref<!tpu.dma_semaphore, #tpu.memory_space<semaphore_mem>>, %arg9: memref<!tpu.dma_semaphore, #tpu.memory_space<semaphore_mem>>, %arg10: memref<!tpu.dma_semaphore, #tpu.memory_space<semaphore_mem>>, %arg11: memref<!tpu.dma_semaphore, #tpu.memory_space<semaphore_mem>>, %arg12: memref<!tpu.dma_semaphore, #tpu.memory_space<semaphore_mem>>, %arg13: memref<!tpu.dma_semaphore, #tpu.memory_space<semaphore_mem>>) attributes {dimension_semantics = [#tpu.dimension_semantics<core_parallel>, #tpu.dimension_semantics<subcore_parallel>], iteration_bounds = array<i64: 2, 16>, scalar_prefetch = 0 : i64, scratch_operands = 9 : i64, tpu.core_type = #tpu.core_type<sc_vector_subcore>, window_params = [{transform_indices = #map}, {transform_indices = #map1}, {transform_indices = #map}]} {
    %mul3A = arith.constant 2 : i32
    %mul3A_0 = arith.muli %arg1, %mul3A : i32
    %add3A = arith.addi %mul3A_0, %arg0 : i32
    %mul3A_1 = arith.constant 1312 : i32
    %mul3A_2 = arith.muli %add3A, %mul3A_1 : i32
    "tpu.region"() ({
      %run_scoped3A = tpu.sem_alloc : memref<!tpu.dma_semaphore, #tpu.memory_space<semaphore_mem>>
      %dma_start3A_90 = arith.constant 0 : i32
      %dma_start3A_91 = arith.constant 0 : i32
      %dma_start3A_92 = tpu.memref_slice %arg3[%add3A, %dma_start3A_90, %dma_start3A_91] : memref<32x82x96xi32, #tpu.memory_space<hbm>> -> memref<1x82x96xi32, #tpu.memory_space<hbm>>
      %dma_start3A_93 = tpu.memref_squeeze %dma_start3A_92 : memref<1x82x96xi32, #tpu.memory_space<hbm>> -> memref<82x96xi32, #tpu.memory_space<hbm>>
      %dma_start3A_94 = arith.constant 0 : i32
      %dma_start3A_95 = arith.constant 0 : i32
      %dma_start3A_96 = tpu.memref_slice %arg3[%add3A, %dma_start3A_94, %dma_start3A_95] : memref<32x82x96xi32, #tpu.memory_space<hbm>> -> memref<1x82x96xi32, #tpu.memory_space<hbm>>
      %dma_start3A_97 = tpu.memref_squeeze %dma_start3A_96 : memref<1x82x96xi32, #tpu.memory_space<hbm>> -> memref<82x96xi32, #tpu.memory_space<hbm>>
      tpu.enqueue_dma source(%dma_start3A_97 : memref<82x96xi32, #tpu.memory_space<hbm>>) target(%arg5 : memref<82x96xi32, #tpu.memory_space<vmem>>) target_semaphore(%run_scoped3A : memref<!tpu.dma_semaphore, #tpu.memory_space<semaphore_mem>>)
      %dma_wait3A_98 = arith.constant 0 : i32
      %dma_wait3A_99 = arith.constant 0 : i32
      %dma_wait3A_100 = tpu.memref_slice %arg3[%add3A, %dma_wait3A_98, %dma_wait3A_99] : memref<32x82x96xi32, #tpu.memory_space<hbm>> -> memref<1x82x96xi32, #tpu.memory_space<hbm>>
      %dma_wait3A_101 = tpu.memref_squeeze %dma_wait3A_100 : memref<1x82x96xi32, #tpu.memory_space<hbm>> -> memref<82x96xi32, #tpu.memory_space<hbm>>
      %dma_wait3A_102 = arith.constant 0 : i32
      %dma_wait3A_103 = arith.constant 0 : i32
      %dma_wait3A_104 = tpu.memref_slice %arg3[%add3A, %dma_wait3A_102, %dma_wait3A_103] : memref<32x82x96xi32, #tpu.memory_space<hbm>> -> memref<1x82x96xi32, #tpu.memory_space<hbm>>
      %dma_wait3A_105 = tpu.memref_squeeze %dma_wait3A_104 : memref<1x82x96xi32, #tpu.memory_space<hbm>> -> memref<82x96xi32, #tpu.memory_space<hbm>>
      tpu.wait_dma2 semaphore(%run_scoped3A : memref<!tpu.dma_semaphore, #tpu.memory_space<semaphore_mem>>) src(%dma_wait3A_105 : memref<82x96xi32, #tpu.memory_space<hbm>>) dst(%arg5 : memref<82x96xi32, #tpu.memory_space<vmem>>)
      tpu.yield
    }) : () -> ()
    %dma_start3A = arith.constant 0 : i32
    %dma_start3A_3 = arith.constant 0 : i32
    %dma_start3A_4 = arith.constant 0 : i32
    %dma_start3A_5 = arith.constant 0 : i32
    %dma_start3A_6 = tpu.memref_slice %arg6[%dma_start3A_3, %dma_start3A_4, %dma_start3A_5] : memref<2x112x256xf32, #tpu.memory_space<vmem>> -> memref<1x96x256xf32, #tpu.memory_space<vmem>>
    %dma_start3A_7 = tpu.memref_squeeze %dma_start3A_6 : memref<1x96x256xf32, #tpu.memory_space<vmem>> -> memref<96x256xf32, #tpu.memory_space<vmem>>
    %dma_start3A_8 = arith.constant 0 : i32
    %dma_start3A_9 = tpu.memref_slice %arg5[%dma_start3A, %dma_start3A_8] : memref<82x96xi32, #tpu.memory_space<vmem>> -> memref<1x96xi32, #tpu.memory_space<vmem>>
    %dma_start3A_10 = tpu.memref_squeeze %dma_start3A_9 : memref<1x96xi32, #tpu.memory_space<vmem>> -> memref<96xi32, #tpu.memory_space<vmem>>
    %dma_start3A_11 = arith.constant 0 : i32
    %dma_start3A_12 = arith.constant 0 : i32
    %dma_start3A_13 = tpu.memref_slice %arg2[%dma_start3A_11, %dma_start3A_12] : memref<163842x256xf32, #tpu.memory_space<hbm>> -> memref<163842x256xf32, #tpu.memory_space<hbm>>
    tpu.enqueue_indirect_dma source(%dma_start3A_13 : memref<163842x256xf32, #tpu.memory_space<hbm>>) target(%dma_start3A_7 : memref<96x256xf32, #tpu.memory_space<vmem>>) offsets(%dma_start3A_10 : memref<96xi32, #tpu.memory_space<vmem>>) semaphore(%arg8 : memref<!tpu.dma_semaphore, #tpu.memory_space<semaphore_mem>>)
    %add3A_14 = arith.constant 0 : i32
    %add3A_15 = arith.addi %mul3A_2, %add3A_14 : i32
    %dma_start3A_16 = arith.constant 0 : i32
    %dma_start3A_17 = arith.constant 96 : i32
    %dma_start3A_18 = arith.constant 0 : i32
    %dma_start3A_19 = tpu.memref_slice %arg6[%dma_start3A_16, %dma_start3A_17, %dma_start3A_18] : memref<2x112x256xf32, #tpu.memory_space<vmem>> -> memref<1x16x256xf32, #tpu.memory_space<vmem>>
    %dma_start3A_20 = tpu.memref_squeeze %dma_start3A_19 : memref<1x16x256xf32, #tpu.memory_space<vmem>> -> memref<16x256xf32, #tpu.memory_space<vmem>>
    %dma_start3A_21 = arith.constant 0 : i32
    %dma_start3A_22 = tpu.memref_slice %arg2[%add3A_15, %dma_start3A_21] : memref<163842x256xf32, #tpu.memory_space<hbm>> -> memref<16x256xf32, #tpu.memory_space<hbm>>
    %dma_start3A_23 = arith.constant 96 : i32
    %dma_start3A_24 = arith.constant 0 : i32
    %dma_start3A_25 = tpu.memref_slice %arg6[%dma_start3A_16, %dma_start3A_23, %dma_start3A_24] : memref<2x112x256xf32, #tpu.memory_space<vmem>> -> memref<1x16x256xf32, #tpu.memory_space<vmem>>
    %dma_start3A_26 = tpu.memref_squeeze %dma_start3A_25 : memref<1x16x256xf32, #tpu.memory_space<vmem>> -> memref<16x256xf32, #tpu.memory_space<vmem>>
    %dma_start3A_27 = arith.constant 0 : i32
    %dma_start3A_28 = tpu.memref_slice %arg2[%add3A_15, %dma_start3A_27] : memref<163842x256xf32, #tpu.memory_space<hbm>> -> memref<16x256xf32, #tpu.memory_space<hbm>>
    tpu.enqueue_dma source(%dma_start3A_28 : memref<16x256xf32, #tpu.memory_space<hbm>>) target(%dma_start3A_26 : memref<16x256xf32, #tpu.memory_space<vmem>>) target_semaphore(%arg10 : memref<!tpu.dma_semaphore, #tpu.memory_space<semaphore_mem>>)
    %dma_start3A_29 = arith.constant 1 : i32
    %dma_start3A_30 = arith.constant 1 : i32
    %dma_start3A_31 = arith.constant 0 : i32
    %dma_start3A_32 = arith.constant 0 : i32
    %dma_start3A_33 = tpu.memref_slice %arg6[%dma_start3A_30, %dma_start3A_31, %dma_start3A_32] : memref<2x112x256xf32, #tpu.memory_space<vmem>> -> memref<1x96x256xf32, #tpu.memory_space<vmem>>
    %dma_start3A_34 = tpu.memref_squeeze %dma_start3A_33 : memref<1x96x256xf32, #tpu.memory_space<vmem>> -> memref<96x256xf32, #tpu.memory_space<vmem>>
    %dma_start3A_35 = arith.constant 0 : i32
    %dma_start3A_36 = tpu.memref_slice %arg5[%dma_start3A_29, %dma_start3A_35] : memref<82x96xi32, #tpu.memory_space<vmem>> -> memref<1x96xi32, #tpu.memory_space<vmem>>
    %dma_start3A_37 = tpu.memref_squeeze %dma_start3A_36 : memref<1x96xi32, #tpu.memory_space<vmem>> -> memref<96xi32, #tpu.memory_space<vmem>>
    %dma_start3A_38 = arith.constant 0 : i32
    %dma_start3A_39 = arith.constant 0 : i32
    %dma_start3A_40 = tpu.memref_slice %arg2[%dma_start3A_38, %dma_start3A_39] : memref<163842x256xf32, #tpu.memory_space<hbm>> -> memref<163842x256xf32, #tpu.memory_space<hbm>>
    tpu.enqueue_indirect_dma source(%dma_start3A_40 : memref<163842x256xf32, #tpu.memory_space<hbm>>) target(%dma_start3A_34 : memref<96x256xf32, #tpu.memory_space<vmem>>) offsets(%dma_start3A_37 : memref<96xi32, #tpu.memory_space<vmem>>) semaphore(%arg9 : memref<!tpu.dma_semaphore, #tpu.memory_space<semaphore_mem>>)
    %add3A_41 = arith.constant 16 : i32
    %add3A_42 = arith.addi %mul3A_2, %add3A_41 : i32
    %dma_start3A_43 = arith.constant 1 : i32
    %dma_start3A_44 = arith.constant 96 : i32
    %dma_start3A_45 = arith.constant 0 : i32
    %dma_start3A_46 = tpu.memref_slice %arg6[%dma_start3A_43, %dma_start3A_44, %dma_start3A_45] : memref<2x112x256xf32, #tpu.memory_space<vmem>> -> memref<1x16x256xf32, #tpu.memory_space<vmem>>
    %dma_start3A_47 = tpu.memref_squeeze %dma_start3A_46 : memref<1x16x256xf32, #tpu.memory_space<vmem>> -> memref<16x256xf32, #tpu.memory_space<vmem>>
    %dma_start3A_48 = arith.constant 0 : i32
    %dma_start3A_49 = tpu.memref_slice %arg2[%add3A_42, %dma_start3A_48] : memref<163842x256xf32, #tpu.memory_space<hbm>> -> memref<16x256xf32, #tpu.memory_space<hbm>>
    %dma_start3A_50 = arith.constant 96 : i32
    %dma_start3A_51 = arith.constant 0 : i32
    %dma_start3A_52 = tpu.memref_slice %arg6[%dma_start3A_43, %dma_start3A_50, %dma_start3A_51] : memref<2x112x256xf32, #tpu.memory_space<vmem>> -> memref<1x16x256xf32, #tpu.memory_space<vmem>>
    %dma_start3A_53 = tpu.memref_squeeze %dma_start3A_52 : memref<1x16x256xf32, #tpu.memory_space<vmem>> -> memref<16x256xf32, #tpu.memory_space<vmem>>
    %dma_start3A_54 = arith.constant 0 : i32
    %dma_start3A_55 = tpu.memref_slice %arg2[%add3A_42, %dma_start3A_54] : memref<163842x256xf32, #tpu.memory_space<hbm>> -> memref<16x256xf32, #tpu.memory_space<hbm>>
    tpu.enqueue_dma source(%dma_start3A_55 : memref<16x256xf32, #tpu.memory_space<hbm>>) target(%dma_start3A_53 : memref<16x256xf32, #tpu.memory_space<vmem>>) target_semaphore(%arg11 : memref<!tpu.dma_semaphore, #tpu.memory_space<semaphore_mem>>)
    %scan3A = arith.constant 0 : i32
    %scan3A_56 = arith.constant 0 : i32
    %scan3A_57 = arith.constant 41 : i32
    %scan3A_58 = arith.addi %scan3A_56, %scan3A_57 : i32
    %scan3A_59 = arith.constant 1 : i32
    scf.for %scan3A_90 = %scan3A_56 to %scan3A_58 step %scan3A_59  : i32 {
      %mul3A_91 = arith.constant 2 : i32
      %mul3A_92 = arith.muli %mul3A_91, %scan3A_90 : i32
      %add3A_93 = arith.constant 0 : i32
      %add3A_94 = arith.addi %mul3A_92, %add3A_93 : i32
      %dma_wait3A_95 = arith.constant 0 : i32
      %dma_wait3A_96 = arith.constant 0 : i32
      %dma_wait3A_97 = arith.constant 0 : i32
      %dma_wait3A_98 = tpu.memref_slice %arg6[%dma_wait3A_95, %dma_wait3A_96, %dma_wait3A_97] : memref<2x112x256xf32, #tpu.memory_space<vmem>> -> memref<1x96x256xf32, #tpu.memory_space<vmem>>
      %dma_wait3A_99 = tpu.memref_squeeze %dma_wait3A_98 : memref<1x96x256xf32, #tpu.memory_space<vmem>> -> memref<96x256xf32, #tpu.memory_space<vmem>>
      %dma_wait3A_100 = arith.constant 0 : i32
      %dma_wait3A_101 = tpu.memref_slice %arg5[%add3A_94, %dma_wait3A_100] : memref<82x96xi32, #tpu.memory_space<vmem>> -> memref<1x96xi32, #tpu.memory_space<vmem>>
      %dma_wait3A_102 = tpu.memref_squeeze %dma_wait3A_101 : memref<1x96xi32, #tpu.memory_space<vmem>> -> memref<96xi32, #tpu.memory_space<vmem>>
      %dma_wait3A_103 = arith.constant 0 : i32
      %dma_wait3A_104 = arith.constant 0 : i32
      %dma_wait3A_105 = tpu.memref_slice %arg2[%dma_wait3A_103, %dma_wait3A_104] : memref<163842x256xf32, #tpu.memory_space<hbm>> -> memref<163842x256xf32, #tpu.memory_space<hbm>>
      tpu.wait_indirect_dma semaphore(%arg8 : memref<!tpu.dma_semaphore, #tpu.memory_space<semaphore_mem>>) src(%dma_wait3A_105 : memref<163842x256xf32, #tpu.memory_space<hbm>>) dst(%dma_wait3A_99 : memref<96x256xf32, #tpu.memory_space<vmem>>)
      %mul3A_106 = arith.constant 16 : i32
      %mul3A_107 = arith.muli %add3A_94, %mul3A_106 : i32
      %add3A_108 = arith.addi %mul3A_2, %mul3A_107 : i32
      %dma_wait3A_109 = arith.constant 0 : i32
      %dma_wait3A_110 = arith.constant 96 : i32
      %dma_wait3A_111 = arith.constant 0 : i32
      %dma_wait3A_112 = tpu.memref_slice %arg6[%dma_wait3A_109, %dma_wait3A_110, %dma_wait3A_111] : memref<2x112x256xf32, #tpu.memory_space<vmem>> -> memref<1x16x256xf32, #tpu.memory_space<vmem>>
      %dma_wait3A_113 = tpu.memref_squeeze %dma_wait3A_112 : memref<1x16x256xf32, #tpu.memory_space<vmem>> -> memref<16x256xf32, #tpu.memory_space<vmem>>
      %dma_wait3A_114 = arith.constant 0 : i32
      %dma_wait3A_115 = tpu.memref_slice %arg2[%add3A_108, %dma_wait3A_114] : memref<163842x256xf32, #tpu.memory_space<hbm>> -> memref<16x256xf32, #tpu.memory_space<hbm>>
      %dma_wait3A_116 = arith.constant 96 : i32
      %dma_wait3A_117 = arith.constant 0 : i32
      %dma_wait3A_118 = tpu.memref_slice %arg6[%dma_wait3A_109, %dma_wait3A_116, %dma_wait3A_117] : memref<2x112x256xf32, #tpu.memory_space<vmem>> -> memref<1x16x256xf32, #tpu.memory_space<vmem>>
      %dma_wait3A_119 = tpu.memref_squeeze %dma_wait3A_118 : memref<1x16x256xf32, #tpu.memory_space<vmem>> -> memref<16x256xf32, #tpu.memory_space<vmem>>
      %dma_wait3A_120 = arith.constant 0 : i32
      %dma_wait3A_121 = tpu.memref_slice %arg2[%add3A_108, %dma_wait3A_120] : memref<163842x256xf32, #tpu.memory_space<hbm>> -> memref<16x256xf32, #tpu.memory_space<hbm>>
      tpu.wait_dma2 semaphore(%arg10 : memref<!tpu.dma_semaphore, #tpu.memory_space<semaphore_mem>>) src(%dma_wait3A_121 : memref<16x256xf32, #tpu.memory_space<hbm>>) dst(%dma_wait3A_119 : memref<16x256xf32, #tpu.memory_space<vmem>>)
      %ge3A = arith.constant 2 : i32
      %ge3A_122 = arith.cmpi sge, %add3A_94, %ge3A : i32
      %convert_element_type3A = arith.extui %ge3A_122 : i1 to i32
      %cond3A = arith.constant 0 : i32
      %cond3A_123 = arith.cmpi ne, %convert_element_type3A, %cond3A : i32
      scf.if %cond3A_123 {
        %sub3A = arith.constant 2 : i32
        %sub3A_217 = arith.subi %add3A_94, %sub3A : i32
        %mul3A_218 = arith.constant 16 : i32
        %mul3A_219 = arith.muli %sub3A_217, %mul3A_218 : i32
        %add3A_220 = arith.addi %mul3A_2, %mul3A_219 : i32
        %dma_wait3A_221 = arith.constant 0 : i32
        %dma_wait3A_222 = arith.constant 0 : i32
        %dma_wait3A_223 = arith.constant 0 : i32
        %dma_wait3A_224 = tpu.memref_slice %arg7[%dma_wait3A_221, %dma_wait3A_222, %dma_wait3A_223] : memref<2x16x256xf32, #tpu.memory_space<vmem>> -> memref<1x16x256xf32, #tpu.memory_space<vmem>>
        %dma_wait3A_225 = tpu.memref_squeeze %dma_wait3A_224 : memref<1x16x256xf32, #tpu.memory_space<vmem>> -> memref<16x256xf32, #tpu.memory_space<vmem>>
        %dma_wait3A_226 = arith.constant 0 : i32
        %dma_wait3A_227 = tpu.memref_slice %arg4[%add3A_220, %dma_wait3A_226] : memref<41984x256xf32, #tpu.memory_space<hbm>> -> memref<16x256xf32, #tpu.memory_space<hbm>>
        %dma_wait3A_228 = arith.constant 0 : i32
        %dma_wait3A_229 = tpu.memref_slice %arg4[%add3A_220, %dma_wait3A_228] : memref<41984x256xf32, #tpu.memory_space<hbm>> -> memref<16x256xf32, #tpu.memory_space<hbm>>
        %dma_wait3A_230 = arith.constant 0 : i32
        %dma_wait3A_231 = arith.constant 0 : i32
        %dma_wait3A_232 = tpu.memref_slice %arg7[%dma_wait3A_221, %dma_wait3A_230, %dma_wait3A_231] : memref<2x16x256xf32, #tpu.memory_space<vmem>> -> memref<1x16x256xf32, #tpu.memory_space<vmem>>
        %dma_wait3A_233 = tpu.memref_squeeze %dma_wait3A_232 : memref<1x16x256xf32, #tpu.memory_space<vmem>> -> memref<16x256xf32, #tpu.memory_space<vmem>>
        tpu.wait_dma2 semaphore(%arg12 : memref<!tpu.dma_semaphore, #tpu.memory_space<semaphore_mem>>) src(%dma_wait3A_233 : memref<16x256xf32, #tpu.memory_space<vmem>>) dst(%dma_wait3A_229 : memref<16x256xf32, #tpu.memory_space<hbm>>)
      } else {
      }
      %scan3A_124 = arith.constant 0 : i32
      %scan3A_125 = arith.constant 0 : i32
      %scan3A_126 = arith.constant 16 : i32
      %scan3A_127 = arith.addi %scan3A_125, %scan3A_126 : i32
      %scan3A_128 = arith.constant 1 : i32
      scf.for %scan3A_217 = %scan3A_125 to %scan3A_127 step %scan3A_128  : i32 {
        %mul3A_218 = arith.constant 6 : i32
        %mul3A_219 = arith.muli %scan3A_217, %mul3A_218 : i32
        %get3A = arith.constant 0 : i32
        %get3A_220 = arith.index_cast %get3A : i32 to index
        %get3A_221 = arith.index_cast %mul3A_219 : i32 to index
        %get3A_222 = arith.constant 0 : index
        %get3A_223 = tpu.vector_load %arg6[%get3A_220, %get3A_221, %get3A_222] {strides = array<i32>} : memref<2x112x256xf32, #tpu.memory_space<vmem>>, vector<1x1x16xf32>,
        %get3A_224 = vector.shape_cast %get3A_223 : vector<1x1x16xf32> to vector<16xf32>
        %add3A_225 = arith.constant 1 : i32
        %add3A_226 = arith.addi %mul3A_219, %add3A_225 : i32
        %get3A_227 = arith.constant 0 : i32
        %get3A_228 = arith.index_cast %get3A_227 : i32 to index
        %get3A_229 = arith.index_cast %add3A_226 : i32 to index
        %get3A_230 = arith.constant 0 : index
        %get3A_231 = tpu.vector_load %arg6[%get3A_228, %get3A_229, %get3A_230] {strides = array<i32>} : memref<2x112x256xf32, #tpu.memory_space<vmem>>, vector<1x1x16xf32>,
        %get3A_232 = vector.shape_cast %get3A_231 : vector<1x1x16xf32> to vector<16xf32>
        %max3A = arith.maximumf %get3A_224, %get3A_232 : vector<16xf32>
        %add3A_233 = arith.constant 2 : i32
        %add3A_234 = arith.addi %mul3A_219, %add3A_233 : i32
        %get3A_235 = arith.constant 0 : i32
        %get3A_236 = arith.index_cast %get3A_235 : i32 to index
        %get3A_237 = arith.index_cast %add3A_234 : i32 to index
        %get3A_238 = arith.constant 0 : index
        %get3A_239 = tpu.vector_load %arg6[%get3A_236, %get3A_237, %get3A_238] {strides = array<i32>} : memref<2x112x256xf32, #tpu.memory_space<vmem>>, vector<1x1x16xf32>,
        %get3A_240 = vector.shape_cast %get3A_239 : vector<1x1x16xf32> to vector<16xf32>
        %add3A_241 = arith.constant 3 : i32
        %add3A_242 = arith.addi %mul3A_219, %add3A_241 : i32
        %get3A_243 = arith.constant 0 : i32
        %get3A_244 = arith.index_cast %get3A_243 : i32 to index
        %get3A_245 = arith.index_cast %add3A_242 : i32 to index
        %get3A_246 = arith.constant 0 : index
        %get3A_247 = tpu.vector_load %arg6[%get3A_244, %get3A_245, %get3A_246] {strides = array<i32>} : memref<2x112x256xf32, #tpu.memory_space<vmem>>, vector<1x1x16xf32>,
        %get3A_248 = vector.shape_cast %get3A_247 : vector<1x1x16xf32> to vector<16xf32>
        %max3A_249 = arith.maximumf %get3A_240, %get3A_248 : vector<16xf32>
        %add3A_250 = arith.constant 4 : i32
        %add3A_251 = arith.addi %mul3A_219, %add3A_250 : i32
        %get3A_252 = arith.constant 0 : i32
        %get3A_253 = arith.index_cast %get3A_252 : i32 to index
        %get3A_254 = arith.index_cast %add3A_251 : i32 to index
        %get3A_255 = arith.constant 0 : index
        %get3A_256 = tpu.vector_load %arg6[%get3A_253, %get3A_254, %get3A_255] {strides = array<i32>} : memref<2x112x256xf32, #tpu.memory_space<vmem>>, vector<1x1x16xf32>,
        %get3A_257 = vector.shape_cast %get3A_256 : vector<1x1x16xf32> to vector<16xf32>
        %add3A_258 = arith.constant 5 : i32
        %add3A_259 = arith.addi %mul3A_219, %add3A_258 : i32
        %get3A_260 = arith.constant 0 : i32
        %get3A_261 = arith.index_cast %get3A_260 : i32 to index
        %get3A_262 = arith.index_cast %add3A_259 : i32 to index
        %get3A_263 = arith.constant 0 : index
        %get3A_264 = tpu.vector_load %arg6[%get3A_261, %get3A_262, %get3A_263] {strides = array<i32>} : memref<2x112x256xf32, #tpu.memory_space<vmem>>, vector<1x1x16xf32>,
        %get3A_265 = vector.shape_cast %get3A_264 : vector<1x1x16xf32> to vector<16xf32>
        %max3A_266 = arith.maximumf %get3A_257, %get3A_265 : vector<16xf32>
        %add3A_267 = arith.constant 96 : i32
        %add3A_268 = arith.addi %add3A_267, %scan3A_217 : i32
        %get3A_269 = arith.constant 0 : i32
        %get3A_270 = arith.index_cast %get3A_269 : i32 to index
        %get3A_271 = arith.index_cast %add3A_268 : i32 to index
        %get3A_272 = arith.constant 0 : index
        %get3A_273 = tpu.vector_load %arg6[%get3A_270, %get3A_271, %get3A_272] {strides = array<i32>} : memref<2x112x256xf32, #tpu.memory_space<vmem>>, vector<1x1x16xf32>,
        %get3A_274 = vector.shape_cast %get3A_273 : vector<1x1x16xf32> to vector<16xf32>
        %max3A_275 = arith.maximumf %max3A_266, %get3A_274 : vector<16xf32>
        %max3A_276 = arith.maximumf %max3A, %max3A_249 : vector<16xf32>
        %max3A_277 = arith.maximumf %max3A_276, %max3A_275 : vector<16xf32>
        %swap3A = arith.constant 0 : i32
        %swap3A_278 = arith.index_cast %swap3A : i32 to index
        %swap3A_279 = arith.index_cast %scan3A_217 : i32 to index
        %swap3A_280 = arith.constant 0 : index
        %swap3A_281 = tpu.vector_load %arg7[%swap3A_278, %swap3A_279, %swap3A_280] {strides = array<i32>} : memref<2x16x256xf32, #tpu.memory_space<vmem>>, vector<1x1x16xf32>,
        %swap3A_282 = vector.shape_cast %swap3A_281 : vector<1x1x16xf32> to vector<16xf32>
        %swap3A_283 = vector.shape_cast %max3A_277 : vector<16xf32> to vector<1x1x16xf32>
        tpu.vector_store %arg7[%swap3A_278, %swap3A_279, %swap3A_280], %swap3A_283 {strides = array<i32>} : memref<2x16x256xf32, #tpu.memory_space<vmem>>, vector<1x1x16xf32>,
        %get3A_284 = arith.constant 0 : i32
        %get3A_285 = arith.index_cast %get3A_284 : i32 to index
        %get3A_286 = arith.index_cast %mul3A_219 : i32 to index
        %get3A_287 = arith.constant 16 : index
        %get3A_288 = tpu.vector_load %arg6[%get3A_285, %get3A_286, %get3A_287] {strides = array<i32>} : memref<2x112x256xf32, #tpu.memory_space<vmem>>, vector<1x1x16xf32>,
        %get3A_289 = vector.shape_cast %get3A_288 : vector<1x1x16xf32> to vector<16xf32>
        %add3A_290 = arith.constant 1 : i32
        %add3A_291 = arith.addi %mul3A_219, %add3A_290 : i32
        %get3A_292 = arith.constant 0 : i32
        %get3A_293 = arith.index_cast %get3A_292 : i32 to index
        %get3A_294 = arith.index_cast %add3A_291 : i32 to index
        %get3A_295 = arith.constant 16 : index
        %get3A_296 = tpu.vector_load %arg6[%get3A_293, %get3A_294, %get3A_295] {strides = array<i32>} : memref<2x112x256xf32, #tpu.memory_space<vmem>>, vector<1x1x16xf32>,
        %get3A_297 = vector.shape_cast %get3A_296 : vector<1x1x16xf32> to vector<16xf32>
        %max3A_298 = arith.maximumf %get3A_289, %get3A_297 : vector<16xf32>
        %add3A_299 = arith.constant 2 : i32
        %add3A_300 = arith.addi %mul3A_219, %add3A_299 : i32
        %get3A_301 = arith.constant 0 : i32
        %get3A_302 = arith.index_cast %get3A_301 : i32 to index
        %get3A_303 = arith.index_cast %add3A_300 : i32 to index
        %get3A_304 = arith.constant 16 : index
        %get3A_305 = tpu.vector_load %arg6[%get3A_302, %get3A_303, %get3A_304] {strides = array<i32>} : memref<2x112x256xf32, #tpu.memory_space<vmem>>, vector<1x1x16xf32>,
        %get3A_306 = vector.shape_cast %get3A_305 : vector<1x1x16xf32> to vector<16xf32>
        %add3A_307 = arith.constant 3 : i32
        %add3A_308 = arith.addi %mul3A_219, %add3A_307 : i32
        %get3A_309 = arith.constant 0 : i32
        %get3A_310 = arith.index_cast %get3A_309 : i32 to index
        %get3A_311 = arith.index_cast %add3A_308 : i32 to index
        %get3A_312 = arith.constant 16 : index
        %get3A_313 = tpu.vector_load %arg6[%get3A_310, %get3A_311, %get3A_312] {strides = array<i32>} : memref<2x112x256xf32, #tpu.memory_space<vmem>>, vector<1x1x16xf32>,
        %get3A_314 = vector.shape_cast %get3A_313 : vector<1x1x16xf32> to vector<16xf32>
        %max3A_315 = arith.maximumf %get3A_306, %get3A_314 : vector<16xf32>
        %add3A_316 = arith.constant 4 : i32
        %add3A_317 = arith.addi %mul3A_219, %add3A_316 : i32
        %get3A_318 = arith.constant 0 : i32
        %get3A_319 = arith.index_cast %get3A_318 : i32 to index
        %get3A_320 = arith.index_cast %add3A_317 : i32 to index
        %get3A_321 = arith.constant 16 : index
        %get3A_322 = tpu.vector_load %arg6[%get3A_319, %get3A_320, %get3A_321] {strides = array<i32>} : memref<2x112x256xf32, #tpu.memory_space<vmem>>, vector<1x1x16xf32>,
        %get3A_323 = vector.shape_cast %get3A_322 : vector<1x1x16xf32> to vector<16xf32>
        %add3A_324 = arith.constant 5 : i32
        %add3A_325 = arith.addi %mul3A_219, %add3A_324 : i32
        %get3A_326 = arith.constant 0 : i32
        %get3A_327 = arith.index_cast %get3A_326 : i32 to index
        %get3A_328 = arith.index_cast %add3A_325 : i32 to index
        %get3A_329 = arith.constant 16 : index
        %get3A_330 = tpu.vector_load %arg6[%get3A_327, %get3A_328, %get3A_329] {strides = array<i32>} : memref<2x112x256xf32, #tpu.memory_space<vmem>>, vector<1x1x16xf32>,
        %get3A_331 = vector.shape_cast %get3A_330 : vector<1x1x16xf32> to vector<16xf32>
        %max3A_332 = arith.maximumf %get3A_323, %get3A_331 : vector<16xf32>
        %add3A_333 = arith.constant 96 : i32
        %add3A_334 = arith.addi %add3A_333, %scan3A_217 : i32
        %get3A_335 = arith.constant 0 : i32
        %get3A_336 = arith.index_cast %get3A_335 : i32 to index
        %get3A_337 = arith.index_cast %add3A_334 : i32 to index
        %get3A_338 = arith.constant 16 : index
        %get3A_339 = tpu.vector_load %arg6[%get3A_336, %get3A_337, %get3A_338] {strides = array<i32>} : memref<2x112x256xf32, #tpu.memory_space<vmem>>, vector<1x1x16xf32>,
        %get3A_340 = vector.shape_cast %get3A_339 : vector<1x1x16xf32> to vector<16xf32>
        %max3A_341 = arith.maximumf %max3A_332, %get3A_340 : vector<16xf32>
        %max3A_342 = arith.maximumf %max3A_298, %max3A_315 : vector<16xf32>
        %max3A_343 = arith.maximumf %max3A_342, %max3A_341 : vector<16xf32>
        %swap3A_344 = arith.constant 0 : i32
        %swap3A_345 = arith.index_cast %swap3A_344 : i32 to index
        %swap3A_346 = arith.index_cast %scan3A_217 : i32 to index
        %swap3A_347 = arith.constant 16 : index
        %swap3A_348 = tpu.vector_load %arg7[%swap3A_345, %swap3A_346, %swap3A_347] {strides = array<i32>} : memref<2x16x256xf32, #tpu.memory_space<vmem>>, vector<1x1x16xf32>,
        %swap3A_349 = vector.shape_cast %swap3A_348 : vector<1x1x16xf32> to vector<16xf32>
        %swap3A_350 = vector.shape_cast %max3A_343 : vector<16xf32> to vector<1x1x16xf32>
        tpu.vector_store %arg7[%swap3A_345, %swap3A_346, %swap3A_347], %swap3A_350 {strides = array<i32>} : memref<2x16x256xf32, #tpu.memory_space<vmem>>, vector<1x1x16xf32>,
        %get3A_351 = arith.constant 0 : i32
        %get3A_352 = arith.index_cast %get3A_351 : i32 to index
        %get3A_353 = arith.index_cast %mul3A_219 : i32 to index
        %get3A_354 = arith.constant 32 : index
        %get3A_355 = tpu.vector_load %arg6[%get3A_352, %get3A_353, %get3A_354] {strides = array<i32>} : memref<2x112x256xf32, #tpu.memory_space<vmem>>, vector<1x1x16xf32>,
        %get3A_356 = vector.shape_cast %get3A_355 : vector<1x1x16xf32> to vector<16xf32>
        %add3A_357 = arith.constant 1 : i32
        %add3A_358 = arith.addi %mul3A_219, %add3A_357 : i32
        %get3A_359 = arith.constant 0 : i32
        %get3A_360 = arith.index_cast %get3A_359 : i32 to index
        %get3A_361 = arith.index_cast %add3A_358 : i32 to index
        %get3A_362 = arith.constant 32 : index
        %get3A_363 = tpu.vector_load %arg6[%get3A_360, %get3A_361, %get3A_362] {strides = array<i32>} : memref<2x112x256xf32, #tpu.memory_space<vmem>>, vector<1x1x16xf32>,
        %get3A_364 = vector.shape_cast %get3A_363 : vector<1x1x16xf32> to vector<16xf32>
        %max3A_365 = arith.maximumf %get3A_356, %get3A_364 : vector<16xf32>
        %add3A_366 = arith.constant 2 : i32
        %add3A_367 = arith.addi %mul3A_219, %add3A_366 : i32
        %get3A_368 = arith.constant 0 : i32
        %get3A_369 = arith.index_cast %get3A_368 : i32 to index
        %get3A_370 = arith.index_cast %add3A_367 : i32 to index
        %get3A_371 = arith.constant 32 : index
        %get3A_372 = tpu.vector_load %arg6[%get3A_369, %get3A_370, %get3A_371] {strides = array<i32>} : memref<2x112x256xf32, #tpu.memory_space<vmem>>, vector<1x1x16xf32>,
        %get3A_373 = vector.shape_cast %get3A_372 : vector<1x1x16xf32> to vector<16xf32>
        %add3A_374 = arith.constant 3 : i32
        %add3A_375 = arith.addi %mul3A_219, %add3A_374 : i32
        %get3A_376 = arith.constant 0 : i32
        %get3A_377 = arith.index_cast %get3A_376 : i32 to index
        %get3A_378 = arith.index_cast %add3A_375 : i32 to index
        %get3A_379 = arith.constant 32 : index
        %get3A_380 = tpu.vector_load %arg6[%get3A_377, %get3A_378, %get3A_379] {strides = array<i32>} : memref<2x112x256xf32, #tpu.memory_space<vmem>>, vector<1x1x16xf32>,
        %get3A_381 = vector.shape_cast %get3A_380 : vector<1x1x16xf32> to vector<16xf32>
        %max3A_382 = arith.maximumf %get3A_373, %get3A_381 : vector<16xf32>
        %add3A_383 = arith.constant 4 : i32
        %add3A_384 = arith.addi %mul3A_219, %add3A_383 : i32
        %get3A_385 = arith.constant 0 : i32
        %get3A_386 = arith.index_cast %get3A_385 : i32 to index
        %get3A_387 = arith.index_cast %add3A_384 : i32 to index
        %get3A_388 = arith.constant 32 : index
        %get3A_389 = tpu.vector_load %arg6[%get3A_386, %get3A_387, %get3A_388] {strides = array<i32>} : memref<2x112x256xf32, #tpu.memory_space<vmem>>, vector<1x1x16xf32>,
        %get3A_390 = vector.shape_cast %get3A_389 : vector<1x1x16xf32> to vector<16xf32>
        %add3A_391 = arith.constant 5 : i32
        %add3A_392 = arith.addi %mul3A_219, %add3A_391 : i32
        %get3A_393 = arith.constant 0 : i32
        %get3A_394 = arith.index_cast %get3A_393 : i32 to index
        %get3A_395 = arith.index_cast %add3A_392 : i32 to index
        %get3A_396 = arith.constant 32 : index
        %get3A_397 = tpu.vector_load %arg6[%get3A_394, %get3A_395, %get3A_396] {strides = array<i32>} : memref<2x112x256xf32, #tpu.memory_space<vmem>>, vector<1x1x16xf32>,
        %get3A_398 = vector.shape_cast %get3A_397 : vector<1x1x16xf32> to vector<16xf32>
        %max3A_399 = arith.maximumf %get3A_390, %get3A_398 : vector<16xf32>
        %add3A_400 = arith.constant 96 : i32
        %add3A_401 = arith.addi %add3A_400, %scan3A_217 : i32
        %get3A_402 = arith.constant 0 : i32
        %get3A_403 = arith.index_cast %get3A_402 : i32 to index
        %get3A_404 = arith.index_cast %add3A_401 : i32 to index
        %get3A_405 = arith.constant 32 : index
        %get3A_406 = tpu.vector_load %arg6[%get3A_403, %get3A_404, %get3A_405] {strides = array<i32>} : memref<2x112x256xf32, #tpu.memory_space<vmem>>, vector<1x1x16xf32>,
        %get3A_407 = vector.shape_cast %get3A_406 : vector<1x1x16xf32> to vector<16xf32>
        %max3A_408 = arith.maximumf %max3A_399, %get3A_407 : vector<16xf32>
        %max3A_409 = arith.maximumf %max3A_365, %max3A_382 : vector<16xf32>
        %max3A_410 = arith.maximumf %max3A_409, %max3A_408 : vector<16xf32>
        %swap3A_411 = arith.constant 0 : i32
        %swap3A_412 = arith.index_cast %swap3A_411 : i32 to index
        %swap3A_413 = arith.index_cast %scan3A_217 : i32 to index
        %swap3A_414 = arith.constant 32 : index
        %swap3A_415 = tpu.vector_load %arg7[%swap3A_412, %swap3A_413, %swap3A_414] {strides = array<i32>} : memref<2x16x256xf32, #tpu.memory_space<vmem>>, vector<1x1x16xf32>,
        %swap3A_416 = vector.shape_cast %swap3A_415 : vector<1x1x16xf32> to vector<16xf32>
        %swap3A_417 = vector.shape_cast %max3A_410 : vector<16xf32> to vector<1x1x16xf32>
        tpu.vector_store %arg7[%swap3A_412, %swap3A_413, %swap3A_414], %swap3A_417 {strides = array<i32>} : memref<2x16x256xf32, #tpu.memory_space<vmem>>, vector<1x1x16xf32>,
        %get3A_418 = arith.constant 0 : i32
        %get3A_419 = arith.index_cast %get3A_418 : i32 to index
        %get3A_420 = arith.index_cast %mul3A_219 : i32 to index
        %get3A_421 = arith.constant 48 : index
        %get3A_422 = tpu.vector_load %arg6[%get3A_419, %get3A_420, %get3A_421] {strides = array<i32>} : memref<2x112x256xf32, #tpu.memory_space<vmem>>, vector<1x1x16xf32>,
        %get3A_423 = vector.shape_cast %get3A_422 : vector<1x1x16xf32> to vector<16xf32>
        %add3A_424 = arith.constant 1 : i32
        %add3A_425 = arith.addi %mul3A_219, %add3A_424 : i32
        %get3A_426 = arith.constant 0 : i32
        %get3A_427 = arith.index_cast %get3A_426 : i32 to index
        %get3A_428 = arith.index_cast %add3A_425 : i32 to index
        %get3A_429 = arith.constant 48 : index
        %get3A_430 = tpu.vector_load %arg6[%get3A_427, %get3A_428, %get3A_429] {strides = array<i32>} : memref<2x112x256xf32, #tpu.memory_space<vmem>>, vector<1x1x16xf32>,
        %get3A_431 = vector.shape_cast %get3A_430 : vector<1x1x16xf32> to vector<16xf32>
        %max3A_432 = arith.maximumf %get3A_423, %get3A_431 : vector<16xf32>
        %add3A_433 = arith.constant 2 : i32
        %add3A_434 = arith.addi %mul3A_219, %add3A_433 : i32
        %get3A_435 = arith.constant 0 : i32
        %get3A_436 = arith.index_cast %get3A_435 : i32 to index
        %get3A_437 = arith.index_cast %add3A_434 : i32 to index
        %get3A_438 = arith.constant 48 : index
        %get3A_439 = tpu.vector_load %arg6[%get3A_436, %get3A_437, %get3A_438] {strides = array<i32>} : memref<2x112x256xf32, #tpu.memory_space<vmem>>, vector<1x1x16xf32>,
        %get3A_440 = vector.shape_cast %get3A_439 : vector<1x1x16xf32> to vector<16xf32>
        %add3A_441 = arith.constant 3 : i32
        %add3A_442 = arith.addi %mul3A_219, %add3A_441 : i32
        %get3A_443 = arith.constant 0 : i32
        %get3A_444 = arith.index_cast %get3A_443 : i32 to index
        %get3A_445 = arith.index_cast %add3A_442 : i32 to index
        %get3A_446 = arith.constant 48 : index
        %get3A_447 = tpu.vector_load %arg6[%get3A_444, %get3A_445, %get3A_446] {strides = array<i32>} : memref<2x112x256xf32, #tpu.memory_space<vmem>>, vector<1x1x16xf32>,
        %get3A_448 = vector.shape_cast %get3A_447 : vector<1x1x16xf32> to vector<16xf32>
        %max3A_449 = arith.maximumf %get3A_440, %get3A_448 : vector<16xf32>
        %add3A_450 = arith.constant 4 : i32
        %add3A_451 = arith.addi %mul3A_219, %add3A_450 : i32
        %get3A_452 = arith.constant 0 : i32
        %get3A_453 = arith.index_cast %get3A_452 : i32 to index
        %get3A_454 = arith.index_cast %add3A_451 : i32 to index
        %get3A_455 = arith.constant 48 : index
        %get3A_456 = tpu.vector_load %arg6[%get3A_453, %get3A_454, %get3A_455] {strides = array<i32>} : memref<2x112x256xf32, #tpu.memory_space<vmem>>, vector<1x1x16xf32>,
        %get3A_457 = vector.shape_cast %get3A_456 : vector<1x1x16xf32> to vector<16xf32>
        %add3A_458 = arith.constant 5 : i32
        %add3A_459 = arith.addi %mul3A_219, %add3A_458 : i32
        %get3A_460 = arith.constant 0 : i32
        %get3A_461 = arith.index_cast %get3A_460 : i32 to index
        %get3A_462 = arith.index_cast %add3A_459 : i32 to index
        %get3A_463 = arith.constant 48 : index
        %get3A_464 = tpu.vector_load %arg6[%get3A_461, %get3A_462, %get3A_463] {strides = array<i32>} : memref<2x112x256xf32, #tpu.memory_space<vmem>>, vector<1x1x16xf32>,
        %get3A_465 = vector.shape_cast %get3A_464 : vector<1x1x16xf32> to vector<16xf32>
        %max3A_466 = arith.maximumf %get3A_457, %get3A_465 : vector<16xf32>
        %add3A_467 = arith.constant 96 : i32
        %add3A_468 = arith.addi %add3A_467, %scan3A_217 : i32
        %get3A_469 = arith.constant 0 : i32
        %get3A_470 = arith.index_cast %get3A_469 : i32 to index
        %get3A_471 = arith.index_cast %add3A_468 : i32 to index
        %get3A_472 = arith.constant 48 : index
        %get3A_473 = tpu.vector_load %arg6[%get3A_470, %get3A_471, %get3A_472] {strides = array<i32>} : memref<2x112x256xf32, #tpu.memory_space<vmem>>, vector<1x1x16xf32>,
        %get3A_474 = vector.shape_cast %get3A_473 : vector<1x1x16xf32> to vector<16xf32>
        %max3A_475 = arith.maximumf %max3A_466, %get3A_474 : vector<16xf32>
        %max3A_476 = arith.maximumf %max3A_432, %max3A_449 : vector<16xf32>
        %max3A_477 = arith.maximumf %max3A_476, %max3A_475 : vector<16xf32>
        %swap3A_478 = arith.constant 0 : i32
        %swap3A_479 = arith.index_cast %swap3A_478 : i32 to index
        %swap3A_480 = arith.index_cast %scan3A_217 : i32 to index
        %swap3A_481 = arith.constant 48 : index
        %swap3A_482 = tpu.vector_load %arg7[%swap3A_479, %swap3A_480, %swap3A_481] {strides = array<i32>} : memref<2x16x256xf32, #tpu.memory_space<vmem>>, vector<1x1x16xf32>,
        %swap3A_483 = vector.shape_cast %swap3A_482 : vector<1x1x16xf32> to vector<16xf32>
        %swap3A_484 = vector.shape_cast %max3A_477 : vector<16xf32> to vector<1x1x16xf32>
        tpu.vector_store %arg7[%swap3A_479, %swap3A_480, %swap3A_481], %swap3A_484 {strides = array<i32>} : memref<2x16x256xf32, #tpu.memory_space<vmem>>, vector<1x1x16xf32>,
        %get3A_485 = arith.constant 0 : i32
        %get3A_486 = arith.index_cast %get3A_485 : i32 to index
        %get3A_487 = arith.index_cast %mul3A_219 : i32 to index
        %get3A_488 = arith.constant 64 : index
        %get3A_489 = tpu.vector_load %arg6[%get3A_486, %get3A_487, %get3A_488] {strides = array<i32>} : memref<2x112x256xf32, #tpu.memory_space<vmem>>, vector<1x1x16xf32>,
        %get3A_490 = vector.shape_cast %get3A_489 : vector<1x1x16xf32> to vector<16xf32>
        %add3A_491 = arith.constant 1 : i32
        %add3A_492 = arith.addi %mul3A_219, %add3A_491 : i32
        %get3A_493 = arith.constant 0 : i32
        %get3A_494 = arith.index_cast %get3A_493 : i32 to index
        %get3A_495 = arith.index_cast %add3A_492 : i32 to index
        %get3A_496 = arith.constant 64 : index
        %get3A_497 = tpu.vector_load %arg6[%get3A_494, %get3A_495, %get3A_496] {strides = array<i32>} : memref<2x112x256xf32, #tpu.memory_space<vmem>>, vector<1x1x16xf32>,
        %get3A_498 = vector.shape_cast %get3A_497 : vector<1x1x16xf32> to vector<16xf32>
        %max3A_499 = arith.maximumf %get3A_490, %get3A_498 : vector<16xf32>
        %add3A_500 = arith.constant 2 : i32
        %add3A_501 = arith.addi %mul3A_219, %add3A_500 : i32
        %get3A_502 = arith.constant 0 : i32
        %get3A_503 = arith.index_cast %get3A_502 : i32 to index
        %get3A_504 = arith.index_cast %add3A_501 : i32 to index
        %get3A_505 = arith.constant 64 : index
        %get3A_506 = tpu.vector_load %arg6[%get3A_503, %get3A_504, %get3A_505] {strides = array<i32>} : memref<2x112x256xf32, #tpu.memory_space<vmem>>, vector<1x1x16xf32>,
        %get3A_507 = vector.shape_cast %get3A_506 : vector<1x1x16xf32> to vector<16xf32>
        %add3A_508 = arith.constant 3 : i32
        %add3A_509 = arith.addi %mul3A_219, %add3A_508 : i32
        %get3A_510 = arith.constant 0 : i32
        %get3A_511 = arith.index_cast %get3A_510 : i32 to index
        %get3A_512 = arith.index_cast %add3A_509 : i32 to index
        %get3A_513 = arith.constant 64 : index
        %get3A_514 = tpu.vector_load %arg6[%get3A_511, %get3A_512, %get3A_513] {strides = array<i32>} : memref<2x112x256xf32, #tpu.memory_space<vmem>>, vector<1x1x16xf32>,
        %get3A_515 = vector.shape_cast %get3A_514 : vector<1x1x16xf32> to vector<16xf32>
        %max3A_516 = arith.maximumf %get3A_507, %get3A_515 : vector<16xf32>
        %add3A_517 = arith.constant 4 : i32
        %add3A_518 = arith.addi %mul3A_219, %add3A_517 : i32
        %get3A_519 = arith.constant 0 : i32
        %get3A_520 = arith.index_cast %get3A_519 : i32 to index
        %get3A_521 = arith.index_cast %add3A_518 : i32 to index
        %get3A_522 = arith.constant 64 : index
        %get3A_523 = tpu.vector_load %arg6[%get3A_520, %get3A_521, %get3A_522] {strides = array<i32>} : memref<2x112x256xf32, #tpu.memory_space<vmem>>, vector<1x1x16xf32>,
        %get3A_524 = vector.shape_cast %get3A_523 : vector<1x1x16xf32> to vector<16xf32>
        %add3A_525 = arith.constant 5 : i32
        %add3A_526 = arith.addi %mul3A_219, %add3A_525 : i32
        %get3A_527 = arith.constant 0 : i32
        %get3A_528 = arith.index_cast %get3A_527 : i32 to index
        %get3A_529 = arith.index_cast %add3A_526 : i32 to index
        %get3A_530 = arith.constant 64 : index
        %get3A_531 = tpu.vector_load %arg6[%get3A_528, %get3A_529, %get3A_530] {strides = array<i32>} : memref<2x112x256xf32, #tpu.memory_space<vmem>>, vector<1x1x16xf32>,
        %get3A_532 = vector.shape_cast %get3A_531 : vector<1x1x16xf32> to vector<16xf32>
        %max3A_533 = arith.maximumf %get3A_524, %get3A_532 : vector<16xf32>
        %add3A_534 = arith.constant 96 : i32
        %add3A_535 = arith.addi %add3A_534, %scan3A_217 : i32
        %get3A_536 = arith.constant 0 : i32
        %get3A_537 = arith.index_cast %get3A_536 : i32 to index
        %get3A_538 = arith.index_cast %add3A_535 : i32 to index
        %get3A_539 = arith.constant 64 : index
        %get3A_540 = tpu.vector_load %arg6[%get3A_537, %get3A_538, %get3A_539] {strides = array<i32>} : memref<2x112x256xf32, #tpu.memory_space<vmem>>, vector<1x1x16xf32>,
        %get3A_541 = vector.shape_cast %get3A_540 : vector<1x1x16xf32> to vector<16xf32>
        %max3A_542 = arith.maximumf %max3A_533, %get3A_541 : vector<16xf32>
        %max3A_543 = arith.maximumf %max3A_499, %max3A_516 : vector<16xf32>
        %max3A_544 = arith.maximumf %max3A_543, %max3A_542 : vector<16xf32>
        %swap3A_545 = arith.constant 0 : i32
        %swap3A_546 = arith.index_cast %swap3A_545 : i32 to index
        %swap3A_547 = arith.index_cast %scan3A_217 : i32 to index
        %swap3A_548 = arith.constant 64 : index
        %swap3A_549 = tpu.vector_load %arg7[%swap3A_546, %swap3A_547, %swap3A_548] {strides = array<i32>} : memref<2x16x256xf32, #tpu.memory_space<vmem>>, vector<1x1x16xf32>,
        %swap3A_550 = vector.shape_cast %swap3A_549 : vector<1x1x16xf32> to vector<16xf32>
        %swap3A_551 = vector.shape_cast %max3A_544 : vector<16xf32> to vector<1x1x16xf32>
        tpu.vector_store %arg7[%swap3A_546, %swap3A_547, %swap3A_548], %swap3A_551 {strides = array<i32>} : memref<2x16x256xf32, #tpu.memory_space<vmem>>, vector<1x1x16xf32>,
        %get3A_552 = arith.constant 0 : i32
        %get3A_553 = arith.index_cast %get3A_552 : i32 to index
        %get3A_554 = arith.index_cast %mul3A_219 : i32 to index
        %get3A_555 = arith.constant 80 : index
        %get3A_556 = tpu.vector_load %arg6[%get3A_553, %get3A_554, %get3A_555] {strides = array<i32>} : memref<2x112x256xf32, #tpu.memory_space<vmem>>, vector<1x1x16xf32>,
        %get3A_557 = vector.shape_cast %get3A_556 : vector<1x1x16xf32> to vector<16xf32>
        %add3A_558 = arith.constant 1 : i32
        %add3A_559 = arith.addi %mul3A_219, %add3A_558 : i32
        %get3A_560 = arith.constant 0 : i32
        %get3A_561 = arith.index_cast %get3A_560 : i32 to index
        %get3A_562 = arith.index_cast %add3A_559 : i32 to index
        %get3A_563 = arith.constant 80 : index
        %get3A_564 = tpu.vector_load %arg6[%get3A_561, %get3A_562, %get3A_563] {strides = array<i32>} : memref<2x112x256xf32, #tpu.memory_space<vmem>>, vector<1x1x16xf32>,
        %get3A_565 = vector.shape_cast %get3A_564 : vector<1x1x16xf32> to vector<16xf32>
        %max3A_566 = arith.maximumf %get3A_557, %get3A_565 : vector<16xf32>
        %add3A_567 = arith.constant 2 : i32
        %add3A_568 = arith.addi %mul3A_219, %add3A_567 : i32
        %get3A_569 = arith.constant 0 : i32
        %get3A_570 = arith.index_cast %get3A_569 : i32 to index
        %get3A_571 = arith.index_cast %add3A_568 : i32 to index
        %get3A_572 = arith.constant 80 : index
        %get3A_573 = tpu.vector_load %arg6[%get3A_570, %get3A_571, %get3A_572] {strides = array<i32>} : memref<2x112x256xf32, #tpu.memory_space<vmem>>, vector<1x1x16xf32>,
        %get3A_574 = vector.shape_cast %get3A_573 : vector<1x1x16xf32> to vector<16xf32>
        %add3A_575 = arith.constant 3 : i32
        %add3A_576 = arith.addi %mul3A_219, %add3A_575 : i32
        %get3A_577 = arith.constant 0 : i32
        %get3A_578 = arith.index_cast %get3A_577 : i32 to index
        %get3A_579 = arith.index_cast %add3A_576 : i32 to index
        %get3A_580 = arith.constant 80 : index
        %get3A_581 = tpu.vector_load %arg6[%get3A_578, %get3A_579, %get3A_580] {strides = array<i32>} : memref<2x112x256xf32, #tpu.memory_space<vmem>>, vector<1x1x16xf32>,
        %get3A_582 = vector.shape_cast %get3A_581 : vector<1x1x16xf32> to vector<16xf32>
        %max3A_583 = arith.maximumf %get3A_574, %get3A_582 : vector<16xf32>
        %add3A_584 = arith.constant 4 : i32
        %add3A_585 = arith.addi %mul3A_219, %add3A_584 : i32
        %get3A_586 = arith.constant 0 : i32
        %get3A_587 = arith.index_cast %get3A_586 : i32 to index
        %get3A_588 = arith.index_cast %add3A_585 : i32 to index
        %get3A_589 = arith.constant 80 : index
        %get3A_590 = tpu.vector_load %arg6[%get3A_587, %get3A_588, %get3A_589] {strides = array<i32>} : memref<2x112x256xf32, #tpu.memory_space<vmem>>, vector<1x1x16xf32>,
        %get3A_591 = vector.shape_cast %get3A_590 : vector<1x1x16xf32> to vector<16xf32>
        %add3A_592 = arith.constant 5 : i32
        %add3A_593 = arith.addi %mul3A_219, %add3A_592 : i32
        %get3A_594 = arith.constant 0 : i32
        %get3A_595 = arith.index_cast %get3A_594 : i32 to index
        %get3A_596 = arith.index_cast %add3A_593 : i32 to index
        %get3A_597 = arith.constant 80 : index
        %get3A_598 = tpu.vector_load %arg6[%get3A_595, %get3A_596, %get3A_597] {strides = array<i32>} : memref<2x112x256xf32, #tpu.memory_space<vmem>>, vector<1x1x16xf32>,
        %get3A_599 = vector.shape_cast %get3A_598 : vector<1x1x16xf32> to vector<16xf32>
        %max3A_600 = arith.maximumf %get3A_591, %get3A_599 : vector<16xf32>
        %add3A_601 = arith.constant 96 : i32
        %add3A_602 = arith.addi %add3A_601, %scan3A_217 : i32
        %get3A_603 = arith.constant 0 : i32
        %get3A_604 = arith.index_cast %get3A_603 : i32 to index
        %get3A_605 = arith.index_cast %add3A_602 : i32 to index
        %get3A_606 = arith.constant 80 : index
        %get3A_607 = tpu.vector_load %arg6[%get3A_604, %get3A_605, %get3A_606] {strides = array<i32>} : memref<2x112x256xf32, #tpu.memory_space<vmem>>, vector<1x1x16xf32>,
        %get3A_608 = vector.shape_cast %get3A_607 : vector<1x1x16xf32> to vector<16xf32>
        %max3A_609 = arith.maximumf %max3A_600, %get3A_608 : vector<16xf32>
        %max3A_610 = arith.maximumf %max3A_566, %max3A_583 : vector<16xf32>
        %max3A_611 = arith.maximumf %max3A_610, %max3A_609 : vector<16xf32>
        %swap3A_612 = arith.constant 0 : i32
        %swap3A_613 = arith.index_cast %swap3A_612 : i32 to index
        %swap3A_614 = arith.index_cast %scan3A_217 : i32 to index
        %swap3A_615 = arith.constant 80 : index
        %swap3A_616 = tpu.vector_load %arg7[%swap3A_613, %swap3A_614, %swap3A_615] {strides = array<i32>} : memref<2x16x256xf32, #tpu.memory_space<vmem>>, vector<1x1x16xf32>,
        %swap3A_617 = vector.shape_cast %swap3A_616 : vector<1x1x16xf32> to vector<16xf32>
        %swap3A_618 = vector.shape_cast %max3A_611 : vector<16xf32> to vector<1x1x16xf32>
        tpu.vector_store %arg7[%swap3A_613, %swap3A_614, %swap3A_615], %swap3A_618 {strides = array<i32>} : memref<2x16x256xf32, #tpu.memory_space<vmem>>, vector<1x1x16xf32>,
        %get3A_619 = arith.constant 0 : i32
        %get3A_620 = arith.index_cast %get3A_619 : i32 to index
        %get3A_621 = arith.index_cast %mul3A_219 : i32 to index
        %get3A_622 = arith.constant 96 : index
        %get3A_623 = tpu.vector_load %arg6[%get3A_620, %get3A_621, %get3A_622] {strides = array<i32>} : memref<2x112x256xf32, #tpu.memory_space<vmem>>, vector<1x1x16xf32>,
        %get3A_624 = vector.shape_cast %get3A_623 : vector<1x1x16xf32> to vector<16xf32>
        %add3A_625 = arith.constant 1 : i32
        %add3A_626 = arith.addi %mul3A_219, %add3A_625 : i32
        %get3A_627 = arith.constant 0 : i32
        %get3A_628 = arith.index_cast %get3A_627 : i32 to index
        %get3A_629 = arith.index_cast %add3A_626 : i32 to index
        %get3A_630 = arith.constant 96 : index
        %get3A_631 = tpu.vector_load %arg6[%get3A_628, %get3A_629, %get3A_630] {strides = array<i32>} : memref<2x112x256xf32, #tpu.memory_space<vmem>>, vector<1x1x16xf32>,
        %get3A_632 = vector.shape_cast %get3A_631 : vector<1x1x16xf32> to vector<16xf32>
        %max3A_633 = arith.maximumf %get3A_624, %get3A_632 : vector<16xf32>
        %add3A_634 = arith.constant 2 : i32
        %add3A_635 = arith.addi %mul3A_219, %add3A_634 : i32
        %get3A_636 = arith.constant 0 : i32
        %get3A_637 = arith.index_cast %get3A_636 : i32 to index
        %get3A_638 = arith.index_cast %add3A_635 : i32 to index
        %get3A_639 = arith.constant 96 : index
        %get3A_640 = tpu.vector_load %arg6[%get3A_637, %get3A_638, %get3A_639] {strides = array<i32>} : memref<2x112x256xf32, #tpu.memory_space<vmem>>, vector<1x1x16xf32>,
        %get3A_641 = vector.shape_cast %get3A_640 : vector<1x1x16xf32> to vector<16xf32>
        %add3A_642 = arith.constant 3 : i32
        %add3A_643 = arith.addi %mul3A_219, %add3A_642 : i32
        %get3A_644 = arith.constant 0 : i32
        %get3A_645 = arith.index_cast %get3A_644 : i32 to index
        %get3A_646 = arith.index_cast %add3A_643 : i32 to index
        %get3A_647 = arith.constant 96 : index
        %get3A_648 = tpu.vector_load %arg6[%get3A_645, %get3A_646, %get3A_647] {strides = array<i32>} : memref<2x112x256xf32, #tpu.memory_space<vmem>>, vector<1x1x16xf32>,
        %get3A_649 = vector.shape_cast %get3A_648 : vector<1x1x16xf32> to vector<16xf32>
        %max3A_650 = arith.maximumf %get3A_641, %get3A_649 : vector<16xf32>
        %add3A_651 = arith.constant 4 : i32
        %add3A_652 = arith.addi %mul3A_219, %add3A_651 : i32
        %get3A_653 = arith.constant 0 : i32
        %get3A_654 = arith.index_cast %get3A_653 : i32 to index
        %get3A_655 = arith.index_cast %add3A_652 : i32 to index
        %get3A_656 = arith.constant 96 : index
        %get3A_657 = tpu.vector_load %arg6[%get3A_654, %get3A_655, %get3A_656] {strides = array<i32>} : memref<2x112x256xf32, #tpu.memory_space<vmem>>, vector<1x1x16xf32>,
        %get3A_658 = vector.shape_cast %get3A_657 : vector<1x1x16xf32> to vector<16xf32>
        %add3A_659 = arith.constant 5 : i32
        %add3A_660 = arith.addi %mul3A_219, %add3A_659 : i32
        %get3A_661 = arith.constant 0 : i32
        %get3A_662 = arith.index_cast %get3A_661 : i32 to index
        %get3A_663 = arith.index_cast %add3A_660 : i32 to index
        %get3A_664 = arith.constant 96 : index
        %get3A_665 = tpu.vector_load %arg6[%get3A_662, %get3A_663, %get3A_664] {strides = array<i32>} : memref<2x112x256xf32, #tpu.memory_space<vmem>>, vector<1x1x16xf32>,
        %get3A_666 = vector.shape_cast %get3A_665 : vector<1x1x16xf32> to vector<16xf32>
        %max3A_667 = arith.maximumf %get3A_658, %get3A_666 : vector<16xf32>
        %add3A_668 = arith.constant 96 : i32
        %add3A_669 = arith.addi %add3A_668, %scan3A_217 : i32
        %get3A_670 = arith.constant 0 : i32
        %get3A_671 = arith.index_cast %get3A_670 : i32 to index
        %get3A_672 = arith.index_cast %add3A_669 : i32 to index
        %get3A_673 = arith.constant 96 : index
        %get3A_674 = tpu.vector_load %arg6[%get3A_671, %get3A_672, %get3A_673] {strides = array<i32>} : memref<2x112x256xf32, #tpu.memory_space<vmem>>, vector<1x1x16xf32>,
        %get3A_675 = vector.shape_cast %get3A_674 : vector<1x1x16xf32> to vector<16xf32>
        %max3A_676 = arith.maximumf %max3A_667, %get3A_675 : vector<16xf32>
        %max3A_677 = arith.maximumf %max3A_633, %max3A_650 : vector<16xf32>
        %max3A_678 = arith.maximumf %max3A_677, %max3A_676 : vector<16xf32>
        %swap3A_679 = arith.constant 0 : i32
        %swap3A_680 = arith.index_cast %swap3A_679 : i32 to index
        %swap3A_681 = arith.index_cast %scan3A_217 : i32 to index
        %swap3A_682 = arith.constant 96 : index
        %swap3A_683 = tpu.vector_load %arg7[%swap3A_680, %swap3A_681, %swap3A_682] {strides = array<i32>} : memref<2x16x256xf32, #tpu.memory_space<vmem>>, vector<1x1x16xf32>,
        %swap3A_684 = vector.shape_cast %swap3A_683 : vector<1x1x16xf32> to vector<16xf32>
        %swap3A_685 = vector.shape_cast %max3A_678 : vector<16xf32> to vector<1x1x16xf32>
        tpu.vector_store %arg7[%swap3A_680, %swap3A_681, %swap3A_682], %swap3A_685 {strides = array<i32>} : memref<2x16x256xf32, #tpu.memory_space<vmem>>, vector<1x1x16xf32>,
        %get3A_686 = arith.constant 0 : i32
        %get3A_687 = arith.index_cast %get3A_686 : i32 to index
        %get3A_688 = arith.index_cast %mul3A_219 : i32 to index
        %get3A_689 = arith.constant 112 : index
        %get3A_690 = tpu.vector_load %arg6[%get3A_687, %get3A_688, %get3A_689] {strides = array<i32>} : memref<2x112x256xf32, #tpu.memory_space<vmem>>, vector<1x1x16xf32>,
        %get3A_691 = vector.shape_cast %get3A_690 : vector<1x1x16xf32> to vector<16xf32>
        %add3A_692 = arith.constant 1 : i32
        %add3A_693 = arith.addi %mul3A_219, %add3A_692 : i32
        %get3A_694 = arith.constant 0 : i32
        %get3A_695 = arith.index_cast %get3A_694 : i32 to index
        %get3A_696 = arith.index_cast %add3A_693 : i32 to index
        %get3A_697 = arith.constant 112 : index
        %get3A_698 = tpu.vector_load %arg6[%get3A_695, %get3A_696, %get3A_697] {strides = array<i32>} : memref<2x112x256xf32, #tpu.memory_space<vmem>>, vector<1x1x16xf32>,
        %get3A_699 = vector.shape_cast %get3A_698 : vector<1x1x16xf32> to vector<16xf32>
        %max3A_700 = arith.maximumf %get3A_691, %get3A_699 : vector<16xf32>
        %add3A_701 = arith.constant 2 : i32
        %add3A_702 = arith.addi %mul3A_219, %add3A_701 : i32
        %get3A_703 = arith.constant 0 : i32
        %get3A_704 = arith.index_cast %get3A_703 : i32 to index
        %get3A_705 = arith.index_cast %add3A_702 : i32 to index
        %get3A_706 = arith.constant 112 : index
        %get3A_707 = tpu.vector_load %arg6[%get3A_704, %get3A_705, %get3A_706] {strides = array<i32>} : memref<2x112x256xf32, #tpu.memory_space<vmem>>, vector<1x1x16xf32>,
        %get3A_708 = vector.shape_cast %get3A_707 : vector<1x1x16xf32> to vector<16xf32>
        %add3A_709 = arith.constant 3 : i32
        %add3A_710 = arith.addi %mul3A_219, %add3A_709 : i32
        %get3A_711 = arith.constant 0 : i32
        %get3A_712 = arith.index_cast %get3A_711 : i32 to index
        %get3A_713 = arith.index_cast %add3A_710 : i32 to index
        %get3A_714 = arith.constant 112 : index
        %get3A_715 = tpu.vector_load %arg6[%get3A_712, %get3A_713, %get3A_714] {strides = array<i32>} : memref<2x112x256xf32, #tpu.memory_space<vmem>>, vector<1x1x16xf32>,
        %get3A_716 = vector.shape_cast %get3A_715 : vector<1x1x16xf32> to vector<16xf32>
        %max3A_717 = arith.maximumf %get3A_708, %get3A_716 : vector<16xf32>
        %add3A_718 = arith.constant 4 : i32
        %add3A_719 = arith.addi %mul3A_219, %add3A_718 : i32
        %get3A_720 = arith.constant 0 : i32
        %get3A_721 = arith.index_cast %get3A_720 : i32 to index
        %get3A_722 = arith.index_cast %add3A_719 : i32 to index
        %get3A_723 = arith.constant 112 : index
        %get3A_724 = tpu.vector_load %arg6[%get3A_721, %get3A_722, %get3A_723] {strides = array<i32>} : memref<2x112x256xf32, #tpu.memory_space<vmem>>, vector<1x1x16xf32>,
        %get3A_725 = vector.shape_cast %get3A_724 : vector<1x1x16xf32> to vector<16xf32>
        %add3A_726 = arith.constant 5 : i32
        %add3A_727 = arith.addi %mul3A_219, %add3A_726 : i32
        %get3A_728 = arith.constant 0 : i32
        %get3A_729 = arith.index_cast %get3A_728 : i32 to index
        %get3A_730 = arith.index_cast %add3A_727 : i32 to index
        %get3A_731 = arith.constant 112 : index
        %get3A_732 = tpu.vector_load %arg6[%get3A_729, %get3A_730, %get3A_731] {strides = array<i32>} : memref<2x112x256xf32, #tpu.memory_space<vmem>>, vector<1x1x16xf32>,
        %get3A_733 = vector.shape_cast %get3A_732 : vector<1x1x16xf32> to vector<16xf32>
        %max3A_734 = arith.maximumf %get3A_725, %get3A_733 : vector<16xf32>
        %add3A_735 = arith.constant 96 : i32
        %add3A_736 = arith.addi %add3A_735, %scan3A_217 : i32
        %get3A_737 = arith.constant 0 : i32
        %get3A_738 = arith.index_cast %get3A_737 : i32 to index
        %get3A_739 = arith.index_cast %add3A_736 : i32 to index
        %get3A_740 = arith.constant 112 : index
        %get3A_741 = tpu.vector_load %arg6[%get3A_738, %get3A_739, %get3A_740] {strides = array<i32>} : memref<2x112x256xf32, #tpu.memory_space<vmem>>, vector<1x1x16xf32>,
        %get3A_742 = vector.shape_cast %get3A_741 : vector<1x1x16xf32> to vector<16xf32>
        %max3A_743 = arith.maximumf %max3A_734, %get3A_742 : vector<16xf32>
        %max3A_744 = arith.maximumf %max3A_700, %max3A_717 : vector<16xf32>
        %max3A_745 = arith.maximumf %max3A_744, %max3A_743 : vector<16xf32>
        %swap3A_746 = arith.constant 0 : i32
        %swap3A_747 = arith.index_cast %swap3A_746 : i32 to index
        %swap3A_748 = arith.index_cast %scan3A_217 : i32 to index
        %swap3A_749 = arith.constant 112 : index
        %swap3A_750 = tpu.vector_load %arg7[%swap3A_747, %swap3A_748, %swap3A_749] {strides = array<i32>} : memref<2x16x256xf32, #tpu.memory_space<vmem>>, vector<1x1x16xf32>,
        %swap3A_751 = vector.shape_cast %swap3A_750 : vector<1x1x16xf32> to vector<16xf32>
        %swap3A_752 = vector.shape_cast %max3A_745 : vector<16xf32> to vector<1x1x16xf32>
        tpu.vector_store %arg7[%swap3A_747, %swap3A_748, %swap3A_749], %swap3A_752 {strides = array<i32>} : memref<2x16x256xf32, #tpu.memory_space<vmem>>, vector<1x1x16xf32>,
        %get3A_753 = arith.constant 0 : i32
        %get3A_754 = arith.index_cast %get3A_753 : i32 to index
        %get3A_755 = arith.index_cast %mul3A_219 : i32 to index
        %get3A_756 = arith.constant 128 : index
        %get3A_757 = tpu.vector_load %arg6[%get3A_754, %get3A_755, %get3A_756] {strides = array<i32>} : memref<2x112x256xf32, #tpu.memory_space<vmem>>, vector<1x1x16xf32>,
        %get3A_758 = vector.shape_cast %get3A_757 : vector<1x1x16xf32> to vector<16xf32>
        %add3A_759 = arith.constant 1 : i32
        %add3A_760 = arith.addi %mul3A_219, %add3A_759 : i32
        %get3A_761 = arith.constant 0 : i32
        %get3A_762 = arith.index_cast %get3A_761 : i32 to index
        %get3A_763 = arith.index_cast %add3A_760 : i32 to index
        %get3A_764 = arith.constant 128 : index
        %get3A_765 = tpu.vector_load %arg6[%get3A_762, %get3A_763, %get3A_764] {strides = array<i32>} : memref<2x112x256xf32, #tpu.memory_space<vmem>>, vector<1x1x16xf32>,
        %get3A_766 = vector.shape_cast %get3A_765 : vector<1x1x16xf32> to vector<16xf32>
        %max3A_767 = arith.maximumf %get3A_758, %get3A_766 : vector<16xf32>
        %add3A_768 = arith.constant 2 : i32
        %add3A_769 = arith.addi %mul3A_219, %add3A_768 : i32
        %get3A_770 = arith.constant 0 : i32
        %get3A_771 = arith.index_cast %get3A_770 : i32 to index
        %get3A_772 = arith.index_cast %add3A_769 : i32 to index
        %get3A_773 = arith.constant 128 : index
        %get3A_774 = tpu.vector_load %arg6[%get3A_771, %get3A_772, %get3A_773] {strides = array<i32>} : memref<2x112x256xf32, #tpu.memory_space<vmem>>, vector<1x1x16xf32>,
        %get3A_775 = vector.shape_cast %get3A_774 : vector<1x1x16xf32> to vector<16xf32>
        %add3A_776 = arith.constant 3 : i32
        %add3A_777 = arith.addi %mul3A_219, %add3A_776 : i32
        %get3A_778 = arith.constant 0 : i32
        %get3A_779 = arith.index_cast %get3A_778 : i32 to index
        %get3A_780 = arith.index_cast %add3A_777 : i32 to index
        %get3A_781 = arith.constant 128 : index
        %get3A_782 = tpu.vector_load %arg6[%get3A_779, %get3A_780, %get3A_781] {strides = array<i32>} : memref<2x112x256xf32, #tpu.memory_space<vmem>>, vector<1x1x16xf32>,
        %get3A_783 = vector.shape_cast %get3A_782 : vector<1x1x16xf32> to vector<16xf32>
        %max3A_784 = arith.maximumf %get3A_775, %get3A_783 : vector<16xf32>
        %add3A_785 = arith.constant 4 : i32
        %add3A_786 = arith.addi %mul3A_219, %add3A_785 : i32
        %get3A_787 = arith.constant 0 : i32
        %get3A_788 = arith.index_cast %get3A_787 : i32 to index
        %get3A_789 = arith.index_cast %add3A_786 : i32 to index
        %get3A_790 = arith.constant 128 : index
        %get3A_791 = tpu.vector_load %arg6[%get3A_788, %get3A_789, %get3A_790] {strides = array<i32>} : memref<2x112x256xf32, #tpu.memory_space<vmem>>, vector<1x1x16xf32>,
        %get3A_792 = vector.shape_cast %get3A_791 : vector<1x1x16xf32> to vector<16xf32>
        %add3A_793 = arith.constant 5 : i32
        %add3A_794 = arith.addi %mul3A_219, %add3A_793 : i32
        %get3A_795 = arith.constant 0 : i32
        %get3A_796 = arith.index_cast %get3A_795 : i32 to index
        %get3A_797 = arith.index_cast %add3A_794 : i32 to index
        %get3A_798 = arith.constant 128 : index
        %get3A_799 = tpu.vector_load %arg6[%get3A_796, %get3A_797, %get3A_798] {strides = array<i32>} : memref<2x112x256xf32, #tpu.memory_space<vmem>>, vector<1x1x16xf32>,
        %get3A_800 = vector.shape_cast %get3A_799 : vector<1x1x16xf32> to vector<16xf32>
        %max3A_801 = arith.maximumf %get3A_792, %get3A_800 : vector<16xf32>
        %add3A_802 = arith.constant 96 : i32
        %add3A_803 = arith.addi %add3A_802, %scan3A_217 : i32
        %get3A_804 = arith.constant 0 : i32
        %get3A_805 = arith.index_cast %get3A_804 : i32 to index
        %get3A_806 = arith.index_cast %add3A_803 : i32 to index
        %get3A_807 = arith.constant 128 : index
        %get3A_808 = tpu.vector_load %arg6[%get3A_805, %get3A_806, %get3A_807] {strides = array<i32>} : memref<2x112x256xf32, #tpu.memory_space<vmem>>, vector<1x1x16xf32>,
        %get3A_809 = vector.shape_cast %get3A_808 : vector<1x1x16xf32> to vector<16xf32>
        %max3A_810 = arith.maximumf %max3A_801, %get3A_809 : vector<16xf32>
        %max3A_811 = arith.maximumf %max3A_767, %max3A_784 : vector<16xf32>
        %max3A_812 = arith.maximumf %max3A_811, %max3A_810 : vector<16xf32>
        %swap3A_813 = arith.constant 0 : i32
        %swap3A_814 = arith.index_cast %swap3A_813 : i32 to index
        %swap3A_815 = arith.index_cast %scan3A_217 : i32 to index
        %swap3A_816 = arith.constant 128 : index
        %swap3A_817 = tpu.vector_load %arg7[%swap3A_814, %swap3A_815, %swap3A_816] {strides = array<i32>} : memref<2x16x256xf32, #tpu.memory_space<vmem>>, vector<1x1x16xf32>,
        %swap3A_818 = vector.shape_cast %swap3A_817 : vector<1x1x16xf32> to vector<16xf32>
        %swap3A_819 = vector.shape_cast %max3A_812 : vector<16xf32> to vector<1x1x16xf32>
        tpu.vector_store %arg7[%swap3A_814, %swap3A_815, %swap3A_816], %swap3A_819 {strides = array<i32>} : memref<2x16x256xf32, #tpu.memory_space<vmem>>, vector<1x1x16xf32>,
        %get3A_820 = arith.constant 0 : i32
        %get3A_821 = arith.index_cast %get3A_820 : i32 to index
        %get3A_822 = arith.index_cast %mul3A_219 : i32 to index
        %get3A_823 = arith.constant 144 : index
        %get3A_824 = tpu.vector_load %arg6[%get3A_821, %get3A_822, %get3A_823] {strides = array<i32>} : memref<2x112x256xf32, #tpu.memory_space<vmem>>, vector<1x1x16xf32>,
        %get3A_825 = vector.shape_cast %get3A_824 : vector<1x1x16xf32> to vector<16xf32>
        %add3A_826 = arith.constant 1 : i32
        %add3A_827 = arith.addi %mul3A_219, %add3A_826 : i32
        %get3A_828 = arith.constant 0 : i32
        %get3A_829 = arith.index_cast %get3A_828 : i32 to index
        %get3A_830 = arith.index_cast %add3A_827 : i32 to index
        %get3A_831 = arith.constant 144 : index
        %get3A_832 = tpu.vector_load %arg6[%get3A_829, %get3A_830, %get3A_831] {strides = array<i32>} : memref<2x112x256xf32, #tpu.memory_space<vmem>>, vector<1x1x16xf32>,
        %get3A_833 = vector.shape_cast %get3A_832 : vector<1x1x16xf32> to vector<16xf32>
        %max3A_834 = arith.maximumf %get3A_825, %get3A_833 : vector<16xf32>
        %add3A_835 = arith.constant 2 : i32
        %add3A_836 = arith.addi %mul3A_219, %add3A_835 : i32
        %get3A_837 = arith.constant 0 : i32
        %get3A_838 = arith.index_cast %get3A_837 : i32 to index
        %get3A_839 = arith.index_cast %add3A_836 : i32 to index
        %get3A_840 = arith.constant 144 : index
        %get3A_841 = tpu.vector_load %arg6[%get3A_838, %get3A_839, %get3A_840] {strides = array<i32>} : memref<2x112x256xf32, #tpu.memory_space<vmem>>, vector<1x1x16xf32>,
        %get3A_842 = vector.shape_cast %get3A_841 : vector<1x1x16xf32> to vector<16xf32>
        %add3A_843 = arith.constant 3 : i32
        %add3A_844 = arith.addi %mul3A_219, %add3A_843 : i32
        %get3A_845 = arith.constant 0 : i32
        %get3A_846 = arith.index_cast %get3A_845 : i32 to index
        %get3A_847 = arith.index_cast %add3A_844 : i32 to index
        %get3A_848 = arith.constant 144 : index
        %get3A_849 = tpu.vector_load %arg6[%get3A_846, %get3A_847, %get3A_848] {strides = array<i32>} : memref<2x112x256xf32, #tpu.memory_space<vmem>>, vector<1x1x16xf32>,
        %get3A_850 = vector.shape_cast %get3A_849 : vector<1x1x16xf32> to vector<16xf32>
        %max3A_851 = arith.maximumf %get3A_842, %get3A_850 : vector<16xf32>
        %add3A_852 = arith.constant 4 : i32
        %add3A_853 = arith.addi %mul3A_219, %add3A_852 : i32
        %get3A_854 = arith.constant 0 : i32
        %get3A_855 = arith.index_cast %get3A_854 : i32 to index
        %get3A_856 = arith.index_cast %add3A_853 : i32 to index
        %get3A_857 = arith.constant 144 : index
        %get3A_858 = tpu.vector_load %arg6[%get3A_855, %get3A_856, %get3A_857] {strides = array<i32>} : memref<2x112x256xf32, #tpu.memory_space<vmem>>, vector<1x1x16xf32>,
        %get3A_859 = vector.shape_cast %get3A_858 : vector<1x1x16xf32> to vector<16xf32>
        %add3A_860 = arith.constant 5 : i32
        %add3A_861 = arith.addi %mul3A_219, %add3A_860 : i32
        %get3A_862 = arith.constant 0 : i32
        %get3A_863 = arith.index_cast %get3A_862 : i32 to index
        %get3A_864 = arith.index_cast %add3A_861 : i32 to index
        %get3A_865 = arith.constant 144 : index
        %get3A_866 = tpu.vector_load %arg6[%get3A_863, %get3A_864, %get3A_865] {strides = array<i32>} : memref<2x112x256xf32, #tpu.memory_space<vmem>>, vector<1x1x16xf32>,
        %get3A_867 = vector.shape_cast %get3A_866 : vector<1x1x16xf32> to vector<16xf32>
        %max3A_868 = arith.maximumf %get3A_859, %get3A_867 : vector<16xf32>
        %add3A_869 = arith.constant 96 : i32
        %add3A_870 = arith.addi %add3A_869, %scan3A_217 : i32
        %get3A_871 = arith.constant 0 : i32
        %get3A_872 = arith.index_cast %get3A_871 : i32 to index
        %get3A_873 = arith.index_cast %add3A_870 : i32 to index
        %get3A_874 = arith.constant 144 : index
        %get3A_875 = tpu.vector_load %arg6[%get3A_872, %get3A_873, %get3A_874] {strides = array<i32>} : memref<2x112x256xf32, #tpu.memory_space<vmem>>, vector<1x1x16xf32>,
        %get3A_876 = vector.shape_cast %get3A_875 : vector<1x1x16xf32> to vector<16xf32>
        %max3A_877 = arith.maximumf %max3A_868, %get3A_876 : vector<16xf32>
        %max3A_878 = arith.maximumf %max3A_834, %max3A_851 : vector<16xf32>
        %max3A_879 = arith.maximumf %max3A_878, %max3A_877 : vector<16xf32>
        %swap3A_880 = arith.constant 0 : i32
        %swap3A_881 = arith.index_cast %swap3A_880 : i32 to index
        %swap3A_882 = arith.index_cast %scan3A_217 : i32 to index
        %swap3A_883 = arith.constant 144 : index
        %swap3A_884 = tpu.vector_load %arg7[%swap3A_881, %swap3A_882, %swap3A_883] {strides = array<i32>} : memref<2x16x256xf32, #tpu.memory_space<vmem>>, vector<1x1x16xf32>,
        %swap3A_885 = vector.shape_cast %swap3A_884 : vector<1x1x16xf32> to vector<16xf32>
        %swap3A_886 = vector.shape_cast %max3A_879 : vector<16xf32> to vector<1x1x16xf32>
        tpu.vector_store %arg7[%swap3A_881, %swap3A_882, %swap3A_883], %swap3A_886 {strides = array<i32>} : memref<2x16x256xf32, #tpu.memory_space<vmem>>, vector<1x1x16xf32>,
        %get3A_887 = arith.constant 0 : i32
        %get3A_888 = arith.index_cast %get3A_887 : i32 to index
        %get3A_889 = arith.index_cast %mul3A_219 : i32 to index
        %get3A_890 = arith.constant 160 : index
        %get3A_891 = tpu.vector_load %arg6[%get3A_888, %get3A_889, %get3A_890] {strides = array<i32>} : memref<2x112x256xf32, #tpu.memory_space<vmem>>, vector<1x1x16xf32>,
        %get3A_892 = vector.shape_cast %get3A_891 : vector<1x1x16xf32> to vector<16xf32>
        %add3A_893 = arith.constant 1 : i32
        %add3A_894 = arith.addi %mul3A_219, %add3A_893 : i32
        %get3A_895 = arith.constant 0 : i32
        %get3A_896 = arith.index_cast %get3A_895 : i32 to index
        %get3A_897 = arith.index_cast %add3A_894 : i32 to index
        %get3A_898 = arith.constant 160 : index
        %get3A_899 = tpu.vector_load %arg6[%get3A_896, %get3A_897, %get3A_898] {strides = array<i32>} : memref<2x112x256xf32, #tpu.memory_space<vmem>>, vector<1x1x16xf32>,
        %get3A_900 = vector.shape_cast %get3A_899 : vector<1x1x16xf32> to vector<16xf32>
        %max3A_901 = arith.maximumf %get3A_892, %get3A_900 : vector<16xf32>
        %add3A_902 = arith.constant 2 : i32
        %add3A_903 = arith.addi %mul3A_219, %add3A_902 : i32
        %get3A_904 = arith.constant 0 : i32
        %get3A_905 = arith.index_cast %get3A_904 : i32 to index
        %get3A_906 = arith.index_cast %add3A_903 : i32 to index
        %get3A_907 = arith.constant 160 : index
        %get3A_908 = tpu.vector_load %arg6[%get3A_905, %get3A_906, %get3A_907] {strides = array<i32>} : memref<2x112x256xf32, #tpu.memory_space<vmem>>, vector<1x1x16xf32>,
        %get3A_909 = vector.shape_cast %get3A_908 : vector<1x1x16xf32> to vector<16xf32>
        %add3A_910 = arith.constant 3 : i32
        %add3A_911 = arith.addi %mul3A_219, %add3A_910 : i32
        %get3A_912 = arith.constant 0 : i32
        %get3A_913 = arith.index_cast %get3A_912 : i32 to index
        %get3A_914 = arith.index_cast %add3A_911 : i32 to index
        %get3A_915 = arith.constant 160 : index
        %get3A_916 = tpu.vector_load %arg6[%get3A_913, %get3A_914, %get3A_915] {strides = array<i32>} : memref<2x112x256xf32, #tpu.memory_space<vmem>>, vector<1x1x16xf32>,
        %get3A_917 = vector.shape_cast %get3A_916 : vector<1x1x16xf32> to vector<16xf32>
        %max3A_918 = arith.maximumf %get3A_909, %get3A_917 : vector<16xf32>
        %add3A_919 = arith.constant 4 : i32
        %add3A_920 = arith.addi %mul3A_219, %add3A_919 : i32
        %get3A_921 = arith.constant 0 : i32
        %get3A_922 = arith.index_cast %get3A_921 : i32 to index
        %get3A_923 = arith.index_cast %add3A_920 : i32 to index
        %get3A_924 = arith.constant 160 : index
        %get3A_925 = tpu.vector_load %arg6[%get3A_922, %get3A_923, %get3A_924] {strides = array<i32>} : memref<2x112x256xf32, #tpu.memory_space<vmem>>, vector<1x1x16xf32>,
        %get3A_926 = vector.shape_cast %get3A_925 : vector<1x1x16xf32> to vector<16xf32>
        %add3A_927 = arith.constant 5 : i32
        %add3A_928 = arith.addi %mul3A_219, %add3A_927 : i32
        %get3A_929 = arith.constant 0 : i32
        %get3A_930 = arith.index_cast %get3A_929 : i32 to index
        %get3A_931 = arith.index_cast %add3A_928 : i32 to index
        %get3A_932 = arith.constant 160 : index
        %get3A_933 = tpu.vector_load %arg6[%get3A_930, %get3A_931, %get3A_932] {strides = array<i32>} : memref<2x112x256xf32, #tpu.memory_space<vmem>>, vector<1x1x16xf32>,
        %get3A_934 = vector.shape_cast %get3A_933 : vector<1x1x16xf32> to vector<16xf32>
        %max3A_935 = arith.maximumf %get3A_926, %get3A_934 : vector<16xf32>
        %add3A_936 = arith.constant 96 : i32
        %add3A_937 = arith.addi %add3A_936, %scan3A_217 : i32
        %get3A_938 = arith.constant 0 : i32
        %get3A_939 = arith.index_cast %get3A_938 : i32 to index
        %get3A_940 = arith.index_cast %add3A_937 : i32 to index
        %get3A_941 = arith.constant 160 : index
        %get3A_942 = tpu.vector_load %arg6[%get3A_939, %get3A_940, %get3A_941] {strides = array<i32>} : memref<2x112x256xf32, #tpu.memory_space<vmem>>, vector<1x1x16xf32>,
        %get3A_943 = vector.shape_cast %get3A_942 : vector<1x1x16xf32> to vector<16xf32>
        %max3A_944 = arith.maximumf %max3A_935, %get3A_943 : vector<16xf32>
        %max3A_945 = arith.maximumf %max3A_901, %max3A_918 : vector<16xf32>
        %max3A_946 = arith.maximumf %max3A_945, %max3A_944 : vector<16xf32>
        %swap3A_947 = arith.constant 0 : i32
        %swap3A_948 = arith.index_cast %swap3A_947 : i32 to index
        %swap3A_949 = arith.index_cast %scan3A_217 : i32 to index
        %swap3A_950 = arith.constant 160 : index
        %swap3A_951 = tpu.vector_load %arg7[%swap3A_948, %swap3A_949, %swap3A_950] {strides = array<i32>} : memref<2x16x256xf32, #tpu.memory_space<vmem>>, vector<1x1x16xf32>,
        %swap3A_952 = vector.shape_cast %swap3A_951 : vector<1x1x16xf32> to vector<16xf32>
        %swap3A_953 = vector.shape_cast %max3A_946 : vector<16xf32> to vector<1x1x16xf32>
        tpu.vector_store %arg7[%swap3A_948, %swap3A_949, %swap3A_950], %swap3A_953 {strides = array<i32>} : memref<2x16x256xf32, #tpu.memory_space<vmem>>, vector<1x1x16xf32>,
        %get3A_954 = arith.constant 0 : i32
        %get3A_955 = arith.index_cast %get3A_954 : i32 to index
        %get3A_956 = arith.index_cast %mul3A_219 : i32 to index
        %get3A_957 = arith.constant 176 : index
        %get3A_958 = tpu.vector_load %arg6[%get3A_955, %get3A_956, %get3A_957] {strides = array<i32>} : memref<2x112x256xf32, #tpu.memory_space<vmem>>, vector<1x1x16xf32>,
        %get3A_959 = vector.shape_cast %get3A_958 : vector<1x1x16xf32> to vector<16xf32>
        %add3A_960 = arith.constant 1 : i32
        %add3A_961 = arith.addi %mul3A_219, %add3A_960 : i32
        %get3A_962 = arith.constant 0 : i32
        %get3A_963 = arith.index_cast %get3A_962 : i32 to index
        %get3A_964 = arith.index_cast %add3A_961 : i32 to index
        %get3A_965 = arith.constant 176 : index
        %get3A_966 = tpu.vector_load %arg6[%get3A_963, %get3A_964, %get3A_965] {strides = array<i32>} : memref<2x112x256xf32, #tpu.memory_space<vmem>>, vector<1x1x16xf32>,
        %get3A_967 = vector.shape_cast %get3A_966 : vector<1x1x16xf32> to vector<16xf32>
        %max3A_968 = arith.maximumf %get3A_959, %get3A_967 : vector<16xf32>
        %add3A_969 = arith.constant 2 : i32
        %add3A_970 = arith.addi %mul3A_219, %add3A_969 : i32
        %get3A_971 = arith.constant 0 : i32
        %get3A_972 = arith.index_cast %get3A_971 : i32 to index
        %get3A_973 = arith.index_cast %add3A_970 : i32 to index
        %get3A_974 = arith.constant 176 : index
        %get3A_975 = tpu.vector_load %arg6[%get3A_972, %get3A_973, %get3A_974] {strides = array<i32>} : memref<2x112x256xf32, #tpu.memory_space<vmem>>, vector<1x1x16xf32>,
        %get3A_976 = vector.shape_cast %get3A_975 : vector<1x1x16xf32> to vector<16xf32>
        %add3A_977 = arith.constant 3 : i32
        %add3A_978 = arith.addi %mul3A_219, %add3A_977 : i32
        %get3A_979 = arith.constant 0 : i32
        %get3A_980 = arith.index_cast %get3A_979 : i32 to index
        %get3A_981 = arith.index_cast %add3A_978 : i32 to index
        %get3A_982 = arith.constant 176 : index
        %get3A_983 = tpu.vector_load %arg6[%get3A_980, %get3A_981, %get3A_982] {strides = array<i32>} : memref<2x112x256xf32, #tpu.memory_space<vmem>>, vector<1x1x16xf32>,
        %get3A_984 = vector.shape_cast %get3A_983 : vector<1x1x16xf32> to vector<16xf32>
        %max3A_985 = arith.maximumf %get3A_976, %get3A_984 : vector<16xf32>
        %add3A_986 = arith.constant 4 : i32
        %add3A_987 = arith.addi %mul3A_219, %add3A_986 : i32
        %get3A_988 = arith.constant 0 : i32
        %get3A_989 = arith.index_cast %get3A_988 : i32 to index
        %get3A_990 = arith.index_cast %add3A_987 : i32 to index
        %get3A_991 = arith.constant 176 : index
        %get3A_992 = tpu.vector_load %arg6[%get3A_989, %get3A_990, %get3A_991] {strides = array<i32>} : memref<2x112x256xf32, #tpu.memory_space<vmem>>, vector<1x1x16xf32>,
        %get3A_993 = vector.shape_cast %get3A_992 : vector<1x1x16xf32> to vector<16xf32>
        %add3A_994 = arith.constant 5 : i32
        %add3A_995 = arith.addi %mul3A_219, %add3A_994 : i32
        %get3A_996 = arith.constant 0 : i32
        %get3A_997 = arith.index_cast %get3A_996 : i32 to index
        %get3A_998 = arith.index_cast %add3A_995 : i32 to index
        %get3A_999 = arith.constant 176 : index
        %get3A_1000 = tpu.vector_load %arg6[%get3A_997, %get3A_998, %get3A_999] {strides = array<i32>} : memref<2x112x256xf32, #tpu.memory_space<vmem>>, vector<1x1x16xf32>,
        %get3A_1001 = vector.shape_cast %get3A_1000 : vector<1x1x16xf32> to vector<16xf32>
        %max3A_1002 = arith.maximumf %get3A_993, %get3A_1001 : vector<16xf32>
        %add3A_1003 = arith.constant 96 : i32
        %add3A_1004 = arith.addi %add3A_1003, %scan3A_217 : i32
        %get3A_1005 = arith.constant 0 : i32
        %get3A_1006 = arith.index_cast %get3A_1005 : i32 to index
        %get3A_1007 = arith.index_cast %add3A_1004 : i32 to index
        %get3A_1008 = arith.constant 176 : index
        %get3A_1009 = tpu.vector_load %arg6[%get3A_1006, %get3A_1007, %get3A_1008] {strides = array<i32>} : memref<2x112x256xf32, #tpu.memory_space<vmem>>, vector<1x1x16xf32>,
        %get3A_1010 = vector.shape_cast %get3A_1009 : vector<1x1x16xf32> to vector<16xf32>
        %max3A_1011 = arith.maximumf %max3A_1002, %get3A_1010 : vector<16xf32>
        %max3A_1012 = arith.maximumf %max3A_968, %max3A_985 : vector<16xf32>
        %max3A_1013 = arith.maximumf %max3A_1012, %max3A_1011 : vector<16xf32>
        %swap3A_1014 = arith.constant 0 : i32
        %swap3A_1015 = arith.index_cast %swap3A_1014 : i32 to index
        %swap3A_1016 = arith.index_cast %scan3A_217 : i32 to index
        %swap3A_1017 = arith.constant 176 : index
        %swap3A_1018 = tpu.vector_load %arg7[%swap3A_1015, %swap3A_1016, %swap3A_1017] {strides = array<i32>} : memref<2x16x256xf32, #tpu.memory_space<vmem>>, vector<1x1x16xf32>,
        %swap3A_1019 = vector.shape_cast %swap3A_1018 : vector<1x1x16xf32> to vector<16xf32>
        %swap3A_1020 = vector.shape_cast %max3A_1013 : vector<16xf32> to vector<1x1x16xf32>
        tpu.vector_store %arg7[%swap3A_1015, %swap3A_1016, %swap3A_1017], %swap3A_1020 {strides = array<i32>} : memref<2x16x256xf32, #tpu.memory_space<vmem>>, vector<1x1x16xf32>,
        %get3A_1021 = arith.constant 0 : i32
        %get3A_1022 = arith.index_cast %get3A_1021 : i32 to index
        %get3A_1023 = arith.index_cast %mul3A_219 : i32 to index
        %get3A_1024 = arith.constant 192 : index
        %get3A_1025 = tpu.vector_load %arg6[%get3A_1022, %get3A_1023, %get3A_1024] {strides = array<i32>} : memref<2x112x256xf32, #tpu.memory_space<vmem>>, vector<1x1x16xf32>,
        %get3A_1026 = vector.shape_cast %get3A_1025 : vector<1x1x16xf32> to vector<16xf32>
        %add3A_1027 = arith.constant 1 : i32
        %add3A_1028 = arith.addi %mul3A_219, %add3A_1027 : i32
        %get3A_1029 = arith.constant 0 : i32
        %get3A_1030 = arith.index_cast %get3A_1029 : i32 to index
        %get3A_1031 = arith.index_cast %add3A_1028 : i32 to index
        %get3A_1032 = arith.constant 192 : index
        %get3A_1033 = tpu.vector_load %arg6[%get3A_1030, %get3A_1031, %get3A_1032] {strides = array<i32>} : memref<2x112x256xf32, #tpu.memory_space<vmem>>, vector<1x1x16xf32>,
        %get3A_1034 = vector.shape_cast %get3A_1033 : vector<1x1x16xf32> to vector<16xf32>
        %max3A_1035 = arith.maximumf %get3A_1026, %get3A_1034 : vector<16xf32>
        %add3A_1036 = arith.constant 2 : i32
        %add3A_1037 = arith.addi %mul3A_219, %add3A_1036 : i32
        %get3A_1038 = arith.constant 0 : i32
        %get3A_1039 = arith.index_cast %get3A_1038 : i32 to index
        %get3A_1040 = arith.index_cast %add3A_1037 : i32 to index
        %get3A_1041 = arith.constant 192 : index
        %get3A_1042 = tpu.vector_load %arg6[%get3A_1039, %get3A_1040, %get3A_1041] {strides = array<i32>} : memref<2x112x256xf32, #tpu.memory_space<vmem>>, vector<1x1x16xf32>,
        %get3A_1043 = vector.shape_cast %get3A_1042 : vector<1x1x16xf32> to vector<16xf32>
        %add3A_1044 = arith.constant 3 : i32
        %add3A_1045 = arith.addi %mul3A_219, %add3A_1044 : i32
        %get3A_1046 = arith.constant 0 : i32
        %get3A_1047 = arith.index_cast %get3A_1046 : i32 to index
        %get3A_1048 = arith.index_cast %add3A_1045 : i32 to index
        %get3A_1049 = arith.constant 192 : index
        %get3A_1050 = tpu.vector_load %arg6[%get3A_1047, %get3A_1048, %get3A_1049] {strides = array<i32>} : memref<2x112x256xf32, #tpu.memory_space<vmem>>, vector<1x1x16xf32>,
        %get3A_1051 = vector.shape_cast %get3A_1050 : vector<1x1x16xf32> to vector<16xf32>
        %max3A_1052 = arith.maximumf %get3A_1043, %get3A_1051 : vector<16xf32>
        %add3A_1053 = arith.constant 4 : i32
        %add3A_1054 = arith.addi %mul3A_219, %add3A_1053 : i32
        %get3A_1055 = arith.constant 0 : i32
        %get3A_1056 = arith.index_cast %get3A_1055 : i32 to index
        %get3A_1057 = arith.index_cast %add3A_1054 : i32 to index
        %get3A_1058 = arith.constant 192 : index
        %get3A_1059 = tpu.vector_load %arg6[%get3A_1056, %get3A_1057, %get3A_1058] {strides = array<i32>} : memref<2x112x256xf32, #tpu.memory_space<vmem>>, vector<1x1x16xf32>,
        %get3A_1060 = vector.shape_cast %get3A_1059 : vector<1x1x16xf32> to vector<16xf32>
        %add3A_1061 = arith.constant 5 : i32
        %add3A_1062 = arith.addi %mul3A_219, %add3A_1061 : i32
        %get3A_1063 = arith.constant 0 : i32
        %get3A_1064 = arith.index_cast %get3A_1063 : i32 to index
        %get3A_1065 = arith.index_cast %add3A_1062 : i32 to index
        %get3A_1066 = arith.constant 192 : index
        %get3A_1067 = tpu.vector_load %arg6[%get3A_1064, %get3A_1065, %get3A_1066] {strides = array<i32>} : memref<2x112x256xf32, #tpu.memory_space<vmem>>, vector<1x1x16xf32>,
        %get3A_1068 = vector.shape_cast %get3A_1067 : vector<1x1x16xf32> to vector<16xf32>
        %max3A_1069 = arith.maximumf %get3A_1060, %get3A_1068 : vector<16xf32>
        %add3A_1070 = arith.constant 96 : i32
        %add3A_1071 = arith.addi %add3A_1070, %scan3A_217 : i32
        %get3A_1072 = arith.constant 0 : i32
        %get3A_1073 = arith.index_cast %get3A_1072 : i32 to index
        %get3A_1074 = arith.index_cast %add3A_1071 : i32 to index
        %get3A_1075 = arith.constant 192 : index
        %get3A_1076 = tpu.vector_load %arg6[%get3A_1073, %get3A_1074, %get3A_1075] {strides = array<i32>} : memref<2x112x256xf32, #tpu.memory_space<vmem>>, vector<1x1x16xf32>,
        %get3A_1077 = vector.shape_cast %get3A_1076 : vector<1x1x16xf32> to vector<16xf32>
        %max3A_1078 = arith.maximumf %max3A_1069, %get3A_1077 : vector<16xf32>
        %max3A_1079 = arith.maximumf %max3A_1035, %max3A_1052 : vector<16xf32>
        %max3A_1080 = arith.maximumf %max3A_1079, %max3A_1078 : vector<16xf32>
        %swap3A_1081 = arith.constant 0 : i32
        %swap3A_1082 = arith.index_cast %swap3A_1081 : i32 to index
        %swap3A_1083 = arith.index_cast %scan3A_217 : i32 to index
        %swap3A_1084 = arith.constant 192 : index
        %swap3A_1085 = tpu.vector_load %arg7[%swap3A_1082, %swap3A_1083, %swap3A_1084] {strides = array<i32>} : memref<2x16x256xf32, #tpu.memory_space<vmem>>, vector<1x1x16xf32>,
        %swap3A_1086 = vector.shape_cast %swap3A_1085 : vector<1x1x16xf32> to vector<16xf32>
        %swap3A_1087 = vector.shape_cast %max3A_1080 : vector<16xf32> to vector<1x1x16xf32>
        tpu.vector_store %arg7[%swap3A_1082, %swap3A_1083, %swap3A_1084], %swap3A_1087 {strides = array<i32>} : memref<2x16x256xf32, #tpu.memory_space<vmem>>, vector<1x1x16xf32>,
        %get3A_1088 = arith.constant 0 : i32
        %get3A_1089 = arith.index_cast %get3A_1088 : i32 to index
        %get3A_1090 = arith.index_cast %mul3A_219 : i32 to index
        %get3A_1091 = arith.constant 208 : index
        %get3A_1092 = tpu.vector_load %arg6[%get3A_1089, %get3A_1090, %get3A_1091] {strides = array<i32>} : memref<2x112x256xf32, #tpu.memory_space<vmem>>, vector<1x1x16xf32>,
        %get3A_1093 = vector.shape_cast %get3A_1092 : vector<1x1x16xf32> to vector<16xf32>
        %add3A_1094 = arith.constant 1 : i32
        %add3A_1095 = arith.addi %mul3A_219, %add3A_1094 : i32
        %get3A_1096 = arith.constant 0 : i32
        %get3A_1097 = arith.index_cast %get3A_1096 : i32 to index
        %get3A_1098 = arith.index_cast %add3A_1095 : i32 to index
        %get3A_1099 = arith.constant 208 : index
        %get3A_1100 = tpu.vector_load %arg6[%get3A_1097, %get3A_1098, %get3A_1099] {strides = array<i32>} : memref<2x112x256xf32, #tpu.memory_space<vmem>>, vector<1x1x16xf32>,
        %get3A_1101 = vector.shape_cast %get3A_1100 : vector<1x1x16xf32> to vector<16xf32>
        %max3A_1102 = arith.maximumf %get3A_1093, %get3A_1101 : vector<16xf32>
        %add3A_1103 = arith.constant 2 : i32
        %add3A_1104 = arith.addi %mul3A_219, %add3A_1103 : i32
        %get3A_1105 = arith.constant 0 : i32
        %get3A_1106 = arith.index_cast %get3A_1105 : i32 to index
        %get3A_1107 = arith.index_cast %add3A_1104 : i32 to index
        %get3A_1108 = arith.constant 208 : index
        %get3A_1109 = tpu.vector_load %arg6[%get3A_1106, %get3A_1107, %get3A_1108] {strides = array<i32>} : memref<2x112x256xf32, #tpu.memory_space<vmem>>, vector<1x1x16xf32>,
        %get3A_1110 = vector.shape_cast %get3A_1109 : vector<1x1x16xf32> to vector<16xf32>
        %add3A_1111 = arith.constant 3 : i32
        %add3A_1112 = arith.addi %mul3A_219, %add3A_1111 : i32
        %get3A_1113 = arith.constant 0 : i32
        %get3A_1114 = arith.index_cast %get3A_1113 : i32 to index
        %get3A_1115 = arith.index_cast %add3A_1112 : i32 to index
        %get3A_1116 = arith.constant 208 : index
        %get3A_1117 = tpu.vector_load %arg6[%get3A_1114, %get3A_1115, %get3A_1116] {strides = array<i32>} : memref<2x112x256xf32, #tpu.memory_space<vmem>>, vector<1x1x16xf32>,
        %get3A_1118 = vector.shape_cast %get3A_1117 : vector<1x1x16xf32> to vector<16xf32>
        %max3A_1119 = arith.maximumf %get3A_1110, %get3A_1118 : vector<16xf32>
        %add3A_1120 = arith.constant 4 : i32
        %add3A_1121 = arith.addi %mul3A_219, %add3A_1120 : i32
        %get3A_1122 = arith.constant 0 : i32
        %get3A_1123 = arith.index_cast %get3A_1122 : i32 to index
        %get3A_1124 = arith.index_cast %add3A_1121 : i32 to index
        %get3A_1125 = arith.constant 208 : index
        %get3A_1126 = tpu.vector_load %arg6[%get3A_1123, %get3A_1124, %get3A_1125] {strides = array<i32>} : memref<2x112x256xf32, #tpu.memory_space<vmem>>, vector<1x1x16xf32>,
        %get3A_1127 = vector.shape_cast %get3A_1126 : vector<1x1x16xf32> to vector<16xf32>
        %add3A_1128 = arith.constant 5 : i32
        %add3A_1129 = arith.addi %mul3A_219, %add3A_1128 : i32
        %get3A_1130 = arith.constant 0 : i32
        %get3A_1131 = arith.index_cast %get3A_1130 : i32 to index
        %get3A_1132 = arith.index_cast %add3A_1129 : i32 to index
        %get3A_1133 = arith.constant 208 : index
        %get3A_1134 = tpu.vector_load %arg6[%get3A_1131, %get3A_1132, %get3A_1133] {strides = array<i32>} : memref<2x112x256xf32, #tpu.memory_space<vmem>>, vector<1x1x16xf32>,
        %get3A_1135 = vector.shape_cast %get3A_1134 : vector<1x1x16xf32> to vector<16xf32>
        %max3A_1136 = arith.maximumf %get3A_1127, %get3A_1135 : vector<16xf32>
        %add3A_1137 = arith.constant 96 : i32
        %add3A_1138 = arith.addi %add3A_1137, %scan3A_217 : i32
        %get3A_1139 = arith.constant 0 : i32
        %get3A_1140 = arith.index_cast %get3A_1139 : i32 to index
        %get3A_1141 = arith.index_cast %add3A_1138 : i32 to index
        %get3A_1142 = arith.constant 208 : index
        %get3A_1143 = tpu.vector_load %arg6[%get3A_1140, %get3A_1141, %get3A_1142] {strides = array<i32>} : memref<2x112x256xf32, #tpu.memory_space<vmem>>, vector<1x1x16xf32>,
        %get3A_1144 = vector.shape_cast %get3A_1143 : vector<1x1x16xf32> to vector<16xf32>
        %max3A_1145 = arith.maximumf %max3A_1136, %get3A_1144 : vector<16xf32>
        %max3A_1146 = arith.maximumf %max3A_1102, %max3A_1119 : vector<16xf32>
        %max3A_1147 = arith.maximumf %max3A_1146, %max3A_1145 : vector<16xf32>
        %swap3A_1148 = arith.constant 0 : i32
        %swap3A_1149 = arith.index_cast %swap3A_1148 : i32 to index
        %swap3A_1150 = arith.index_cast %scan3A_217 : i32 to index
        %swap3A_1151 = arith.constant 208 : index
        %swap3A_1152 = tpu.vector_load %arg7[%swap3A_1149, %swap3A_1150, %swap3A_1151] {strides = array<i32>} : memref<2x16x256xf32, #tpu.memory_space<vmem>>, vector<1x1x16xf32>,
        %swap3A_1153 = vector.shape_cast %swap3A_1152 : vector<1x1x16xf32> to vector<16xf32>
        %swap3A_1154 = vector.shape_cast %max3A_1147 : vector<16xf32> to vector<1x1x16xf32>
        tpu.vector_store %arg7[%swap3A_1149, %swap3A_1150, %swap3A_1151], %swap3A_1154 {strides = array<i32>} : memref<2x16x256xf32, #tpu.memory_space<vmem>>, vector<1x1x16xf32>,
        %get3A_1155 = arith.constant 0 : i32
        %get3A_1156 = arith.index_cast %get3A_1155 : i32 to index
        %get3A_1157 = arith.index_cast %mul3A_219 : i32 to index
        %get3A_1158 = arith.constant 224 : index
        %get3A_1159 = tpu.vector_load %arg6[%get3A_1156, %get3A_1157, %get3A_1158] {strides = array<i32>} : memref<2x112x256xf32, #tpu.memory_space<vmem>>, vector<1x1x16xf32>,
        %get3A_1160 = vector.shape_cast %get3A_1159 : vector<1x1x16xf32> to vector<16xf32>
        %add3A_1161 = arith.constant 1 : i32
        %add3A_1162 = arith.addi %mul3A_219, %add3A_1161 : i32
        %get3A_1163 = arith.constant 0 : i32
        %get3A_1164 = arith.index_cast %get3A_1163 : i32 to index
        %get3A_1165 = arith.index_cast %add3A_1162 : i32 to index
        %get3A_1166 = arith.constant 224 : index
        %get3A_1167 = tpu.vector_load %arg6[%get3A_1164, %get3A_1165, %get3A_1166] {strides = array<i32>} : memref<2x112x256xf32, #tpu.memory_space<vmem>>, vector<1x1x16xf32>,
        %get3A_1168 = vector.shape_cast %get3A_1167 : vector<1x1x16xf32> to vector<16xf32>
        %max3A_1169 = arith.maximumf %get3A_1160, %get3A_1168 : vector<16xf32>
        %add3A_1170 = arith.constant 2 : i32
        %add3A_1171 = arith.addi %mul3A_219, %add3A_1170 : i32
        %get3A_1172 = arith.constant 0 : i32
        %get3A_1173 = arith.index_cast %get3A_1172 : i32 to index
        %get3A_1174 = arith.index_cast %add3A_1171 : i32 to index
        %get3A_1175 = arith.constant 224 : index
        %get3A_1176 = tpu.vector_load %arg6[%get3A_1173, %get3A_1174, %get3A_1175] {strides = array<i32>} : memref<2x112x256xf32, #tpu.memory_space<vmem>>, vector<1x1x16xf32>,
        %get3A_1177 = vector.shape_cast %get3A_1176 : vector<1x1x16xf32> to vector<16xf32>
        %add3A_1178 = arith.constant 3 : i32
        %add3A_1179 = arith.addi %mul3A_219, %add3A_1178 : i32
        %get3A_1180 = arith.constant 0 : i32
        %get3A_1181 = arith.index_cast %get3A_1180 : i32 to index
        %get3A_1182 = arith.index_cast %add3A_1179 : i32 to index
        %get3A_1183 = arith.constant 224 : index
        %get3A_1184 = tpu.vector_load %arg6[%get3A_1181, %get3A_1182, %get3A_1183] {strides = array<i32>} : memref<2x112x256xf32, #tpu.memory_space<vmem>>, vector<1x1x16xf32>,
        %get3A_1185 = vector.shape_cast %get3A_1184 : vector<1x1x16xf32> to vector<16xf32>
        %max3A_1186 = arith.maximumf %get3A_1177, %get3A_1185 : vector<16xf32>
        %add3A_1187 = arith.constant 4 : i32
        %add3A_1188 = arith.addi %mul3A_219, %add3A_1187 : i32
        %get3A_1189 = arith.constant 0 : i32
        %get3A_1190 = arith.index_cast %get3A_1189 : i32 to index
        %get3A_1191 = arith.index_cast %add3A_1188 : i32 to index
        %get3A_1192 = arith.constant 224 : index
        %get3A_1193 = tpu.vector_load %arg6[%get3A_1190, %get3A_1191, %get3A_1192] {strides = array<i32>} : memref<2x112x256xf32, #tpu.memory_space<vmem>>, vector<1x1x16xf32>,
        %get3A_1194 = vector.shape_cast %get3A_1193 : vector<1x1x16xf32> to vector<16xf32>
        %add3A_1195 = arith.constant 5 : i32
        %add3A_1196 = arith.addi %mul3A_219, %add3A_1195 : i32
        %get3A_1197 = arith.constant 0 : i32
        %get3A_1198 = arith.index_cast %get3A_1197 : i32 to index
        %get3A_1199 = arith.index_cast %add3A_1196 : i32 to index
        %get3A_1200 = arith.constant 224 : index
        %get3A_1201 = tpu.vector_load %arg6[%get3A_1198, %get3A_1199, %get3A_1200] {strides = array<i32>} : memref<2x112x256xf32, #tpu.memory_space<vmem>>, vector<1x1x16xf32>,
        %get3A_1202 = vector.shape_cast %get3A_1201 : vector<1x1x16xf32> to vector<16xf32>
        %max3A_1203 = arith.maximumf %get3A_1194, %get3A_1202 : vector<16xf32>
        %add3A_1204 = arith.constant 96 : i32
        %add3A_1205 = arith.addi %add3A_1204, %scan3A_217 : i32
        %get3A_1206 = arith.constant 0 : i32
        %get3A_1207 = arith.index_cast %get3A_1206 : i32 to index
        %get3A_1208 = arith.index_cast %add3A_1205 : i32 to index
        %get3A_1209 = arith.constant 224 : index
        %get3A_1210 = tpu.vector_load %arg6[%get3A_1207, %get3A_1208, %get3A_1209] {strides = array<i32>} : memref<2x112x256xf32, #tpu.memory_space<vmem>>, vector<1x1x16xf32>,
        %get3A_1211 = vector.shape_cast %get3A_1210 : vector<1x1x16xf32> to vector<16xf32>
        %max3A_1212 = arith.maximumf %max3A_1203, %get3A_1211 : vector<16xf32>
        %max3A_1213 = arith.maximumf %max3A_1169, %max3A_1186 : vector<16xf32>
        %max3A_1214 = arith.maximumf %max3A_1213, %max3A_1212 : vector<16xf32>
        %swap3A_1215 = arith.constant 0 : i32
        %swap3A_1216 = arith.index_cast %swap3A_1215 : i32 to index
        %swap3A_1217 = arith.index_cast %scan3A_217 : i32 to index
        %swap3A_1218 = arith.constant 224 : index
        %swap3A_1219 = tpu.vector_load %arg7[%swap3A_1216, %swap3A_1217, %swap3A_1218] {strides = array<i32>} : memref<2x16x256xf32, #tpu.memory_space<vmem>>, vector<1x1x16xf32>,
        %swap3A_1220 = vector.shape_cast %swap3A_1219 : vector<1x1x16xf32> to vector<16xf32>
        %swap3A_1221 = vector.shape_cast %max3A_1214 : vector<16xf32> to vector<1x1x16xf32>
        tpu.vector_store %arg7[%swap3A_1216, %swap3A_1217, %swap3A_1218], %swap3A_1221 {strides = array<i32>} : memref<2x16x256xf32, #tpu.memory_space<vmem>>, vector<1x1x16xf32>,
        %get3A_1222 = arith.constant 0 : i32
        %get3A_1223 = arith.index_cast %get3A_1222 : i32 to index
        %get3A_1224 = arith.index_cast %mul3A_219 : i32 to index
        %get3A_1225 = arith.constant 240 : index
        %get3A_1226 = tpu.vector_load %arg6[%get3A_1223, %get3A_1224, %get3A_1225] {strides = array<i32>} : memref<2x112x256xf32, #tpu.memory_space<vmem>>, vector<1x1x16xf32>,
        %get3A_1227 = vector.shape_cast %get3A_1226 : vector<1x1x16xf32> to vector<16xf32>
        %add3A_1228 = arith.constant 1 : i32
        %add3A_1229 = arith.addi %mul3A_219, %add3A_1228 : i32
        %get3A_1230 = arith.constant 0 : i32
        %get3A_1231 = arith.index_cast %get3A_1230 : i32 to index
        %get3A_1232 = arith.index_cast %add3A_1229 : i32 to index
        %get3A_1233 = arith.constant 240 : index
        %get3A_1234 = tpu.vector_load %arg6[%get3A_1231, %get3A_1232, %get3A_1233] {strides = array<i32>} : memref<2x112x256xf32, #tpu.memory_space<vmem>>, vector<1x1x16xf32>,
        %get3A_1235 = vector.shape_cast %get3A_1234 : vector<1x1x16xf32> to vector<16xf32>
        %max3A_1236 = arith.maximumf %get3A_1227, %get3A_1235 : vector<16xf32>
        %add3A_1237 = arith.constant 2 : i32
        %add3A_1238 = arith.addi %mul3A_219, %add3A_1237 : i32
        %get3A_1239 = arith.constant 0 : i32
        %get3A_1240 = arith.index_cast %get3A_1239 : i32 to index
        %get3A_1241 = arith.index_cast %add3A_1238 : i32 to index
        %get3A_1242 = arith.constant 240 : index
        %get3A_1243 = tpu.vector_load %arg6[%get3A_1240, %get3A_1241, %get3A_1242] {strides = array<i32>} : memref<2x112x256xf32, #tpu.memory_space<vmem>>, vector<1x1x16xf32>,
        %get3A_1244 = vector.shape_cast %get3A_1243 : vector<1x1x16xf32> to vector<16xf32>
        %add3A_1245 = arith.constant 3 : i32
        %add3A_1246 = arith.addi %mul3A_219, %add3A_1245 : i32
        %get3A_1247 = arith.constant 0 : i32
        %get3A_1248 = arith.index_cast %get3A_1247 : i32 to index
        %get3A_1249 = arith.index_cast %add3A_1246 : i32 to index
        %get3A_1250 = arith.constant 240 : index
        %get3A_1251 = tpu.vector_load %arg6[%get3A_1248, %get3A_1249, %get3A_1250] {strides = array<i32>} : memref<2x112x256xf32, #tpu.memory_space<vmem>>, vector<1x1x16xf32>,
        %get3A_1252 = vector.shape_cast %get3A_1251 : vector<1x1x16xf32> to vector<16xf32>
        %max3A_1253 = arith.maximumf %get3A_1244, %get3A_1252 : vector<16xf32>
        %add3A_1254 = arith.constant 4 : i32
        %add3A_1255 = arith.addi %mul3A_219, %add3A_1254 : i32
        %get3A_1256 = arith.constant 0 : i32
        %get3A_1257 = arith.index_cast %get3A_1256 : i32 to index
        %get3A_1258 = arith.index_cast %add3A_1255 : i32 to index
        %get3A_1259 = arith.constant 240 : index
        %get3A_1260 = tpu.vector_load %arg6[%get3A_1257, %get3A_1258, %get3A_1259] {strides = array<i32>} : memref<2x112x256xf32, #tpu.memory_space<vmem>>, vector<1x1x16xf32>,
        %get3A_1261 = vector.shape_cast %get3A_1260 : vector<1x1x16xf32> to vector<16xf32>
        %add3A_1262 = arith.constant 5 : i32
        %add3A_1263 = arith.addi %mul3A_219, %add3A_1262 : i32
        %get3A_1264 = arith.constant 0 : i32
        %get3A_1265 = arith.index_cast %get3A_1264 : i32 to index
        %get3A_1266 = arith.index_cast %add3A_1263 : i32 to index
        %get3A_1267 = arith.constant 240 : index
        %get3A_1268 = tpu.vector_load %arg6[%get3A_1265, %get3A_1266, %get3A_1267] {strides = array<i32>} : memref<2x112x256xf32, #tpu.memory_space<vmem>>, vector<1x1x16xf32>,
        %get3A_1269 = vector.shape_cast %get3A_1268 : vector<1x1x16xf32> to vector<16xf32>
        %max3A_1270 = arith.maximumf %get3A_1261, %get3A_1269 : vector<16xf32>
        %add3A_1271 = arith.constant 96 : i32
        %add3A_1272 = arith.addi %add3A_1271, %scan3A_217 : i32
        %get3A_1273 = arith.constant 0 : i32
        %get3A_1274 = arith.index_cast %get3A_1273 : i32 to index
        %get3A_1275 = arith.index_cast %add3A_1272 : i32 to index
        %get3A_1276 = arith.constant 240 : index
        %get3A_1277 = tpu.vector_load %arg6[%get3A_1274, %get3A_1275, %get3A_1276] {strides = array<i32>} : memref<2x112x256xf32, #tpu.memory_space<vmem>>, vector<1x1x16xf32>,
        %get3A_1278 = vector.shape_cast %get3A_1277 : vector<1x1x16xf32> to vector<16xf32>
        %max3A_1279 = arith.maximumf %max3A_1270, %get3A_1278 : vector<16xf32>
        %max3A_1280 = arith.maximumf %max3A_1236, %max3A_1253 : vector<16xf32>
        %max3A_1281 = arith.maximumf %max3A_1280, %max3A_1279 : vector<16xf32>
        %swap3A_1282 = arith.constant 0 : i32
        %swap3A_1283 = arith.index_cast %swap3A_1282 : i32 to index
        %swap3A_1284 = arith.index_cast %scan3A_217 : i32 to index
        %swap3A_1285 = arith.constant 240 : index
        %swap3A_1286 = tpu.vector_load %arg7[%swap3A_1283, %swap3A_1284, %swap3A_1285] {strides = array<i32>} : memref<2x16x256xf32, #tpu.memory_space<vmem>>, vector<1x1x16xf32>,
        %swap3A_1287 = vector.shape_cast %swap3A_1286 : vector<1x1x16xf32> to vector<16xf32>
        %swap3A_1288 = vector.shape_cast %max3A_1281 : vector<16xf32> to vector<1x1x16xf32>
        tpu.vector_store %arg7[%swap3A_1283, %swap3A_1284, %swap3A_1285], %swap3A_1288 {strides = array<i32>} : memref<2x16x256xf32, #tpu.memory_space<vmem>>, vector<1x1x16xf32>,
      }
      %scan3A_129 = arith.constant 16 : i32
      %add3A_130 = arith.constant 2 : i32
      %add3A_131 = arith.addi %add3A_94, %add3A_130 : i32
      %lt3A = arith.constant 82 : i32
      %lt3A_132 = arith.cmpi slt, %add3A_131, %lt3A : i32
      %convert_element_type3A_133 = arith.extui %lt3A_132 : i1 to i32
      %cond3A_134 = arith.constant 0 : i32
      %cond3A_135 = arith.cmpi ne, %convert_element_type3A_133, %cond3A_134 : i32
      scf.if %cond3A_135 {
        %add3A_217 = arith.constant 2 : i32
        %add3A_218 = arith.addi %add3A_94, %add3A_217 : i32
        %dma_start3A_219 = arith.constant 0 : i32
        %dma_start3A_220 = arith.constant 0 : i32
        %dma_start3A_221 = arith.constant 0 : i32
        %dma_start3A_222 = tpu.memref_slice %arg6[%dma_start3A_219, %dma_start3A_220, %dma_start3A_221] : memref<2x112x256xf32, #tpu.memory_space<vmem>> -> memref<1x96x256xf32, #tpu.memory_space<vmem>>
        %dma_start3A_223 = tpu.memref_squeeze %dma_start3A_222 : memref<1x96x256xf32, #tpu.memory_space<vmem>> -> memref<96x256xf32, #tpu.memory_space<vmem>>
        %dma_start3A_224 = arith.constant 0 : i32
        %dma_start3A_225 = tpu.memref_slice %arg5[%add3A_218, %dma_start3A_224] : memref<82x96xi32, #tpu.memory_space<vmem>> -> memref<1x96xi32, #tpu.memory_space<vmem>>
        %dma_start3A_226 = tpu.memref_squeeze %dma_start3A_225 : memref<1x96xi32, #tpu.memory_space<vmem>> -> memref<96xi32, #tpu.memory_space<vmem>>
        %dma_start3A_227 = arith.constant 0 : i32
        %dma_start3A_228 = arith.constant 0 : i32
        %dma_start3A_229 = tpu.memref_slice %arg2[%dma_start3A_227, %dma_start3A_228] : memref<163842x256xf32, #tpu.memory_space<hbm>> -> memref<163842x256xf32, #tpu.memory_space<hbm>>
        tpu.enqueue_indirect_dma source(%dma_start3A_229 : memref<163842x256xf32, #tpu.memory_space<hbm>>) target(%dma_start3A_223 : memref<96x256xf32, #tpu.memory_space<vmem>>) offsets(%dma_start3A_226 : memref<96xi32, #tpu.memory_space<vmem>>) semaphore(%arg8 : memref<!tpu.dma_semaphore, #tpu.memory_space<semaphore_mem>>)
        %add3A_230 = arith.constant 2 : i32
        %add3A_231 = arith.addi %add3A_94, %add3A_230 : i32
        %mul3A_232 = arith.constant 16 : i32
        %mul3A_233 = arith.muli %add3A_231, %mul3A_232 : i32
        %add3A_234 = arith.addi %mul3A_2, %mul3A_233 : i32
        %dma_start3A_235 = arith.constant 0 : i32
        %dma_start3A_236 = arith.constant 96 : i32
        %dma_start3A_237 = arith.constant 0 : i32
        %dma_start3A_238 = tpu.memref_slice %arg6[%dma_start3A_235, %dma_start3A_236, %dma_start3A_237] : memref<2x112x256xf32, #tpu.memory_space<vmem>> -> memref<1x16x256xf32, #tpu.memory_space<vmem>>
        %dma_start3A_239 = tpu.memref_squeeze %dma_start3A_238 : memref<1x16x256xf32, #tpu.memory_space<vmem>> -> memref<16x256xf32, #tpu.memory_space<vmem>>
        %dma_start3A_240 = arith.constant 0 : i32
        %dma_start3A_241 = tpu.memref_slice %arg2[%add3A_234, %dma_start3A_240] : memref<163842x256xf32, #tpu.memory_space<hbm>> -> memref<16x256xf32, #tpu.memory_space<hbm>>
        %dma_start3A_242 = arith.constant 96 : i32
        %dma_start3A_243 = arith.constant 0 : i32
        %dma_start3A_244 = tpu.memref_slice %arg6[%dma_start3A_235, %dma_start3A_242, %dma_start3A_243] : memref<2x112x256xf32, #tpu.memory_space<vmem>> -> memref<1x16x256xf32, #tpu.memory_space<vmem>>
        %dma_start3A_245 = tpu.memref_squeeze %dma_start3A_244 : memref<1x16x256xf32, #tpu.memory_space<vmem>> -> memref<16x256xf32, #tpu.memory_space<vmem>>
        %dma_start3A_246 = arith.constant 0 : i32
        %dma_start3A_247 = tpu.memref_slice %arg2[%add3A_234, %dma_start3A_246] : memref<163842x256xf32, #tpu.memory_space<hbm>> -> memref<16x256xf32, #tpu.memory_space<hbm>>
        tpu.enqueue_dma source(%dma_start3A_247 : memref<16x256xf32, #tpu.memory_space<hbm>>) target(%dma_start3A_245 : memref<16x256xf32, #tpu.memory_space<vmem>>) target_semaphore(%arg10 : memref<!tpu.dma_semaphore, #tpu.memory_space<semaphore_mem>>)
      } else {
      }
      %mul3A_136 = arith.constant 16 : i32
      %mul3A_137 = arith.muli %add3A_94, %mul3A_136 : i32
      %add3A_138 = arith.addi %mul3A_2, %mul3A_137 : i32
      %dma_start3A_139 = arith.constant 0 : i32
      %dma_start3A_140 = arith.constant 0 : i32
      %dma_start3A_141 = arith.constant 0 : i32
      %dma_start3A_142 = tpu.memref_slice %arg7[%dma_start3A_139, %dma_start3A_140, %dma_start3A_141] : memref<2x16x256xf32, #tpu.memory_space<vmem>> -> memref<1x16x256xf32, #tpu.memory_space<vmem>>
      %dma_start3A_143 = tpu.memref_squeeze %dma_start3A_142 : memref<1x16x256xf32, #tpu.memory_space<vmem>> -> memref<16x256xf32, #tpu.memory_space<vmem>>
      %dma_start3A_144 = arith.constant 0 : i32
      %dma_start3A_145 = tpu.memref_slice %arg4[%add3A_138, %dma_start3A_144] : memref<41984x256xf32, #tpu.memory_space<hbm>> -> memref<16x256xf32, #tpu.memory_space<hbm>>
      %dma_start3A_146 = arith.constant 0 : i32
      %dma_start3A_147 = tpu.memref_slice %arg4[%add3A_138, %dma_start3A_146] : memref<41984x256xf32, #tpu.memory_space<hbm>> -> memref<16x256xf32, #tpu.memory_space<hbm>>
      %dma_start3A_148 = arith.constant 0 : i32
      %dma_start3A_149 = arith.constant 0 : i32
      %dma_start3A_150 = tpu.memref_slice %arg7[%dma_start3A_139, %dma_start3A_148, %dma_start3A_149] : memref<2x16x256xf32, #tpu.memory_space<vmem>> -> memref<1x16x256xf32, #tpu.memory_space<vmem>>
      %dma_start3A_151 = tpu.memref_squeeze %dma_start3A_150 : memref<1x16x256xf32, #tpu.memory_space<vmem>> -> memref<16x256xf32, #tpu.memory_space<vmem>>
      tpu.enqueue_dma source(%dma_start3A_151 : memref<16x256xf32, #tpu.memory_space<vmem>>) target(%dma_start3A_147 : memref<16x256xf32, #tpu.memory_space<hbm>>) target_semaphore(%arg12 : memref<!tpu.dma_semaphore, #tpu.memory_space<semaphore_mem>>)
      %mul3A_152 = arith.constant 2 : i32
      %mul3A_153 = arith.muli %mul3A_152, %scan3A_90 : i32
      %add3A_154 = arith.constant 1 : i32
      %add3A_155 = arith.addi %mul3A_153, %add3A_154 : i32
      %dma_wait3A_156 = arith.constant 1 : i32
      %dma_wait3A_157 = arith.constant 0 : i32
      %dma_wait3A_158 = arith.constant 0 : i32
      %dma_wait3A_159 = tpu.memref_slice %arg6[%dma_wait3A_156, %dma_wait3A_157, %dma_wait3A_158] : memref<2x112x256xf32, #tpu.memory_space<vmem>> -> memref<1x96x256xf32, #tpu.memory_space<vmem>>
      %dma_wait3A_160 = tpu.memref_squeeze %dma_wait3A_159 : memref<1x96x256xf32, #tpu.memory_space<vmem>> -> memref<96x256xf32, #tpu.memory_space<vmem>>
      %dma_wait3A_161 = arith.constant 0 : i32
      %dma_wait3A_162 = tpu.memref_slice %arg5[%add3A_155, %dma_wait3A_161] : memref<82x96xi32, #tpu.memory_space<vmem>> -> memref<1x96xi32, #tpu.memory_space<vmem>>
      %dma_wait3A_163 = tpu.memref_squeeze %dma_wait3A_162 : memref<1x96xi32, #tpu.memory_space<vmem>> -> memref<96xi32, #tpu.memory_space<vmem>>
      %dma_wait3A_164 = arith.constant 0 : i32
      %dma_wait3A_165 = arith.constant 0 : i32
      %dma_wait3A_166 = tpu.memref_slice %arg2[%dma_wait3A_164, %dma_wait3A_165] : memref<163842x256xf32, #tpu.memory_space<hbm>> -> memref<163842x256xf32, #tpu.memory_space<hbm>>
      tpu.wait_indirect_dma semaphore(%arg9 : memref<!tpu.dma_semaphore, #tpu.memory_space<semaphore_mem>>) src(%dma_wait3A_166 : memref<163842x256xf32, #tpu.memory_space<hbm>>) dst(%dma_wait3A_160 : memref<96x256xf32, #tpu.memory_space<vmem>>)
      %mul3A_167 = arith.constant 16 : i32
      %mul3A_168 = arith.muli %add3A_155, %mul3A_167 : i32
      %add3A_169 = arith.addi %mul3A_2, %mul3A_168 : i32
      %dma_wait3A_170 = arith.constant 1 : i32
      %dma_wait3A_171 = arith.constant 96 : i32
      %dma_wait3A_172 = arith.constant 0 : i32
      %dma_wait3A_173 = tpu.memref_slice %arg6[%dma_wait3A_170, %dma_wait3A_171, %dma_wait3A_172] : memref<2x112x256xf32, #tpu.memory_space<vmem>> -> memref<1x16x256xf32, #tpu.memory_space<vmem>>
      %dma_wait3A_174 = tpu.memref_squeeze %dma_wait3A_173 : memref<1x16x256xf32, #tpu.memory_space<vmem>> -> memref<16x256xf32, #tpu.memory_space<vmem>>
      %dma_wait3A_175 = arith.constant 0 : i32
      %dma_wait3A_176 = tpu.memref_slice %arg2[%add3A_169, %dma_wait3A_175] : memref<163842x256xf32, #tpu.memory_space<hbm>> -> memref<16x256xf32, #tpu.memory_space<hbm>>
      %dma_wait3A_177 = arith.constant 96 : i32
      %dma_wait3A_178 = arith.constant 0 : i32
      %dma_wait3A_179 = tpu.memref_slice %arg6[%dma_wait3A_170, %dma_wait3A_177, %dma_wait3A_178] : memref<2x112x256xf32, #tpu.memory_space<vmem>> -> memref<1x16x256xf32, #tpu.memory_space<vmem>>
      %dma_wait3A_180 = tpu.memref_squeeze %dma_wait3A_179 : memref<1x16x256xf32, #tpu.memory_space<vmem>> -> memref<16x256xf32, #tpu.memory_space<vmem>>
      %dma_wait3A_181 = arith.constant 0 : i32
      %dma_wait3A_182 = tpu.memref_slice %arg2[%add3A_169, %dma_wait3A_181] : memref<163842x256xf32, #tpu.memory_space<hbm>> -> memref<16x256xf32, #tpu.memory_space<hbm>>
      tpu.wait_dma2 semaphore(%arg11 : memref<!tpu.dma_semaphore, #tpu.memory_space<semaphore_mem>>) src(%dma_wait3A_182 : memref<16x256xf32, #tpu.memory_space<hbm>>) dst(%dma_wait3A_180 : memref<16x256xf32, #tpu.memory_space<vmem>>)
      %ge3A_183 = arith.constant 2 : i32
      %ge3A_184 = arith.cmpi sge, %add3A_155, %ge3A_183 : i32
      %convert_element_type3A_185 = arith.extui %ge3A_184 : i1 to i32
      %cond3A_186 = arith.constant 0 : i32
      %cond3A_187 = arith.cmpi ne, %convert_element_type3A_185, %cond3A_186 : i32
      scf.if %cond3A_187 {
        %sub3A = arith.constant 2 : i32
        %sub3A_217 = arith.subi %add3A_155, %sub3A : i32
        %mul3A_218 = arith.constant 16 : i32
        %mul3A_219 = arith.muli %sub3A_217, %mul3A_218 : i32
        %add3A_220 = arith.addi %mul3A_2, %mul3A_219 : i32
        %dma_wait3A_221 = arith.constant 1 : i32
        %dma_wait3A_222 = arith.constant 0 : i32
        %dma_wait3A_223 = arith.constant 0 : i32
        %dma_wait3A_224 = tpu.memref_slice %arg7[%dma_wait3A_221, %dma_wait3A_222, %dma_wait3A_223] : memref<2x16x256xf32, #tpu.memory_space<vmem>> -> memref<1x16x256xf32, #tpu.memory_space<vmem>>
        %dma_wait3A_225 = tpu.memref_squeeze %dma_wait3A_224 : memref<1x16x256xf32, #tpu.memory_space<vmem>> -> memref<16x256xf32, #tpu.memory_space<vmem>>
        %dma_wait3A_226 = arith.constant 0 : i32
        %dma_wait3A_227 = tpu.memref_slice %arg4[%add3A_220, %dma_wait3A_226] : memref<41984x256xf32, #tpu.memory_space<hbm>> -> memref<16x256xf32, #tpu.memory_space<hbm>>
        %dma_wait3A_228 = arith.constant 0 : i32
        %dma_wait3A_229 = tpu.memref_slice %arg4[%add3A_220, %dma_wait3A_228] : memref<41984x256xf32, #tpu.memory_space<hbm>> -> memref<16x256xf32, #tpu.memory_space<hbm>>
        %dma_wait3A_230 = arith.constant 0 : i32
        %dma_wait3A_231 = arith.constant 0 : i32
        %dma_wait3A_232 = tpu.memref_slice %arg7[%dma_wait3A_221, %dma_wait3A_230, %dma_wait3A_231] : memref<2x16x256xf32, #tpu.memory_space<vmem>> -> memref<1x16x256xf32, #tpu.memory_space<vmem>>
        %dma_wait3A_233 = tpu.memref_squeeze %dma_wait3A_232 : memref<1x16x256xf32, #tpu.memory_space<vmem>> -> memref<16x256xf32, #tpu.memory_space<vmem>>
        tpu.wait_dma2 semaphore(%arg13 : memref<!tpu.dma_semaphore, #tpu.memory_space<semaphore_mem>>) src(%dma_wait3A_233 : memref<16x256xf32, #tpu.memory_space<vmem>>) dst(%dma_wait3A_229 : memref<16x256xf32, #tpu.memory_space<hbm>>)
      } else {
      }
      %scan3A_188 = arith.constant 0 : i32
      %scan3A_189 = arith.constant 0 : i32
      %scan3A_190 = arith.constant 16 : i32
      %scan3A_191 = arith.addi %scan3A_189, %scan3A_190 : i32
      %scan3A_192 = arith.constant 1 : i32
      scf.for %scan3A_217 = %scan3A_189 to %scan3A_191 step %scan3A_192  : i32 {
        %mul3A_218 = arith.constant 6 : i32
        %mul3A_219 = arith.muli %scan3A_217, %mul3A_218 : i32
        %get3A = arith.constant 1 : i32
        %get3A_220 = arith.index_cast %get3A : i32 to index
        %get3A_221 = arith.index_cast %mul3A_219 : i32 to index
        %get3A_222 = arith.constant 0 : index
        %get3A_223 = tpu.vector_load %arg6[%get3A_220, %get3A_221, %get3A_222] {strides = array<i32>} : memref<2x112x256xf32, #tpu.memory_space<vmem>>, vector<1x1x16xf32>,
        %get3A_224 = vector.shape_cast %get3A_223 : vector<1x1x16xf32> to vector<16xf32>
        %add3A_225 = arith.constant 1 : i32
        %add3A_226 = arith.addi %mul3A_219, %add3A_225 : i32
        %get3A_227 = arith.constant 1 : i32
        %get3A_228 = arith.index_cast %get3A_227 : i32 to index
        %get3A_229 = arith.index_cast %add3A_226 : i32 to index
        %get3A_230 = arith.constant 0 : index
        %get3A_231 = tpu.vector_load %arg6[%get3A_228, %get3A_229, %get3A_230] {strides = array<i32>} : memref<2x112x256xf32, #tpu.memory_space<vmem>>, vector<1x1x16xf32>,
        %get3A_232 = vector.shape_cast %get3A_231 : vector<1x1x16xf32> to vector<16xf32>
        %max3A = arith.maximumf %get3A_224, %get3A_232 : vector<16xf32>
        %add3A_233 = arith.constant 2 : i32
        %add3A_234 = arith.addi %mul3A_219, %add3A_233 : i32
        %get3A_235 = arith.constant 1 : i32
        %get3A_236 = arith.index_cast %get3A_235 : i32 to index
        %get3A_237 = arith.index_cast %add3A_234 : i32 to index
        %get3A_238 = arith.constant 0 : index
        %get3A_239 = tpu.vector_load %arg6[%get3A_236, %get3A_237, %get3A_238] {strides = array<i32>} : memref<2x112x256xf32, #tpu.memory_space<vmem>>, vector<1x1x16xf32>,
        %get3A_240 = vector.shape_cast %get3A_239 : vector<1x1x16xf32> to vector<16xf32>
        %add3A_241 = arith.constant 3 : i32
        %add3A_242 = arith.addi %mul3A_219, %add3A_241 : i32
        %get3A_243 = arith.constant 1 : i32
        %get3A_244 = arith.index_cast %get3A_243 : i32 to index
        %get3A_245 = arith.index_cast %add3A_242 : i32 to index
        %get3A_246 = arith.constant 0 : index
        %get3A_247 = tpu.vector_load %arg6[%get3A_244, %get3A_245, %get3A_246] {strides = array<i32>} : memref<2x112x256xf32, #tpu.memory_space<vmem>>, vector<1x1x16xf32>,
        %get3A_248 = vector.shape_cast %get3A_247 : vector<1x1x16xf32> to vector<16xf32>
        %max3A_249 = arith.maximumf %get3A_240, %get3A_248 : vector<16xf32>
        %add3A_250 = arith.constant 4 : i32
        %add3A_251 = arith.addi %mul3A_219, %add3A_250 : i32
        %get3A_252 = arith.constant 1 : i32
        %get3A_253 = arith.index_cast %get3A_252 : i32 to index
        %get3A_254 = arith.index_cast %add3A_251 : i32 to index
        %get3A_255 = arith.constant 0 : index
        %get3A_256 = tpu.vector_load %arg6[%get3A_253, %get3A_254, %get3A_255] {strides = array<i32>} : memref<2x112x256xf32, #tpu.memory_space<vmem>>, vector<1x1x16xf32>,
        %get3A_257 = vector.shape_cast %get3A_256 : vector<1x1x16xf32> to vector<16xf32>
        %add3A_258 = arith.constant 5 : i32
        %add3A_259 = arith.addi %mul3A_219, %add3A_258 : i32
        %get3A_260 = arith.constant 1 : i32
        %get3A_261 = arith.index_cast %get3A_260 : i32 to index
        %get3A_262 = arith.index_cast %add3A_259 : i32 to index
        %get3A_263 = arith.constant 0 : index
        %get3A_264 = tpu.vector_load %arg6[%get3A_261, %get3A_262, %get3A_263] {strides = array<i32>} : memref<2x112x256xf32, #tpu.memory_space<vmem>>, vector<1x1x16xf32>,
        %get3A_265 = vector.shape_cast %get3A_264 : vector<1x1x16xf32> to vector<16xf32>
        %max3A_266 = arith.maximumf %get3A_257, %get3A_265 : vector<16xf32>
        %add3A_267 = arith.constant 96 : i32
        %add3A_268 = arith.addi %add3A_267, %scan3A_217 : i32
        %get3A_269 = arith.constant 1 : i32
        %get3A_270 = arith.index_cast %get3A_269 : i32 to index
        %get3A_271 = arith.index_cast %add3A_268 : i32 to index
        %get3A_272 = arith.constant 0 : index
        %get3A_273 = tpu.vector_load %arg6[%get3A_270, %get3A_271, %get3A_272] {strides = array<i32>} : memref<2x112x256xf32, #tpu.memory_space<vmem>>, vector<1x1x16xf32>,
        %get3A_274 = vector.shape_cast %get3A_273 : vector<1x1x16xf32> to vector<16xf32>
        %max3A_275 = arith.maximumf %max3A_266, %get3A_274 : vector<16xf32>
        %max3A_276 = arith.maximumf %max3A, %max3A_249 : vector<16xf32>
        %max3A_277 = arith.maximumf %max3A_276, %max3A_275 : vector<16xf32>
        %swap3A = arith.constant 1 : i32
        %swap3A_278 = arith.index_cast %swap3A : i32 to index
        %swap3A_279 = arith.index_cast %scan3A_217 : i32 to index
        %swap3A_280 = arith.constant 0 : index
        %swap3A_281 = tpu.vector_load %arg7[%swap3A_278, %swap3A_279, %swap3A_280] {strides = array<i32>} : memref<2x16x256xf32, #tpu.memory_space<vmem>>, vector<1x1x16xf32>,
        %swap3A_282 = vector.shape_cast %swap3A_281 : vector<1x1x16xf32> to vector<16xf32>
        %swap3A_283 = vector.shape_cast %max3A_277 : vector<16xf32> to vector<1x1x16xf32>
        tpu.vector_store %arg7[%swap3A_278, %swap3A_279, %swap3A_280], %swap3A_283 {strides = array<i32>} : memref<2x16x256xf32, #tpu.memory_space<vmem>>, vector<1x1x16xf32>,
        %get3A_284 = arith.constant 1 : i32
        %get3A_285 = arith.index_cast %get3A_284 : i32 to index
        %get3A_286 = arith.index_cast %mul3A_219 : i32 to index
        %get3A_287 = arith.constant 16 : index
        %get3A_288 = tpu.vector_load %arg6[%get3A_285, %get3A_286, %get3A_287] {strides = array<i32>} : memref<2x112x256xf32, #tpu.memory_space<vmem>>, vector<1x1x16xf32>,
        %get3A_289 = vector.shape_cast %get3A_288 : vector<1x1x16xf32> to vector<16xf32>
        %add3A_290 = arith.constant 1 : i32
        %add3A_291 = arith.addi %mul3A_219, %add3A_290 : i32
        %get3A_292 = arith.constant 1 : i32
        %get3A_293 = arith.index_cast %get3A_292 : i32 to index
        %get3A_294 = arith.index_cast %add3A_291 : i32 to index
        %get3A_295 = arith.constant 16 : index
        %get3A_296 = tpu.vector_load %arg6[%get3A_293, %get3A_294, %get3A_295] {strides = array<i32>} : memref<2x112x256xf32, #tpu.memory_space<vmem>>, vector<1x1x16xf32>,
        %get3A_297 = vector.shape_cast %get3A_296 : vector<1x1x16xf32> to vector<16xf32>
        %max3A_298 = arith.maximumf %get3A_289, %get3A_297 : vector<16xf32>
        %add3A_299 = arith.constant 2 : i32
        %add3A_300 = arith.addi %mul3A_219, %add3A_299 : i32
        %get3A_301 = arith.constant 1 : i32
        %get3A_302 = arith.index_cast %get3A_301 : i32 to index
        %get3A_303 = arith.index_cast %add3A_300 : i32 to index
        %get3A_304 = arith.constant 16 : index
        %get3A_305 = tpu.vector_load %arg6[%get3A_302, %get3A_303, %get3A_304] {strides = array<i32>} : memref<2x112x256xf32, #tpu.memory_space<vmem>>, vector<1x1x16xf32>,
        %get3A_306 = vector.shape_cast %get3A_305 : vector<1x1x16xf32> to vector<16xf32>
        %add3A_307 = arith.constant 3 : i32
        %add3A_308 = arith.addi %mul3A_219, %add3A_307 : i32
        %get3A_309 = arith.constant 1 : i32
        %get3A_310 = arith.index_cast %get3A_309 : i32 to index
        %get3A_311 = arith.index_cast %add3A_308 : i32 to index
        %get3A_312 = arith.constant 16 : index
        %get3A_313 = tpu.vector_load %arg6[%get3A_310, %get3A_311, %get3A_312] {strides = array<i32>} : memref<2x112x256xf32, #tpu.memory_space<vmem>>, vector<1x1x16xf32>,
        %get3A_314 = vector.shape_cast %get3A_313 : vector<1x1x16xf32> to vector<16xf32>
        %max3A_315 = arith.maximumf %get3A_306, %get3A_314 : vector<16xf32>
        %add3A_316 = arith.constant 4 : i32
        %add3A_317 = arith.addi %mul3A_219, %add3A_316 : i32
        %get3A_318 = arith.constant 1 : i32
        %get3A_319 = arith.index_cast %get3A_318 : i32 to index
        %get3A_320 = arith.index_cast %add3A_317 : i32 to index
        %get3A_321 = arith.constant 16 : index
        %get3A_322 = tpu.vector_load %arg6[%get3A_319, %get3A_320, %get3A_321] {strides = array<i32>} : memref<2x112x256xf32, #tpu.memory_space<vmem>>, vector<1x1x16xf32>,
        %get3A_323 = vector.shape_cast %get3A_322 : vector<1x1x16xf32> to vector<16xf32>
        %add3A_324 = arith.constant 5 : i32
        %add3A_325 = arith.addi %mul3A_219, %add3A_324 : i32
        %get3A_326 = arith.constant 1 : i32
        %get3A_327 = arith.index_cast %get3A_326 : i32 to index
        %get3A_328 = arith.index_cast %add3A_325 : i32 to index
        %get3A_329 = arith.constant 16 : index
        %get3A_330 = tpu.vector_load %arg6[%get3A_327, %get3A_328, %get3A_329] {strides = array<i32>} : memref<2x112x256xf32, #tpu.memory_space<vmem>>, vector<1x1x16xf32>,
        %get3A_331 = vector.shape_cast %get3A_330 : vector<1x1x16xf32> to vector<16xf32>
        %max3A_332 = arith.maximumf %get3A_323, %get3A_331 : vector<16xf32>
        %add3A_333 = arith.constant 96 : i32
        %add3A_334 = arith.addi %add3A_333, %scan3A_217 : i32
        %get3A_335 = arith.constant 1 : i32
        %get3A_336 = arith.index_cast %get3A_335 : i32 to index
        %get3A_337 = arith.index_cast %add3A_334 : i32 to index
        %get3A_338 = arith.constant 16 : index
        %get3A_339 = tpu.vector_load %arg6[%get3A_336, %get3A_337, %get3A_338] {strides = array<i32>} : memref<2x112x256xf32, #tpu.memory_space<vmem>>, vector<1x1x16xf32>,
        %get3A_340 = vector.shape_cast %get3A_339 : vector<1x1x16xf32> to vector<16xf32>
        %max3A_341 = arith.maximumf %max3A_332, %get3A_340 : vector<16xf32>
        %max3A_342 = arith.maximumf %max3A_298, %max3A_315 : vector<16xf32>
        %max3A_343 = arith.maximumf %max3A_342, %max3A_341 : vector<16xf32>
        %swap3A_344 = arith.constant 1 : i32
        %swap3A_345 = arith.index_cast %swap3A_344 : i32 to index
        %swap3A_346 = arith.index_cast %scan3A_217 : i32 to index
        %swap3A_347 = arith.constant 16 : index
        %swap3A_348 = tpu.vector_load %arg7[%swap3A_345, %swap3A_346, %swap3A_347] {strides = array<i32>} : memref<2x16x256xf32, #tpu.memory_space<vmem>>, vector<1x1x16xf32>,
        %swap3A_349 = vector.shape_cast %swap3A_348 : vector<1x1x16xf32> to vector<16xf32>
        %swap3A_350 = vector.shape_cast %max3A_343 : vector<16xf32> to vector<1x1x16xf32>
        tpu.vector_store %arg7[%swap3A_345, %swap3A_346, %swap3A_347], %swap3A_350 {strides = array<i32>} : memref<2x16x256xf32, #tpu.memory_space<vmem>>, vector<1x1x16xf32>,
        %get3A_351 = arith.constant 1 : i32
        %get3A_352 = arith.index_cast %get3A_351 : i32 to index
        %get3A_353 = arith.index_cast %mul3A_219 : i32 to index
        %get3A_354 = arith.constant 32 : index
        %get3A_355 = tpu.vector_load %arg6[%get3A_352, %get3A_353, %get3A_354] {strides = array<i32>} : memref<2x112x256xf32, #tpu.memory_space<vmem>>, vector<1x1x16xf32>,
        %get3A_356 = vector.shape_cast %get3A_355 : vector<1x1x16xf32> to vector<16xf32>
        %add3A_357 = arith.constant 1 : i32
        %add3A_358 = arith.addi %mul3A_219, %add3A_357 : i32
        %get3A_359 = arith.constant 1 : i32
        %get3A_360 = arith.index_cast %get3A_359 : i32 to index
        %get3A_361 = arith.index_cast %add3A_358 : i32 to index
        %get3A_362 = arith.constant 32 : index
        %get3A_363 = tpu.vector_load %arg6[%get3A_360, %get3A_361, %get3A_362] {strides = array<i32>} : memref<2x112x256xf32, #tpu.memory_space<vmem>>, vector<1x1x16xf32>,
        %get3A_364 = vector.shape_cast %get3A_363 : vector<1x1x16xf32> to vector<16xf32>
        %max3A_365 = arith.maximumf %get3A_356, %get3A_364 : vector<16xf32>
        %add3A_366 = arith.constant 2 : i32
        %add3A_367 = arith.addi %mul3A_219, %add3A_366 : i32
        %get3A_368 = arith.constant 1 : i32
        %get3A_369 = arith.index_cast %get3A_368 : i32 to index
        %get3A_370 = arith.index_cast %add3A_367 : i32 to index
        %get3A_371 = arith.constant 32 : index
        %get3A_372 = tpu.vector_load %arg6[%get3A_369, %get3A_370, %get3A_371] {strides = array<i32>} : memref<2x112x256xf32, #tpu.memory_space<vmem>>, vector<1x1x16xf32>,
        %get3A_373 = vector.shape_cast %get3A_372 : vector<1x1x16xf32> to vector<16xf32>
        %add3A_374 = arith.constant 3 : i32
        %add3A_375 = arith.addi %mul3A_219, %add3A_374 : i32
        %get3A_376 = arith.constant 1 : i32
        %get3A_377 = arith.index_cast %get3A_376 : i32 to index
        %get3A_378 = arith.index_cast %add3A_375 : i32 to index
        %get3A_379 = arith.constant 32 : index
        %get3A_380 = tpu.vector_load %arg6[%get3A_377, %get3A_378, %get3A_379] {strides = array<i32>} : memref<2x112x256xf32, #tpu.memory_space<vmem>>, vector<1x1x16xf32>,
        %get3A_381 = vector.shape_cast %get3A_380 : vector<1x1x16xf32> to vector<16xf32>
        %max3A_382 = arith.maximumf %get3A_373, %get3A_381 : vector<16xf32>
        %add3A_383 = arith.constant 4 : i32
        %add3A_384 = arith.addi %mul3A_219, %add3A_383 : i32
        %get3A_385 = arith.constant 1 : i32
        %get3A_386 = arith.index_cast %get3A_385 : i32 to index
        %get3A_387 = arith.index_cast %add3A_384 : i32 to index
        %get3A_388 = arith.constant 32 : index
        %get3A_389 = tpu.vector_load %arg6[%get3A_386, %get3A_387, %get3A_388] {strides = array<i32>} : memref<2x112x256xf32, #tpu.memory_space<vmem>>, vector<1x1x16xf32>,
        %get3A_390 = vector.shape_cast %get3A_389 : vector<1x1x16xf32> to vector<16xf32>
        %add3A_391 = arith.constant 5 : i32
        %add3A_392 = arith.addi %mul3A_219, %add3A_391 : i32
        %get3A_393 = arith.constant 1 : i32
        %get3A_394 = arith.index_cast %get3A_393 : i32 to index
        %get3A_395 = arith.index_cast %add3A_392 : i32 to index
        %get3A_396 = arith.constant 32 : index
        %get3A_397 = tpu.vector_load %arg6[%get3A_394, %get3A_395, %get3A_396] {strides = array<i32>} : memref<2x112x256xf32, #tpu.memory_space<vmem>>, vector<1x1x16xf32>,
        %get3A_398 = vector.shape_cast %get3A_397 : vector<1x1x16xf32> to vector<16xf32>
        %max3A_399 = arith.maximumf %get3A_390, %get3A_398 : vector<16xf32>
        %add3A_400 = arith.constant 96 : i32
        %add3A_401 = arith.addi %add3A_400, %scan3A_217 : i32
        %get3A_402 = arith.constant 1 : i32
        %get3A_403 = arith.index_cast %get3A_402 : i32 to index
        %get3A_404 = arith.index_cast %add3A_401 : i32 to index
        %get3A_405 = arith.constant 32 : index
        %get3A_406 = tpu.vector_load %arg6[%get3A_403, %get3A_404, %get3A_405] {strides = array<i32>} : memref<2x112x256xf32, #tpu.memory_space<vmem>>, vector<1x1x16xf32>,
        %get3A_407 = vector.shape_cast %get3A_406 : vector<1x1x16xf32> to vector<16xf32>
        %max3A_408 = arith.maximumf %max3A_399, %get3A_407 : vector<16xf32>
        %max3A_409 = arith.maximumf %max3A_365, %max3A_382 : vector<16xf32>
        %max3A_410 = arith.maximumf %max3A_409, %max3A_408 : vector<16xf32>
        %swap3A_411 = arith.constant 1 : i32
        %swap3A_412 = arith.index_cast %swap3A_411 : i32 to index
        %swap3A_413 = arith.index_cast %scan3A_217 : i32 to index
        %swap3A_414 = arith.constant 32 : index
        %swap3A_415 = tpu.vector_load %arg7[%swap3A_412, %swap3A_413, %swap3A_414] {strides = array<i32>} : memref<2x16x256xf32, #tpu.memory_space<vmem>>, vector<1x1x16xf32>,
        %swap3A_416 = vector.shape_cast %swap3A_415 : vector<1x1x16xf32> to vector<16xf32>
        %swap3A_417 = vector.shape_cast %max3A_410 : vector<16xf32> to vector<1x1x16xf32>
        tpu.vector_store %arg7[%swap3A_412, %swap3A_413, %swap3A_414], %swap3A_417 {strides = array<i32>} : memref<2x16x256xf32, #tpu.memory_space<vmem>>, vector<1x1x16xf32>,
        %get3A_418 = arith.constant 1 : i32
        %get3A_419 = arith.index_cast %get3A_418 : i32 to index
        %get3A_420 = arith.index_cast %mul3A_219 : i32 to index
        %get3A_421 = arith.constant 48 : index
        %get3A_422 = tpu.vector_load %arg6[%get3A_419, %get3A_420, %get3A_421] {strides = array<i32>} : memref<2x112x256xf32, #tpu.memory_space<vmem>>, vector<1x1x16xf32>,
        %get3A_423 = vector.shape_cast %get3A_422 : vector<1x1x16xf32> to vector<16xf32>
        %add3A_424 = arith.constant 1 : i32
        %add3A_425 = arith.addi %mul3A_219, %add3A_424 : i32
        %get3A_426 = arith.constant 1 : i32
        %get3A_427 = arith.index_cast %get3A_426 : i32 to index
        %get3A_428 = arith.index_cast %add3A_425 : i32 to index
        %get3A_429 = arith.constant 48 : index
        %get3A_430 = tpu.vector_load %arg6[%get3A_427, %get3A_428, %get3A_429] {strides = array<i32>} : memref<2x112x256xf32, #tpu.memory_space<vmem>>, vector<1x1x16xf32>,
        %get3A_431 = vector.shape_cast %get3A_430 : vector<1x1x16xf32> to vector<16xf32>
        %max3A_432 = arith.maximumf %get3A_423, %get3A_431 : vector<16xf32>
        %add3A_433 = arith.constant 2 : i32
        %add3A_434 = arith.addi %mul3A_219, %add3A_433 : i32
        %get3A_435 = arith.constant 1 : i32
        %get3A_436 = arith.index_cast %get3A_435 : i32 to index
        %get3A_437 = arith.index_cast %add3A_434 : i32 to index
        %get3A_438 = arith.constant 48 : index
        %get3A_439 = tpu.vector_load %arg6[%get3A_436, %get3A_437, %get3A_438] {strides = array<i32>} : memref<2x112x256xf32, #tpu.memory_space<vmem>>, vector<1x1x16xf32>,
        %get3A_440 = vector.shape_cast %get3A_439 : vector<1x1x16xf32> to vector<16xf32>
        %add3A_441 = arith.constant 3 : i32
        %add3A_442 = arith.addi %mul3A_219, %add3A_441 : i32
        %get3A_443 = arith.constant 1 : i32
        %get3A_444 = arith.index_cast %get3A_443 : i32 to index
        %get3A_445 = arith.index_cast %add3A_442 : i32 to index
        %get3A_446 = arith.constant 48 : index
        %get3A_447 = tpu.vector_load %arg6[%get3A_444, %get3A_445, %get3A_446] {strides = array<i32>} : memref<2x112x256xf32, #tpu.memory_space<vmem>>, vector<1x1x16xf32>,
        %get3A_448 = vector.shape_cast %get3A_447 : vector<1x1x16xf32> to vector<16xf32>
        %max3A_449 = arith.maximumf %get3A_440, %get3A_448 : vector<16xf32>
        %add3A_450 = arith.constant 4 : i32
        %add3A_451 = arith.addi %mul3A_219, %add3A_450 : i32
        %get3A_452 = arith.constant 1 : i32
        %get3A_453 = arith.index_cast %get3A_452 : i32 to index
        %get3A_454 = arith.index_cast %add3A_451 : i32 to index
        %get3A_455 = arith.constant 48 : index
        %get3A_456 = tpu.vector_load %arg6[%get3A_453, %get3A_454, %get3A_455] {strides = array<i32>} : memref<2x112x256xf32, #tpu.memory_space<vmem>>, vector<1x1x16xf32>,
        %get3A_457 = vector.shape_cast %get3A_456 : vector<1x1x16xf32> to vector<16xf32>
        %add3A_458 = arith.constant 5 : i32
        %add3A_459 = arith.addi %mul3A_219, %add3A_458 : i32
        %get3A_460 = arith.constant 1 : i32
        %get3A_461 = arith.index_cast %get3A_460 : i32 to index
        %get3A_462 = arith.index_cast %add3A_459 : i32 to index
        %get3A_463 = arith.constant 48 : index
        %get3A_464 = tpu.vector_load %arg6[%get3A_461, %get3A_462, %get3A_463] {strides = array<i32>} : memref<2x112x256xf32, #tpu.memory_space<vmem>>, vector<1x1x16xf32>,
        %get3A_465 = vector.shape_cast %get3A_464 : vector<1x1x16xf32> to vector<16xf32>
        %max3A_466 = arith.maximumf %get3A_457, %get3A_465 : vector<16xf32>
        %add3A_467 = arith.constant 96 : i32
        %add3A_468 = arith.addi %add3A_467, %scan3A_217 : i32
        %get3A_469 = arith.constant 1 : i32
        %get3A_470 = arith.index_cast %get3A_469 : i32 to index
        %get3A_471 = arith.index_cast %add3A_468 : i32 to index
        %get3A_472 = arith.constant 48 : index
        %get3A_473 = tpu.vector_load %arg6[%get3A_470, %get3A_471, %get3A_472] {strides = array<i32>} : memref<2x112x256xf32, #tpu.memory_space<vmem>>, vector<1x1x16xf32>,
        %get3A_474 = vector.shape_cast %get3A_473 : vector<1x1x16xf32> to vector<16xf32>
        %max3A_475 = arith.maximumf %max3A_466, %get3A_474 : vector<16xf32>
        %max3A_476 = arith.maximumf %max3A_432, %max3A_449 : vector<16xf32>
        %max3A_477 = arith.maximumf %max3A_476, %max3A_475 : vector<16xf32>
        %swap3A_478 = arith.constant 1 : i32
        %swap3A_479 = arith.index_cast %swap3A_478 : i32 to index
        %swap3A_480 = arith.index_cast %scan3A_217 : i32 to index
        %swap3A_481 = arith.constant 48 : index
        %swap3A_482 = tpu.vector_load %arg7[%swap3A_479, %swap3A_480, %swap3A_481] {strides = array<i32>} : memref<2x16x256xf32, #tpu.memory_space<vmem>>, vector<1x1x16xf32>,
        %swap3A_483 = vector.shape_cast %swap3A_482 : vector<1x1x16xf32> to vector<16xf32>
        %swap3A_484 = vector.shape_cast %max3A_477 : vector<16xf32> to vector<1x1x16xf32>
        tpu.vector_store %arg7[%swap3A_479, %swap3A_480, %swap3A_481], %swap3A_484 {strides = array<i32>} : memref<2x16x256xf32, #tpu.memory_space<vmem>>, vector<1x1x16xf32>,
        %get3A_485 = arith.constant 1 : i32
        %get3A_486 = arith.index_cast %get3A_485 : i32 to index
        %get3A_487 = arith.index_cast %mul3A_219 : i32 to index
        %get3A_488 = arith.constant 64 : index
        %get3A_489 = tpu.vector_load %arg6[%get3A_486, %get3A_487, %get3A_488] {strides = array<i32>} : memref<2x112x256xf32, #tpu.memory_space<vmem>>, vector<1x1x16xf32>,
        %get3A_490 = vector.shape_cast %get3A_489 : vector<1x1x16xf32> to vector<16xf32>
        %add3A_491 = arith.constant 1 : i32
        %add3A_492 = arith.addi %mul3A_219, %add3A_491 : i32
        %get3A_493 = arith.constant 1 : i32
        %get3A_494 = arith.index_cast %get3A_493 : i32 to index
        %get3A_495 = arith.index_cast %add3A_492 : i32 to index
        %get3A_496 = arith.constant 64 : index
        %get3A_497 = tpu.vector_load %arg6[%get3A_494, %get3A_495, %get3A_496] {strides = array<i32>} : memref<2x112x256xf32, #tpu.memory_space<vmem>>, vector<1x1x16xf32>,
        %get3A_498 = vector.shape_cast %get3A_497 : vector<1x1x16xf32> to vector<16xf32>
        %max3A_499 = arith.maximumf %get3A_490, %get3A_498 : vector<16xf32>
        %add3A_500 = arith.constant 2 : i32
        %add3A_501 = arith.addi %mul3A_219, %add3A_500 : i32
        %get3A_502 = arith.constant 1 : i32
        %get3A_503 = arith.index_cast %get3A_502 : i32 to index
        %get3A_504 = arith.index_cast %add3A_501 : i32 to index
        %get3A_505 = arith.constant 64 : index
        %get3A_506 = tpu.vector_load %arg6[%get3A_503, %get3A_504, %get3A_505] {strides = array<i32>} : memref<2x112x256xf32, #tpu.memory_space<vmem>>, vector<1x1x16xf32>,
        %get3A_507 = vector.shape_cast %get3A_506 : vector<1x1x16xf32> to vector<16xf32>
        %add3A_508 = arith.constant 3 : i32
        %add3A_509 = arith.addi %mul3A_219, %add3A_508 : i32
        %get3A_510 = arith.constant 1 : i32
        %get3A_511 = arith.index_cast %get3A_510 : i32 to index
        %get3A_512 = arith.index_cast %add3A_509 : i32 to index
        %get3A_513 = arith.constant 64 : index
        %get3A_514 = tpu.vector_load %arg6[%get3A_511, %get3A_512, %get3A_513] {strides = array<i32>} : memref<2x112x256xf32, #tpu.memory_space<vmem>>, vector<1x1x16xf32>,
        %get3A_515 = vector.shape_cast %get3A_514 : vector<1x1x16xf32> to vector<16xf32>
        %max3A_516 = arith.maximumf %get3A_507, %get3A_515 : vector<16xf32>
        %add3A_517 = arith.constant 4 : i32
        %add3A_518 = arith.addi %mul3A_219, %add3A_517 : i32
        %get3A_519 = arith.constant 1 : i32
        %get3A_520 = arith.index_cast %get3A_519 : i32 to index
        %get3A_521 = arith.index_cast %add3A_518 : i32 to index
        %get3A_522 = arith.constant 64 : index
        %get3A_523 = tpu.vector_load %arg6[%get3A_520, %get3A_521, %get3A_522] {strides = array<i32>} : memref<2x112x256xf32, #tpu.memory_space<vmem>>, vector<1x1x16xf32>,
        %get3A_524 = vector.shape_cast %get3A_523 : vector<1x1x16xf32> to vector<16xf32>
        %add3A_525 = arith.constant 5 : i32
        %add3A_526 = arith.addi %mul3A_219, %add3A_525 : i32
        %get3A_527 = arith.constant 1 : i32
        %get3A_528 = arith.index_cast %get3A_527 : i32 to index
        %get3A_529 = arith.index_cast %add3A_526 : i32 to index
        %get3A_530 = arith.constant 64 : index
        %get3A_531 = tpu.vector_load %arg6[%get3A_528, %get3A_529, %get3A_530] {strides = array<i32>} : memref<2x112x256xf32, #tpu.memory_space<vmem>>, vector<1x1x16xf32>,
        %get3A_532 = vector.shape_cast %get3A_531 : vector<1x1x16xf32> to vector<16xf32>
        %max3A_533 = arith.maximumf %get3A_524, %get3A_532 : vector<16xf32>
        %add3A_534 = arith.constant 96 : i32
        %add3A_535 = arith.addi %add3A_534, %scan3A_217 : i32
        %get3A_536 = arith.constant 1 : i32
        %get3A_537 = arith.index_cast %get3A_536 : i32 to index
        %get3A_538 = arith.index_cast %add3A_535 : i32 to index
        %get3A_539 = arith.constant 64 : index
        %get3A_540 = tpu.vector_load %arg6[%get3A_537, %get3A_538, %get3A_539] {strides = array<i32>} : memref<2x112x256xf32, #tpu.memory_space<vmem>>, vector<1x1x16xf32>,
        %get3A_541 = vector.shape_cast %get3A_540 : vector<1x1x16xf32> to vector<16xf32>
        %max3A_542 = arith.maximumf %max3A_533, %get3A_541 : vector<16xf32>
        %max3A_543 = arith.maximumf %max3A_499, %max3A_516 : vector<16xf32>
        %max3A_544 = arith.maximumf %max3A_543, %max3A_542 : vector<16xf32>
        %swap3A_545 = arith.constant 1 : i32
        %swap3A_546 = arith.index_cast %swap3A_545 : i32 to index
        %swap3A_547 = arith.index_cast %scan3A_217 : i32 to index
        %swap3A_548 = arith.constant 64 : index
        %swap3A_549 = tpu.vector_load %arg7[%swap3A_546, %swap3A_547, %swap3A_548] {strides = array<i32>} : memref<2x16x256xf32, #tpu.memory_space<vmem>>, vector<1x1x16xf32>,
        %swap3A_550 = vector.shape_cast %swap3A_549 : vector<1x1x16xf32> to vector<16xf32>
        %swap3A_551 = vector.shape_cast %max3A_544 : vector<16xf32> to vector<1x1x16xf32>
        tpu.vector_store %arg7[%swap3A_546, %swap3A_547, %swap3A_548], %swap3A_551 {strides = array<i32>} : memref<2x16x256xf32, #tpu.memory_space<vmem>>, vector<1x1x16xf32>,
        %get3A_552 = arith.constant 1 : i32
        %get3A_553 = arith.index_cast %get3A_552 : i32 to index
        %get3A_554 = arith.index_cast %mul3A_219 : i32 to index
        %get3A_555 = arith.constant 80 : index
        %get3A_556 = tpu.vector_load %arg6[%get3A_553, %get3A_554, %get3A_555] {strides = array<i32>} : memref<2x112x256xf32, #tpu.memory_space<vmem>>, vector<1x1x16xf32>,
        %get3A_557 = vector.shape_cast %get3A_556 : vector<1x1x16xf32> to vector<16xf32>
        %add3A_558 = arith.constant 1 : i32
        %add3A_559 = arith.addi %mul3A_219, %add3A_558 : i32
        %get3A_560 = arith.constant 1 : i32
        %get3A_561 = arith.index_cast %get3A_560 : i32 to index
        %get3A_562 = arith.index_cast %add3A_559 : i32 to index
        %get3A_563 = arith.constant 80 : index
        %get3A_564 = tpu.vector_load %arg6[%get3A_561, %get3A_562, %get3A_563] {strides = array<i32>} : memref<2x112x256xf32, #tpu.memory_space<vmem>>, vector<1x1x16xf32>,
        %get3A_565 = vector.shape_cast %get3A_564 : vector<1x1x16xf32> to vector<16xf32>
        %max3A_566 = arith.maximumf %get3A_557, %get3A_565 : vector<16xf32>
        %add3A_567 = arith.constant 2 : i32
        %add3A_568 = arith.addi %mul3A_219, %add3A_567 : i32
        %get3A_569 = arith.constant 1 : i32
        %get3A_570 = arith.index_cast %get3A_569 : i32 to index
        %get3A_571 = arith.index_cast %add3A_568 : i32 to index
        %get3A_572 = arith.constant 80 : index
        %get3A_573 = tpu.vector_load %arg6[%get3A_570, %get3A_571, %get3A_572] {strides = array<i32>} : memref<2x112x256xf32, #tpu.memory_space<vmem>>, vector<1x1x16xf32>,
        %get3A_574 = vector.shape_cast %get3A_573 : vector<1x1x16xf32> to vector<16xf32>
        %add3A_575 = arith.constant 3 : i32
        %add3A_576 = arith.addi %mul3A_219, %add3A_575 : i32
        %get3A_577 = arith.constant 1 : i32
        %get3A_578 = arith.index_cast %get3A_577 : i32 to index
        %get3A_579 = arith.index_cast %add3A_576 : i32 to index
        %get3A_580 = arith.constant 80 : index
        %get3A_581 = tpu.vector_load %arg6[%get3A_578, %get3A_579, %get3A_580] {strides = array<i32>} : memref<2x112x256xf32, #tpu.memory_space<vmem>>, vector<1x1x16xf32>,
        %get3A_582 = vector.shape_cast %get3A_581 : vector<1x1x16xf32> to vector<16xf32>
        %max3A_583 = arith.maximumf %get3A_574, %get3A_582 : vector<16xf32>
        %add3A_584 = arith.constant 4 : i32
        %add3A_585 = arith.addi %mul3A_219, %add3A_584 : i32
        %get3A_586 = arith.constant 1 : i32
        %get3A_587 = arith.index_cast %get3A_586 : i32 to index
        %get3A_588 = arith.index_cast %add3A_585 : i32 to index
        %get3A_589 = arith.constant 80 : index
        %get3A_590 = tpu.vector_load %arg6[%get3A_587, %get3A_588, %get3A_589] {strides = array<i32>} : memref<2x112x256xf32, #tpu.memory_space<vmem>>, vector<1x1x16xf32>,
        %get3A_591 = vector.shape_cast %get3A_590 : vector<1x1x16xf32> to vector<16xf32>
        %add3A_592 = arith.constant 5 : i32
        %add3A_593 = arith.addi %mul3A_219, %add3A_592 : i32
        %get3A_594 = arith.constant 1 : i32
        %get3A_595 = arith.index_cast %get3A_594 : i32 to index
        %get3A_596 = arith.index_cast %add3A_593 : i32 to index
        %get3A_597 = arith.constant 80 : index
        %get3A_598 = tpu.vector_load %arg6[%get3A_595, %get3A_596, %get3A_597] {strides = array<i32>} : memref<2x112x256xf32, #tpu.memory_space<vmem>>, vector<1x1x16xf32>,
        %get3A_599 = vector.shape_cast %get3A_598 : vector<1x1x16xf32> to vector<16xf32>
        %max3A_600 = arith.maximumf %get3A_591, %get3A_599 : vector<16xf32>
        %add3A_601 = arith.constant 96 : i32
        %add3A_602 = arith.addi %add3A_601, %scan3A_217 : i32
        %get3A_603 = arith.constant 1 : i32
        %get3A_604 = arith.index_cast %get3A_603 : i32 to index
        %get3A_605 = arith.index_cast %add3A_602 : i32 to index
        %get3A_606 = arith.constant 80 : index
        %get3A_607 = tpu.vector_load %arg6[%get3A_604, %get3A_605, %get3A_606] {strides = array<i32>} : memref<2x112x256xf32, #tpu.memory_space<vmem>>, vector<1x1x16xf32>,
        %get3A_608 = vector.shape_cast %get3A_607 : vector<1x1x16xf32> to vector<16xf32>
        %max3A_609 = arith.maximumf %max3A_600, %get3A_608 : vector<16xf32>
        %max3A_610 = arith.maximumf %max3A_566, %max3A_583 : vector<16xf32>
        %max3A_611 = arith.maximumf %max3A_610, %max3A_609 : vector<16xf32>
        %swap3A_612 = arith.constant 1 : i32
        %swap3A_613 = arith.index_cast %swap3A_612 : i32 to index
        %swap3A_614 = arith.index_cast %scan3A_217 : i32 to index
        %swap3A_615 = arith.constant 80 : index
        %swap3A_616 = tpu.vector_load %arg7[%swap3A_613, %swap3A_614, %swap3A_615] {strides = array<i32>} : memref<2x16x256xf32, #tpu.memory_space<vmem>>, vector<1x1x16xf32>,
        %swap3A_617 = vector.shape_cast %swap3A_616 : vector<1x1x16xf32> to vector<16xf32>
        %swap3A_618 = vector.shape_cast %max3A_611 : vector<16xf32> to vector<1x1x16xf32>
        tpu.vector_store %arg7[%swap3A_613, %swap3A_614, %swap3A_615], %swap3A_618 {strides = array<i32>} : memref<2x16x256xf32, #tpu.memory_space<vmem>>, vector<1x1x16xf32>,
        %get3A_619 = arith.constant 1 : i32
        %get3A_620 = arith.index_cast %get3A_619 : i32 to index
        %get3A_621 = arith.index_cast %mul3A_219 : i32 to index
        %get3A_622 = arith.constant 96 : index
        %get3A_623 = tpu.vector_load %arg6[%get3A_620, %get3A_621, %get3A_622] {strides = array<i32>} : memref<2x112x256xf32, #tpu.memory_space<vmem>>, vector<1x1x16xf32>,
        %get3A_624 = vector.shape_cast %get3A_623 : vector<1x1x16xf32> to vector<16xf32>
        %add3A_625 = arith.constant 1 : i32
        %add3A_626 = arith.addi %mul3A_219, %add3A_625 : i32
        %get3A_627 = arith.constant 1 : i32
        %get3A_628 = arith.index_cast %get3A_627 : i32 to index
        %get3A_629 = arith.index_cast %add3A_626 : i32 to index
        %get3A_630 = arith.constant 96 : index
        %get3A_631 = tpu.vector_load %arg6[%get3A_628, %get3A_629, %get3A_630] {strides = array<i32>} : memref<2x112x256xf32, #tpu.memory_space<vmem>>, vector<1x1x16xf32>,
        %get3A_632 = vector.shape_cast %get3A_631 : vector<1x1x16xf32> to vector<16xf32>
        %max3A_633 = arith.maximumf %get3A_624, %get3A_632 : vector<16xf32>
        %add3A_634 = arith.constant 2 : i32
        %add3A_635 = arith.addi %mul3A_219, %add3A_634 : i32
        %get3A_636 = arith.constant 1 : i32
        %get3A_637 = arith.index_cast %get3A_636 : i32 to index
        %get3A_638 = arith.index_cast %add3A_635 : i32 to index
        %get3A_639 = arith.constant 96 : index
        %get3A_640 = tpu.vector_load %arg6[%get3A_637, %get3A_638, %get3A_639] {strides = array<i32>} : memref<2x112x256xf32, #tpu.memory_space<vmem>>, vector<1x1x16xf32>,
        %get3A_641 = vector.shape_cast %get3A_640 : vector<1x1x16xf32> to vector<16xf32>
        %add3A_642 = arith.constant 3 : i32
        %add3A_643 = arith.addi %mul3A_219, %add3A_642 : i32
        %get3A_644 = arith.constant 1 : i32
        %get3A_645 = arith.index_cast %get3A_644 : i32 to index
        %get3A_646 = arith.index_cast %add3A_643 : i32 to index
        %get3A_647 = arith.constant 96 : index
        %get3A_648 = tpu.vector_load %arg6[%get3A_645, %get3A_646, %get3A_647] {strides = array<i32>} : memref<2x112x256xf32, #tpu.memory_space<vmem>>, vector<1x1x16xf32>,
        %get3A_649 = vector.shape_cast %get3A_648 : vector<1x1x16xf32> to vector<16xf32>
        %max3A_650 = arith.maximumf %get3A_641, %get3A_649 : vector<16xf32>
        %add3A_651 = arith.constant 4 : i32
        %add3A_652 = arith.addi %mul3A_219, %add3A_651 : i32
        %get3A_653 = arith.constant 1 : i32
        %get3A_654 = arith.index_cast %get3A_653 : i32 to index
        %get3A_655 = arith.index_cast %add3A_652 : i32 to index
        %get3A_656 = arith.constant 96 : index
        %get3A_657 = tpu.vector_load %arg6[%get3A_654, %get3A_655, %get3A_656] {strides = array<i32>} : memref<2x112x256xf32, #tpu.memory_space<vmem>>, vector<1x1x16xf32>,
        %get3A_658 = vector.shape_cast %get3A_657 : vector<1x1x16xf32> to vector<16xf32>
        %add3A_659 = arith.constant 5 : i32
        %add3A_660 = arith.addi %mul3A_219, %add3A_659 : i32
        %get3A_661 = arith.constant 1 : i32
        %get3A_662 = arith.index_cast %get3A_661 : i32 to index
        %get3A_663 = arith.index_cast %add3A_660 : i32 to index
        %get3A_664 = arith.constant 96 : index
        %get3A_665 = tpu.vector_load %arg6[%get3A_662, %get3A_663, %get3A_664] {strides = array<i32>} : memref<2x112x256xf32, #tpu.memory_space<vmem>>, vector<1x1x16xf32>,
        %get3A_666 = vector.shape_cast %get3A_665 : vector<1x1x16xf32> to vector<16xf32>
        %max3A_667 = arith.maximumf %get3A_658, %get3A_666 : vector<16xf32>
        %add3A_668 = arith.constant 96 : i32
        %add3A_669 = arith.addi %add3A_668, %scan3A_217 : i32
        %get3A_670 = arith.constant 1 : i32
        %get3A_671 = arith.index_cast %get3A_670 : i32 to index
        %get3A_672 = arith.index_cast %add3A_669 : i32 to index
        %get3A_673 = arith.constant 96 : index
        %get3A_674 = tpu.vector_load %arg6[%get3A_671, %get3A_672, %get3A_673] {strides = array<i32>} : memref<2x112x256xf32, #tpu.memory_space<vmem>>, vector<1x1x16xf32>,
        %get3A_675 = vector.shape_cast %get3A_674 : vector<1x1x16xf32> to vector<16xf32>
        %max3A_676 = arith.maximumf %max3A_667, %get3A_675 : vector<16xf32>
        %max3A_677 = arith.maximumf %max3A_633, %max3A_650 : vector<16xf32>
        %max3A_678 = arith.maximumf %max3A_677, %max3A_676 : vector<16xf32>
        %swap3A_679 = arith.constant 1 : i32
        %swap3A_680 = arith.index_cast %swap3A_679 : i32 to index
        %swap3A_681 = arith.index_cast %scan3A_217 : i32 to index
        %swap3A_682 = arith.constant 96 : index
        %swap3A_683 = tpu.vector_load %arg7[%swap3A_680, %swap3A_681, %swap3A_682] {strides = array<i32>} : memref<2x16x256xf32, #tpu.memory_space<vmem>>, vector<1x1x16xf32>,
        %swap3A_684 = vector.shape_cast %swap3A_683 : vector<1x1x16xf32> to vector<16xf32>
        %swap3A_685 = vector.shape_cast %max3A_678 : vector<16xf32> to vector<1x1x16xf32>
        tpu.vector_store %arg7[%swap3A_680, %swap3A_681, %swap3A_682], %swap3A_685 {strides = array<i32>} : memref<2x16x256xf32, #tpu.memory_space<vmem>>, vector<1x1x16xf32>,
        %get3A_686 = arith.constant 1 : i32
        %get3A_687 = arith.index_cast %get3A_686 : i32 to index
        %get3A_688 = arith.index_cast %mul3A_219 : i32 to index
        %get3A_689 = arith.constant 112 : index
        %get3A_690 = tpu.vector_load %arg6[%get3A_687, %get3A_688, %get3A_689] {strides = array<i32>} : memref<2x112x256xf32, #tpu.memory_space<vmem>>, vector<1x1x16xf32>,
        %get3A_691 = vector.shape_cast %get3A_690 : vector<1x1x16xf32> to vector<16xf32>
        %add3A_692 = arith.constant 1 : i32
        %add3A_693 = arith.addi %mul3A_219, %add3A_692 : i32
        %get3A_694 = arith.constant 1 : i32
        %get3A_695 = arith.index_cast %get3A_694 : i32 to index
        %get3A_696 = arith.index_cast %add3A_693 : i32 to index
        %get3A_697 = arith.constant 112 : index
        %get3A_698 = tpu.vector_load %arg6[%get3A_695, %get3A_696, %get3A_697] {strides = array<i32>} : memref<2x112x256xf32, #tpu.memory_space<vmem>>, vector<1x1x16xf32>,
        %get3A_699 = vector.shape_cast %get3A_698 : vector<1x1x16xf32> to vector<16xf32>
        %max3A_700 = arith.maximumf %get3A_691, %get3A_699 : vector<16xf32>
        %add3A_701 = arith.constant 2 : i32
        %add3A_702 = arith.addi %mul3A_219, %add3A_701 : i32
        %get3A_703 = arith.constant 1 : i32
        %get3A_704 = arith.index_cast %get3A_703 : i32 to index
        %get3A_705 = arith.index_cast %add3A_702 : i32 to index
        %get3A_706 = arith.constant 112 : index
        %get3A_707 = tpu.vector_load %arg6[%get3A_704, %get3A_705, %get3A_706] {strides = array<i32>} : memref<2x112x256xf32, #tpu.memory_space<vmem>>, vector<1x1x16xf32>,
        %get3A_708 = vector.shape_cast %get3A_707 : vector<1x1x16xf32> to vector<16xf32>
        %add3A_709 = arith.constant 3 : i32
        %add3A_710 = arith.addi %mul3A_219, %add3A_709 : i32
        %get3A_711 = arith.constant 1 : i32
        %get3A_712 = arith.index_cast %get3A_711 : i32 to index
        %get3A_713 = arith.index_cast %add3A_710 : i32 to index
        %get3A_714 = arith.constant 112 : index
        %get3A_715 = tpu.vector_load %arg6[%get3A_712, %get3A_713, %get3A_714] {strides = array<i32>} : memref<2x112x256xf32, #tpu.memory_space<vmem>>, vector<1x1x16xf32>,
        %get3A_716 = vector.shape_cast %get3A_715 : vector<1x1x16xf32> to vector<16xf32>
        %max3A_717 = arith.maximumf %get3A_708, %get3A_716 : vector<16xf32>
        %add3A_718 = arith.constant 4 : i32
        %add3A_719 = arith.addi %mul3A_219, %add3A_718 : i32
        %get3A_720 = arith.constant 1 : i32
        %get3A_721 = arith.index_cast %get3A_720 : i32 to index
        %get3A_722 = arith.index_cast %add3A_719 : i32 to index
        %get3A_723 = arith.constant 112 : index
        %get3A_724 = tpu.vector_load %arg6[%get3A_721, %get3A_722, %get3A_723] {strides = array<i32>} : memref<2x112x256xf32, #tpu.memory_space<vmem>>, vector<1x1x16xf32>,
        %get3A_725 = vector.shape_cast %get3A_724 : vector<1x1x16xf32> to vector<16xf32>
        %add3A_726 = arith.constant 5 : i32
        %add3A_727 = arith.addi %mul3A_219, %add3A_726 : i32
        %get3A_728 = arith.constant 1 : i32
        %get3A_729 = arith.index_cast %get3A_728 : i32 to index
        %get3A_730 = arith.index_cast %add3A_727 : i32 to index
        %get3A_731 = arith.constant 112 : index
        %get3A_732 = tpu.vector_load %arg6[%get3A_729, %get3A_730, %get3A_731] {strides = array<i32>} : memref<2x112x256xf32, #tpu.memory_space<vmem>>, vector<1x1x16xf32>,
        %get3A_733 = vector.shape_cast %get3A_732 : vector<1x1x16xf32> to vector<16xf32>
        %max3A_734 = arith.maximumf %get3A_725, %get3A_733 : vector<16xf32>
        %add3A_735 = arith.constant 96 : i32
        %add3A_736 = arith.addi %add3A_735, %scan3A_217 : i32
        %get3A_737 = arith.constant 1 : i32
        %get3A_738 = arith.index_cast %get3A_737 : i32 to index
        %get3A_739 = arith.index_cast %add3A_736 : i32 to index
        %get3A_740 = arith.constant 112 : index
        %get3A_741 = tpu.vector_load %arg6[%get3A_738, %get3A_739, %get3A_740] {strides = array<i32>} : memref<2x112x256xf32, #tpu.memory_space<vmem>>, vector<1x1x16xf32>,
        %get3A_742 = vector.shape_cast %get3A_741 : vector<1x1x16xf32> to vector<16xf32>
        %max3A_743 = arith.maximumf %max3A_734, %get3A_742 : vector<16xf32>
        %max3A_744 = arith.maximumf %max3A_700, %max3A_717 : vector<16xf32>
        %max3A_745 = arith.maximumf %max3A_744, %max3A_743 : vector<16xf32>
        %swap3A_746 = arith.constant 1 : i32
        %swap3A_747 = arith.index_cast %swap3A_746 : i32 to index
        %swap3A_748 = arith.index_cast %scan3A_217 : i32 to index
        %swap3A_749 = arith.constant 112 : index
        %swap3A_750 = tpu.vector_load %arg7[%swap3A_747, %swap3A_748, %swap3A_749] {strides = array<i32>} : memref<2x16x256xf32, #tpu.memory_space<vmem>>, vector<1x1x16xf32>,
        %swap3A_751 = vector.shape_cast %swap3A_750 : vector<1x1x16xf32> to vector<16xf32>
        %swap3A_752 = vector.shape_cast %max3A_745 : vector<16xf32> to vector<1x1x16xf32>
        tpu.vector_store %arg7[%swap3A_747, %swap3A_748, %swap3A_749], %swap3A_752 {strides = array<i32>} : memref<2x16x256xf32, #tpu.memory_space<vmem>>, vector<1x1x16xf32>,
        %get3A_753 = arith.constant 1 : i32
        %get3A_754 = arith.index_cast %get3A_753 : i32 to index
        %get3A_755 = arith.index_cast %mul3A_219 : i32 to index
        %get3A_756 = arith.constant 128 : index
        %get3A_757 = tpu.vector_load %arg6[%get3A_754, %get3A_755, %get3A_756] {strides = array<i32>} : memref<2x112x256xf32, #tpu.memory_space<vmem>>, vector<1x1x16xf32>,
        %get3A_758 = vector.shape_cast %get3A_757 : vector<1x1x16xf32> to vector<16xf32>
        %add3A_759 = arith.constant 1 : i32
        %add3A_760 = arith.addi %mul3A_219, %add3A_759 : i32
        %get3A_761 = arith.constant 1 : i32
        %get3A_762 = arith.index_cast %get3A_761 : i32 to index
        %get3A_763 = arith.index_cast %add3A_760 : i32 to index
        %get3A_764 = arith.constant 128 : index
        %get3A_765 = tpu.vector_load %arg6[%get3A_762, %get3A_763, %get3A_764] {strides = array<i32>} : memref<2x112x256xf32, #tpu.memory_space<vmem>>, vector<1x1x16xf32>,
        %get3A_766 = vector.shape_cast %get3A_765 : vector<1x1x16xf32> to vector<16xf32>
        %max3A_767 = arith.maximumf %get3A_758, %get3A_766 : vector<16xf32>
        %add3A_768 = arith.constant 2 : i32
        %add3A_769 = arith.addi %mul3A_219, %add3A_768 : i32
        %get3A_770 = arith.constant 1 : i32
        %get3A_771 = arith.index_cast %get3A_770 : i32 to index
        %get3A_772 = arith.index_cast %add3A_769 : i32 to index
        %get3A_773 = arith.constant 128 : index
        %get3A_774 = tpu.vector_load %arg6[%get3A_771, %get3A_772, %get3A_773] {strides = array<i32>} : memref<2x112x256xf32, #tpu.memory_space<vmem>>, vector<1x1x16xf32>,
        %get3A_775 = vector.shape_cast %get3A_774 : vector<1x1x16xf32> to vector<16xf32>
        %add3A_776 = arith.constant 3 : i32
        %add3A_777 = arith.addi %mul3A_219, %add3A_776 : i32
        %get3A_778 = arith.constant 1 : i32
        %get3A_779 = arith.index_cast %get3A_778 : i32 to index
        %get3A_780 = arith.index_cast %add3A_777 : i32 to index
        %get3A_781 = arith.constant 128 : index
        %get3A_782 = tpu.vector_load %arg6[%get3A_779, %get3A_780, %get3A_781] {strides = array<i32>} : memref<2x112x256xf32, #tpu.memory_space<vmem>>, vector<1x1x16xf32>,
        %get3A_783 = vector.shape_cast %get3A_782 : vector<1x1x16xf32> to vector<16xf32>
        %max3A_784 = arith.maximumf %get3A_775, %get3A_783 : vector<16xf32>
        %add3A_785 = arith.constant 4 : i32
        %add3A_786 = arith.addi %mul3A_219, %add3A_785 : i32
        %get3A_787 = arith.constant 1 : i32
        %get3A_788 = arith.index_cast %get3A_787 : i32 to index
        %get3A_789 = arith.index_cast %add3A_786 : i32 to index
        %get3A_790 = arith.constant 128 : index
        %get3A_791 = tpu.vector_load %arg6[%get3A_788, %get3A_789, %get3A_790] {strides = array<i32>} : memref<2x112x256xf32, #tpu.memory_space<vmem>>, vector<1x1x16xf32>,
        %get3A_792 = vector.shape_cast %get3A_791 : vector<1x1x16xf32> to vector<16xf32>
        %add3A_793 = arith.constant 5 : i32
        %add3A_794 = arith.addi %mul3A_219, %add3A_793 : i32
        %get3A_795 = arith.constant 1 : i32
        %get3A_796 = arith.index_cast %get3A_795 : i32 to index
        %get3A_797 = arith.index_cast %add3A_794 : i32 to index
        %get3A_798 = arith.constant 128 : index
        %get3A_799 = tpu.vector_load %arg6[%get3A_796, %get3A_797, %get3A_798] {strides = array<i32>} : memref<2x112x256xf32, #tpu.memory_space<vmem>>, vector<1x1x16xf32>,
        %get3A_800 = vector.shape_cast %get3A_799 : vector<1x1x16xf32> to vector<16xf32>
        %max3A_801 = arith.maximumf %get3A_792, %get3A_800 : vector<16xf32>
        %add3A_802 = arith.constant 96 : i32
        %add3A_803 = arith.addi %add3A_802, %scan3A_217 : i32
        %get3A_804 = arith.constant 1 : i32
        %get3A_805 = arith.index_cast %get3A_804 : i32 to index
        %get3A_806 = arith.index_cast %add3A_803 : i32 to index
        %get3A_807 = arith.constant 128 : index
        %get3A_808 = tpu.vector_load %arg6[%get3A_805, %get3A_806, %get3A_807] {strides = array<i32>} : memref<2x112x256xf32, #tpu.memory_space<vmem>>, vector<1x1x16xf32>,
        %get3A_809 = vector.shape_cast %get3A_808 : vector<1x1x16xf32> to vector<16xf32>
        %max3A_810 = arith.maximumf %max3A_801, %get3A_809 : vector<16xf32>
        %max3A_811 = arith.maximumf %max3A_767, %max3A_784 : vector<16xf32>
        %max3A_812 = arith.maximumf %max3A_811, %max3A_810 : vector<16xf32>
        %swap3A_813 = arith.constant 1 : i32
        %swap3A_814 = arith.index_cast %swap3A_813 : i32 to index
        %swap3A_815 = arith.index_cast %scan3A_217 : i32 to index
        %swap3A_816 = arith.constant 128 : index
        %swap3A_817 = tpu.vector_load %arg7[%swap3A_814, %swap3A_815, %swap3A_816] {strides = array<i32>} : memref<2x16x256xf32, #tpu.memory_space<vmem>>, vector<1x1x16xf32>,
        %swap3A_818 = vector.shape_cast %swap3A_817 : vector<1x1x16xf32> to vector<16xf32>
        %swap3A_819 = vector.shape_cast %max3A_812 : vector<16xf32> to vector<1x1x16xf32>
        tpu.vector_store %arg7[%swap3A_814, %swap3A_815, %swap3A_816], %swap3A_819 {strides = array<i32>} : memref<2x16x256xf32, #tpu.memory_space<vmem>>, vector<1x1x16xf32>,
        %get3A_820 = arith.constant 1 : i32
        %get3A_821 = arith.index_cast %get3A_820 : i32 to index
        %get3A_822 = arith.index_cast %mul3A_219 : i32 to index
        %get3A_823 = arith.constant 144 : index
        %get3A_824 = tpu.vector_load %arg6[%get3A_821, %get3A_822, %get3A_823] {strides = array<i32>} : memref<2x112x256xf32, #tpu.memory_space<vmem>>, vector<1x1x16xf32>,
        %get3A_825 = vector.shape_cast %get3A_824 : vector<1x1x16xf32> to vector<16xf32>
        %add3A_826 = arith.constant 1 : i32
        %add3A_827 = arith.addi %mul3A_219, %add3A_826 : i32
        %get3A_828 = arith.constant 1 : i32
        %get3A_829 = arith.index_cast %get3A_828 : i32 to index
        %get3A_830 = arith.index_cast %add3A_827 : i32 to index
        %get3A_831 = arith.constant 144 : index
        %get3A_832 = tpu.vector_load %arg6[%get3A_829, %get3A_830, %get3A_831] {strides = array<i32>} : memref<2x112x256xf32, #tpu.memory_space<vmem>>, vector<1x1x16xf32>,
        %get3A_833 = vector.shape_cast %get3A_832 : vector<1x1x16xf32> to vector<16xf32>
        %max3A_834 = arith.maximumf %get3A_825, %get3A_833 : vector<16xf32>
        %add3A_835 = arith.constant 2 : i32
        %add3A_836 = arith.addi %mul3A_219, %add3A_835 : i32
        %get3A_837 = arith.constant 1 : i32
        %get3A_838 = arith.index_cast %get3A_837 : i32 to index
        %get3A_839 = arith.index_cast %add3A_836 : i32 to index
        %get3A_840 = arith.constant 144 : index
        %get3A_841 = tpu.vector_load %arg6[%get3A_838, %get3A_839, %get3A_840] {strides = array<i32>} : memref<2x112x256xf32, #tpu.memory_space<vmem>>, vector<1x1x16xf32>,
        %get3A_842 = vector.shape_cast %get3A_841 : vector<1x1x16xf32> to vector<16xf32>
        %add3A_843 = arith.constant 3 : i32
        %add3A_844 = arith.addi %mul3A_219, %add3A_843 : i32
        %get3A_845 = arith.constant 1 : i32
        %get3A_846 = arith.index_cast %get3A_845 : i32 to index
        %get3A_847 = arith.index_cast %add3A_844 : i32 to index
        %get3A_848 = arith.constant 144 : index
        %get3A_849 = tpu.vector_load %arg6[%get3A_846, %get3A_847, %get3A_848] {strides = array<i32>} : memref<2x112x256xf32, #tpu.memory_space<vmem>>, vector<1x1x16xf32>,
        %get3A_850 = vector.shape_cast %get3A_849 : vector<1x1x16xf32> to vector<16xf32>
        %max3A_851 = arith.maximumf %get3A_842, %get3A_850 : vector<16xf32>
        %add3A_852 = arith.constant 4 : i32
        %add3A_853 = arith.addi %mul3A_219, %add3A_852 : i32
        %get3A_854 = arith.constant 1 : i32
        %get3A_855 = arith.index_cast %get3A_854 : i32 to index
        %get3A_856 = arith.index_cast %add3A_853 : i32 to index
        %get3A_857 = arith.constant 144 : index
        %get3A_858 = tpu.vector_load %arg6[%get3A_855, %get3A_856, %get3A_857] {strides = array<i32>} : memref<2x112x256xf32, #tpu.memory_space<vmem>>, vector<1x1x16xf32>,
        %get3A_859 = vector.shape_cast %get3A_858 : vector<1x1x16xf32> to vector<16xf32>
        %add3A_860 = arith.constant 5 : i32
        %add3A_861 = arith.addi %mul3A_219, %add3A_860 : i32
        %get3A_862 = arith.constant 1 : i32
        %get3A_863 = arith.index_cast %get3A_862 : i32 to index
        %get3A_864 = arith.index_cast %add3A_861 : i32 to index
        %get3A_865 = arith.constant 144 : index
        %get3A_866 = tpu.vector_load %arg6[%get3A_863, %get3A_864, %get3A_865] {strides = array<i32>} : memref<2x112x256xf32, #tpu.memory_space<vmem>>, vector<1x1x16xf32>,
        %get3A_867 = vector.shape_cast %get3A_866 : vector<1x1x16xf32> to vector<16xf32>
        %max3A_868 = arith.maximumf %get3A_859, %get3A_867 : vector<16xf32>
        %add3A_869 = arith.constant 96 : i32
        %add3A_870 = arith.addi %add3A_869, %scan3A_217 : i32
        %get3A_871 = arith.constant 1 : i32
        %get3A_872 = arith.index_cast %get3A_871 : i32 to index
        %get3A_873 = arith.index_cast %add3A_870 : i32 to index
        %get3A_874 = arith.constant 144 : index
        %get3A_875 = tpu.vector_load %arg6[%get3A_872, %get3A_873, %get3A_874] {strides = array<i32>} : memref<2x112x256xf32, #tpu.memory_space<vmem>>, vector<1x1x16xf32>,
        %get3A_876 = vector.shape_cast %get3A_875 : vector<1x1x16xf32> to vector<16xf32>
        %max3A_877 = arith.maximumf %max3A_868, %get3A_876 : vector<16xf32>
        %max3A_878 = arith.maximumf %max3A_834, %max3A_851 : vector<16xf32>
        %max3A_879 = arith.maximumf %max3A_878, %max3A_877 : vector<16xf32>
        %swap3A_880 = arith.constant 1 : i32
        %swap3A_881 = arith.index_cast %swap3A_880 : i32 to index
        %swap3A_882 = arith.index_cast %scan3A_217 : i32 to index
        %swap3A_883 = arith.constant 144 : index
        %swap3A_884 = tpu.vector_load %arg7[%swap3A_881, %swap3A_882, %swap3A_883] {strides = array<i32>} : memref<2x16x256xf32, #tpu.memory_space<vmem>>, vector<1x1x16xf32>,
        %swap3A_885 = vector.shape_cast %swap3A_884 : vector<1x1x16xf32> to vector<16xf32>
        %swap3A_886 = vector.shape_cast %max3A_879 : vector<16xf32> to vector<1x1x16xf32>
        tpu.vector_store %arg7[%swap3A_881, %swap3A_882, %swap3A_883], %swap3A_886 {strides = array<i32>} : memref<2x16x256xf32, #tpu.memory_space<vmem>>, vector<1x1x16xf32>,
        %get3A_887 = arith.constant 1 : i32
        %get3A_888 = arith.index_cast %get3A_887 : i32 to index
        %get3A_889 = arith.index_cast %mul3A_219 : i32 to index
        %get3A_890 = arith.constant 160 : index
        %get3A_891 = tpu.vector_load %arg6[%get3A_888, %get3A_889, %get3A_890] {strides = array<i32>} : memref<2x112x256xf32, #tpu.memory_space<vmem>>, vector<1x1x16xf32>,
        %get3A_892 = vector.shape_cast %get3A_891 : vector<1x1x16xf32> to vector<16xf32>
        %add3A_893 = arith.constant 1 : i32
        %add3A_894 = arith.addi %mul3A_219, %add3A_893 : i32
        %get3A_895 = arith.constant 1 : i32
        %get3A_896 = arith.index_cast %get3A_895 : i32 to index
        %get3A_897 = arith.index_cast %add3A_894 : i32 to index
        %get3A_898 = arith.constant 160 : index
        %get3A_899 = tpu.vector_load %arg6[%get3A_896, %get3A_897, %get3A_898] {strides = array<i32>} : memref<2x112x256xf32, #tpu.memory_space<vmem>>, vector<1x1x16xf32>,
        %get3A_900 = vector.shape_cast %get3A_899 : vector<1x1x16xf32> to vector<16xf32>
        %max3A_901 = arith.maximumf %get3A_892, %get3A_900 : vector<16xf32>
        %add3A_902 = arith.constant 2 : i32
        %add3A_903 = arith.addi %mul3A_219, %add3A_902 : i32
        %get3A_904 = arith.constant 1 : i32
        %get3A_905 = arith.index_cast %get3A_904 : i32 to index
        %get3A_906 = arith.index_cast %add3A_903 : i32 to index
        %get3A_907 = arith.constant 160 : index
        %get3A_908 = tpu.vector_load %arg6[%get3A_905, %get3A_906, %get3A_907] {strides = array<i32>} : memref<2x112x256xf32, #tpu.memory_space<vmem>>, vector<1x1x16xf32>,
        %get3A_909 = vector.shape_cast %get3A_908 : vector<1x1x16xf32> to vector<16xf32>
        %add3A_910 = arith.constant 3 : i32
        %add3A_911 = arith.addi %mul3A_219, %add3A_910 : i32
        %get3A_912 = arith.constant 1 : i32
        %get3A_913 = arith.index_cast %get3A_912 : i32 to index
        %get3A_914 = arith.index_cast %add3A_911 : i32 to index
        %get3A_915 = arith.constant 160 : index
        %get3A_916 = tpu.vector_load %arg6[%get3A_913, %get3A_914, %get3A_915] {strides = array<i32>} : memref<2x112x256xf32, #tpu.memory_space<vmem>>, vector<1x1x16xf32>,
        %get3A_917 = vector.shape_cast %get3A_916 : vector<1x1x16xf32> to vector<16xf32>
        %max3A_918 = arith.maximumf %get3A_909, %get3A_917 : vector<16xf32>
        %add3A_919 = arith.constant 4 : i32
        %add3A_920 = arith.addi %mul3A_219, %add3A_919 : i32
        %get3A_921 = arith.constant 1 : i32
        %get3A_922 = arith.index_cast %get3A_921 : i32 to index
        %get3A_923 = arith.index_cast %add3A_920 : i32 to index
        %get3A_924 = arith.constant 160 : index
        %get3A_925 = tpu.vector_load %arg6[%get3A_922, %get3A_923, %get3A_924] {strides = array<i32>} : memref<2x112x256xf32, #tpu.memory_space<vmem>>, vector<1x1x16xf32>,
        %get3A_926 = vector.shape_cast %get3A_925 : vector<1x1x16xf32> to vector<16xf32>
        %add3A_927 = arith.constant 5 : i32
        %add3A_928 = arith.addi %mul3A_219, %add3A_927 : i32
        %get3A_929 = arith.constant 1 : i32
        %get3A_930 = arith.index_cast %get3A_929 : i32 to index
        %get3A_931 = arith.index_cast %add3A_928 : i32 to index
        %get3A_932 = arith.constant 160 : index
        %get3A_933 = tpu.vector_load %arg6[%get3A_930, %get3A_931, %get3A_932] {strides = array<i32>} : memref<2x112x256xf32, #tpu.memory_space<vmem>>, vector<1x1x16xf32>,
        %get3A_934 = vector.shape_cast %get3A_933 : vector<1x1x16xf32> to vector<16xf32>
        %max3A_935 = arith.maximumf %get3A_926, %get3A_934 : vector<16xf32>
        %add3A_936 = arith.constant 96 : i32
        %add3A_937 = arith.addi %add3A_936, %scan3A_217 : i32
        %get3A_938 = arith.constant 1 : i32
        %get3A_939 = arith.index_cast %get3A_938 : i32 to index
        %get3A_940 = arith.index_cast %add3A_937 : i32 to index
        %get3A_941 = arith.constant 160 : index
        %get3A_942 = tpu.vector_load %arg6[%get3A_939, %get3A_940, %get3A_941] {strides = array<i32>} : memref<2x112x256xf32, #tpu.memory_space<vmem>>, vector<1x1x16xf32>,
        %get3A_943 = vector.shape_cast %get3A_942 : vector<1x1x16xf32> to vector<16xf32>
        %max3A_944 = arith.maximumf %max3A_935, %get3A_943 : vector<16xf32>
        %max3A_945 = arith.maximumf %max3A_901, %max3A_918 : vector<16xf32>
        %max3A_946 = arith.maximumf %max3A_945, %max3A_944 : vector<16xf32>
        %swap3A_947 = arith.constant 1 : i32
        %swap3A_948 = arith.index_cast %swap3A_947 : i32 to index
        %swap3A_949 = arith.index_cast %scan3A_217 : i32 to index
        %swap3A_950 = arith.constant 160 : index
        %swap3A_951 = tpu.vector_load %arg7[%swap3A_948, %swap3A_949, %swap3A_950] {strides = array<i32>} : memref<2x16x256xf32, #tpu.memory_space<vmem>>, vector<1x1x16xf32>,
        %swap3A_952 = vector.shape_cast %swap3A_951 : vector<1x1x16xf32> to vector<16xf32>
        %swap3A_953 = vector.shape_cast %max3A_946 : vector<16xf32> to vector<1x1x16xf32>
        tpu.vector_store %arg7[%swap3A_948, %swap3A_949, %swap3A_950], %swap3A_953 {strides = array<i32>} : memref<2x16x256xf32, #tpu.memory_space<vmem>>, vector<1x1x16xf32>,
        %get3A_954 = arith.constant 1 : i32
        %get3A_955 = arith.index_cast %get3A_954 : i32 to index
        %get3A_956 = arith.index_cast %mul3A_219 : i32 to index
        %get3A_957 = arith.constant 176 : index
        %get3A_958 = tpu.vector_load %arg6[%get3A_955, %get3A_956, %get3A_957] {strides = array<i32>} : memref<2x112x256xf32, #tpu.memory_space<vmem>>, vector<1x1x16xf32>,
        %get3A_959 = vector.shape_cast %get3A_958 : vector<1x1x16xf32> to vector<16xf32>
        %add3A_960 = arith.constant 1 : i32
        %add3A_961 = arith.addi %mul3A_219, %add3A_960 : i32
        %get3A_962 = arith.constant 1 : i32
        %get3A_963 = arith.index_cast %get3A_962 : i32 to index
        %get3A_964 = arith.index_cast %add3A_961 : i32 to index
        %get3A_965 = arith.constant 176 : index
        %get3A_966 = tpu.vector_load %arg6[%get3A_963, %get3A_964, %get3A_965] {strides = array<i32>} : memref<2x112x256xf32, #tpu.memory_space<vmem>>, vector<1x1x16xf32>,
        %get3A_967 = vector.shape_cast %get3A_966 : vector<1x1x16xf32> to vector<16xf32>
        %max3A_968 = arith.maximumf %get3A_959, %get3A_967 : vector<16xf32>
        %add3A_969 = arith.constant 2 : i32
        %add3A_970 = arith.addi %mul3A_219, %add3A_969 : i32
        %get3A_971 = arith.constant 1 : i32
        %get3A_972 = arith.index_cast %get3A_971 : i32 to index
        %get3A_973 = arith.index_cast %add3A_970 : i32 to index
        %get3A_974 = arith.constant 176 : index
        %get3A_975 = tpu.vector_load %arg6[%get3A_972, %get3A_973, %get3A_974] {strides = array<i32>} : memref<2x112x256xf32, #tpu.memory_space<vmem>>, vector<1x1x16xf32>,
        %get3A_976 = vector.shape_cast %get3A_975 : vector<1x1x16xf32> to vector<16xf32>
        %add3A_977 = arith.constant 3 : i32
        %add3A_978 = arith.addi %mul3A_219, %add3A_977 : i32
        %get3A_979 = arith.constant 1 : i32
        %get3A_980 = arith.index_cast %get3A_979 : i32 to index
        %get3A_981 = arith.index_cast %add3A_978 : i32 to index
        %get3A_982 = arith.constant 176 : index
        %get3A_983 = tpu.vector_load %arg6[%get3A_980, %get3A_981, %get3A_982] {strides = array<i32>} : memref<2x112x256xf32, #tpu.memory_space<vmem>>, vector<1x1x16xf32>,
        %get3A_984 = vector.shape_cast %get3A_983 : vector<1x1x16xf32> to vector<16xf32>
        %max3A_985 = arith.maximumf %get3A_976, %get3A_984 : vector<16xf32>
        %add3A_986 = arith.constant 4 : i32
        %add3A_987 = arith.addi %mul3A_219, %add3A_986 : i32
        %get3A_988 = arith.constant 1 : i32
        %get3A_989 = arith.index_cast %get3A_988 : i32 to index
        %get3A_990 = arith.index_cast %add3A_987 : i32 to index
        %get3A_991 = arith.constant 176 : index
        %get3A_992 = tpu.vector_load %arg6[%get3A_989, %get3A_990, %get3A_991] {strides = array<i32>} : memref<2x112x256xf32, #tpu.memory_space<vmem>>, vector<1x1x16xf32>,
        %get3A_993 = vector.shape_cast %get3A_992 : vector<1x1x16xf32> to vector<16xf32>
        %add3A_994 = arith.constant 5 : i32
        %add3A_995 = arith.addi %mul3A_219, %add3A_994 : i32
        %get3A_996 = arith.constant 1 : i32
        %get3A_997 = arith.index_cast %get3A_996 : i32 to index
        %get3A_998 = arith.index_cast %add3A_995 : i32 to index
        %get3A_999 = arith.constant 176 : index
        %get3A_1000 = tpu.vector_load %arg6[%get3A_997, %get3A_998, %get3A_999] {strides = array<i32>} : memref<2x112x256xf32, #tpu.memory_space<vmem>>, vector<1x1x16xf32>,
        %get3A_1001 = vector.shape_cast %get3A_1000 : vector<1x1x16xf32> to vector<16xf32>
        %max3A_1002 = arith.maximumf %get3A_993, %get3A_1001 : vector<16xf32>
        %add3A_1003 = arith.constant 96 : i32
        %add3A_1004 = arith.addi %add3A_1003, %scan3A_217 : i32
        %get3A_1005 = arith.constant 1 : i32
        %get3A_1006 = arith.index_cast %get3A_1005 : i32 to index
        %get3A_1007 = arith.index_cast %add3A_1004 : i32 to index
        %get3A_1008 = arith.constant 176 : index
        %get3A_1009 = tpu.vector_load %arg6[%get3A_1006, %get3A_1007, %get3A_1008] {strides = array<i32>} : memref<2x112x256xf32, #tpu.memory_space<vmem>>, vector<1x1x16xf32>,
        %get3A_1010 = vector.shape_cast %get3A_1009 : vector<1x1x16xf32> to vector<16xf32>
        %max3A_1011 = arith.maximumf %max3A_1002, %get3A_1010 : vector<16xf32>
        %max3A_1012 = arith.maximumf %max3A_968, %max3A_985 : vector<16xf32>
        %max3A_1013 = arith.maximumf %max3A_1012, %max3A_1011 : vector<16xf32>
        %swap3A_1014 = arith.constant 1 : i32
        %swap3A_1015 = arith.index_cast %swap3A_1014 : i32 to index
        %swap3A_1016 = arith.index_cast %scan3A_217 : i32 to index
        %swap3A_1017 = arith.constant 176 : index
        %swap3A_1018 = tpu.vector_load %arg7[%swap3A_1015, %swap3A_1016, %swap3A_1017] {strides = array<i32>} : memref<2x16x256xf32, #tpu.memory_space<vmem>>, vector<1x1x16xf32>,
        %swap3A_1019 = vector.shape_cast %swap3A_1018 : vector<1x1x16xf32> to vector<16xf32>
        %swap3A_1020 = vector.shape_cast %max3A_1013 : vector<16xf32> to vector<1x1x16xf32>
        tpu.vector_store %arg7[%swap3A_1015, %swap3A_1016, %swap3A_1017], %swap3A_1020 {strides = array<i32>} : memref<2x16x256xf32, #tpu.memory_space<vmem>>, vector<1x1x16xf32>,
        %get3A_1021 = arith.constant 1 : i32
        %get3A_1022 = arith.index_cast %get3A_1021 : i32 to index
        %get3A_1023 = arith.index_cast %mul3A_219 : i32 to index
        %get3A_1024 = arith.constant 192 : index
        %get3A_1025 = tpu.vector_load %arg6[%get3A_1022, %get3A_1023, %get3A_1024] {strides = array<i32>} : memref<2x112x256xf32, #tpu.memory_space<vmem>>, vector<1x1x16xf32>,
        %get3A_1026 = vector.shape_cast %get3A_1025 : vector<1x1x16xf32> to vector<16xf32>
        %add3A_1027 = arith.constant 1 : i32
        %add3A_1028 = arith.addi %mul3A_219, %add3A_1027 : i32
        %get3A_1029 = arith.constant 1 : i32
        %get3A_1030 = arith.index_cast %get3A_1029 : i32 to index
        %get3A_1031 = arith.index_cast %add3A_1028 : i32 to index
        %get3A_1032 = arith.constant 192 : index
        %get3A_1033 = tpu.vector_load %arg6[%get3A_1030, %get3A_1031, %get3A_1032] {strides = array<i32>} : memref<2x112x256xf32, #tpu.memory_space<vmem>>, vector<1x1x16xf32>,
        %get3A_1034 = vector.shape_cast %get3A_1033 : vector<1x1x16xf32> to vector<16xf32>
        %max3A_1035 = arith.maximumf %get3A_1026, %get3A_1034 : vector<16xf32>
        %add3A_1036 = arith.constant 2 : i32
        %add3A_1037 = arith.addi %mul3A_219, %add3A_1036 : i32
        %get3A_1038 = arith.constant 1 : i32
        %get3A_1039 = arith.index_cast %get3A_1038 : i32 to index
        %get3A_1040 = arith.index_cast %add3A_1037 : i32 to index
        %get3A_1041 = arith.constant 192 : index
        %get3A_1042 = tpu.vector_load %arg6[%get3A_1039, %get3A_1040, %get3A_1041] {strides = array<i32>} : memref<2x112x256xf32, #tpu.memory_space<vmem>>, vector<1x1x16xf32>,
        %get3A_1043 = vector.shape_cast %get3A_1042 : vector<1x1x16xf32> to vector<16xf32>
        %add3A_1044 = arith.constant 3 : i32
        %add3A_1045 = arith.addi %mul3A_219, %add3A_1044 : i32
        %get3A_1046 = arith.constant 1 : i32
        %get3A_1047 = arith.index_cast %get3A_1046 : i32 to index
        %get3A_1048 = arith.index_cast %add3A_1045 : i32 to index
        %get3A_1049 = arith.constant 192 : index
        %get3A_1050 = tpu.vector_load %arg6[%get3A_1047, %get3A_1048, %get3A_1049] {strides = array<i32>} : memref<2x112x256xf32, #tpu.memory_space<vmem>>, vector<1x1x16xf32>,
        %get3A_1051 = vector.shape_cast %get3A_1050 : vector<1x1x16xf32> to vector<16xf32>
        %max3A_1052 = arith.maximumf %get3A_1043, %get3A_1051 : vector<16xf32>
        %add3A_1053 = arith.constant 4 : i32
        %add3A_1054 = arith.addi %mul3A_219, %add3A_1053 : i32
        %get3A_1055 = arith.constant 1 : i32
        %get3A_1056 = arith.index_cast %get3A_1055 : i32 to index
        %get3A_1057 = arith.index_cast %add3A_1054 : i32 to index
        %get3A_1058 = arith.constant 192 : index
        %get3A_1059 = tpu.vector_load %arg6[%get3A_1056, %get3A_1057, %get3A_1058] {strides = array<i32>} : memref<2x112x256xf32, #tpu.memory_space<vmem>>, vector<1x1x16xf32>,
        %get3A_1060 = vector.shape_cast %get3A_1059 : vector<1x1x16xf32> to vector<16xf32>
        %add3A_1061 = arith.constant 5 : i32
        %add3A_1062 = arith.addi %mul3A_219, %add3A_1061 : i32
        %get3A_1063 = arith.constant 1 : i32
        %get3A_1064 = arith.index_cast %get3A_1063 : i32 to index
        %get3A_1065 = arith.index_cast %add3A_1062 : i32 to index
        %get3A_1066 = arith.constant 192 : index
        %get3A_1067 = tpu.vector_load %arg6[%get3A_1064, %get3A_1065, %get3A_1066] {strides = array<i32>} : memref<2x112x256xf32, #tpu.memory_space<vmem>>, vector<1x1x16xf32>,
        %get3A_1068 = vector.shape_cast %get3A_1067 : vector<1x1x16xf32> to vector<16xf32>
        %max3A_1069 = arith.maximumf %get3A_1060, %get3A_1068 : vector<16xf32>
        %add3A_1070 = arith.constant 96 : i32
        %add3A_1071 = arith.addi %add3A_1070, %scan3A_217 : i32
        %get3A_1072 = arith.constant 1 : i32
        %get3A_1073 = arith.index_cast %get3A_1072 : i32 to index
        %get3A_1074 = arith.index_cast %add3A_1071 : i32 to index
        %get3A_1075 = arith.constant 192 : index
        %get3A_1076 = tpu.vector_load %arg6[%get3A_1073, %get3A_1074, %get3A_1075] {strides = array<i32>} : memref<2x112x256xf32, #tpu.memory_space<vmem>>, vector<1x1x16xf32>,
        %get3A_1077 = vector.shape_cast %get3A_1076 : vector<1x1x16xf32> to vector<16xf32>
        %max3A_1078 = arith.maximumf %max3A_1069, %get3A_1077 : vector<16xf32>
        %max3A_1079 = arith.maximumf %max3A_1035, %max3A_1052 : vector<16xf32>
        %max3A_1080 = arith.maximumf %max3A_1079, %max3A_1078 : vector<16xf32>
        %swap3A_1081 = arith.constant 1 : i32
        %swap3A_1082 = arith.index_cast %swap3A_1081 : i32 to index
        %swap3A_1083 = arith.index_cast %scan3A_217 : i32 to index
        %swap3A_1084 = arith.constant 192 : index
        %swap3A_1085 = tpu.vector_load %arg7[%swap3A_1082, %swap3A_1083, %swap3A_1084] {strides = array<i32>} : memref<2x16x256xf32, #tpu.memory_space<vmem>>, vector<1x1x16xf32>,
        %swap3A_1086 = vector.shape_cast %swap3A_1085 : vector<1x1x16xf32> to vector<16xf32>
        %swap3A_1087 = vector.shape_cast %max3A_1080 : vector<16xf32> to vector<1x1x16xf32>
        tpu.vector_store %arg7[%swap3A_1082, %swap3A_1083, %swap3A_1084], %swap3A_1087 {strides = array<i32>} : memref<2x16x256xf32, #tpu.memory_space<vmem>>, vector<1x1x16xf32>,
        %get3A_1088 = arith.constant 1 : i32
        %get3A_1089 = arith.index_cast %get3A_1088 : i32 to index
        %get3A_1090 = arith.index_cast %mul3A_219 : i32 to index
        %get3A_1091 = arith.constant 208 : index
        %get3A_1092 = tpu.vector_load %arg6[%get3A_1089, %get3A_1090, %get3A_1091] {strides = array<i32>} : memref<2x112x256xf32, #tpu.memory_space<vmem>>, vector<1x1x16xf32>,
        %get3A_1093 = vector.shape_cast %get3A_1092 : vector<1x1x16xf32> to vector<16xf32>
        %add3A_1094 = arith.constant 1 : i32
        %add3A_1095 = arith.addi %mul3A_219, %add3A_1094 : i32
        %get3A_1096 = arith.constant 1 : i32
        %get3A_1097 = arith.index_cast %get3A_1096 : i32 to index
        %get3A_1098 = arith.index_cast %add3A_1095 : i32 to index
        %get3A_1099 = arith.constant 208 : index
        %get3A_1100 = tpu.vector_load %arg6[%get3A_1097, %get3A_1098, %get3A_1099] {strides = array<i32>} : memref<2x112x256xf32, #tpu.memory_space<vmem>>, vector<1x1x16xf32>,
        %get3A_1101 = vector.shape_cast %get3A_1100 : vector<1x1x16xf32> to vector<16xf32>
        %max3A_1102 = arith.maximumf %get3A_1093, %get3A_1101 : vector<16xf32>
        %add3A_1103 = arith.constant 2 : i32
        %add3A_1104 = arith.addi %mul3A_219, %add3A_1103 : i32
        %get3A_1105 = arith.constant 1 : i32
        %get3A_1106 = arith.index_cast %get3A_1105 : i32 to index
        %get3A_1107 = arith.index_cast %add3A_1104 : i32 to index
        %get3A_1108 = arith.constant 208 : index
        %get3A_1109 = tpu.vector_load %arg6[%get3A_1106, %get3A_1107, %get3A_1108] {strides = array<i32>} : memref<2x112x256xf32, #tpu.memory_space<vmem>>, vector<1x1x16xf32>,
        %get3A_1110 = vector.shape_cast %get3A_1109 : vector<1x1x16xf32> to vector<16xf32>
        %add3A_1111 = arith.constant 3 : i32
        %add3A_1112 = arith.addi %mul3A_219, %add3A_1111 : i32
        %get3A_1113 = arith.constant 1 : i32
        %get3A_1114 = arith.index_cast %get3A_1113 : i32 to index
        %get3A_1115 = arith.index_cast %add3A_1112 : i32 to index
        %get3A_1116 = arith.constant 208 : index
        %get3A_1117 = tpu.vector_load %arg6[%get3A_1114, %get3A_1115, %get3A_1116] {strides = array<i32>} : memref<2x112x256xf32, #tpu.memory_space<vmem>>, vector<1x1x16xf32>,
        %get3A_1118 = vector.shape_cast %get3A_1117 : vector<1x1x16xf32> to vector<16xf32>
        %max3A_1119 = arith.maximumf %get3A_1110, %get3A_1118 : vector<16xf32>
        %add3A_1120 = arith.constant 4 : i32
        %add3A_1121 = arith.addi %mul3A_219, %add3A_1120 : i32
        %get3A_1122 = arith.constant 1 : i32
        %get3A_1123 = arith.index_cast %get3A_1122 : i32 to index
        %get3A_1124 = arith.index_cast %add3A_1121 : i32 to index
        %get3A_1125 = arith.constant 208 : index
        %get3A_1126 = tpu.vector_load %arg6[%get3A_1123, %get3A_1124, %get3A_1125] {strides = array<i32>} : memref<2x112x256xf32, #tpu.memory_space<vmem>>, vector<1x1x16xf32>,
        %get3A_1127 = vector.shape_cast %get3A_1126 : vector<1x1x16xf32> to vector<16xf32>
        %add3A_1128 = arith.constant 5 : i32
        %add3A_1129 = arith.addi %mul3A_219, %add3A_1128 : i32
        %get3A_1130 = arith.constant 1 : i32
        %get3A_1131 = arith.index_cast %get3A_1130 : i32 to index
        %get3A_1132 = arith.index_cast %add3A_1129 : i32 to index
        %get3A_1133 = arith.constant 208 : index
        %get3A_1134 = tpu.vector_load %arg6[%get3A_1131, %get3A_1132, %get3A_1133] {strides = array<i32>} : memref<2x112x256xf32, #tpu.memory_space<vmem>>, vector<1x1x16xf32>,
        %get3A_1135 = vector.shape_cast %get3A_1134 : vector<1x1x16xf32> to vector<16xf32>
        %max3A_1136 = arith.maximumf %get3A_1127, %get3A_1135 : vector<16xf32>
        %add3A_1137 = arith.constant 96 : i32
        %add3A_1138 = arith.addi %add3A_1137, %scan3A_217 : i32
        %get3A_1139 = arith.constant 1 : i32
        %get3A_1140 = arith.index_cast %get3A_1139 : i32 to index
        %get3A_1141 = arith.index_cast %add3A_1138 : i32 to index
        %get3A_1142 = arith.constant 208 : index
        %get3A_1143 = tpu.vector_load %arg6[%get3A_1140, %get3A_1141, %get3A_1142] {strides = array<i32>} : memref<2x112x256xf32, #tpu.memory_space<vmem>>, vector<1x1x16xf32>,
        %get3A_1144 = vector.shape_cast %get3A_1143 : vector<1x1x16xf32> to vector<16xf32>
        %max3A_1145 = arith.maximumf %max3A_1136, %get3A_1144 : vector<16xf32>
        %max3A_1146 = arith.maximumf %max3A_1102, %max3A_1119 : vector<16xf32>
        %max3A_1147 = arith.maximumf %max3A_1146, %max3A_1145 : vector<16xf32>
        %swap3A_1148 = arith.constant 1 : i32
        %swap3A_1149 = arith.index_cast %swap3A_1148 : i32 to index
        %swap3A_1150 = arith.index_cast %scan3A_217 : i32 to index
        %swap3A_1151 = arith.constant 208 : index
        %swap3A_1152 = tpu.vector_load %arg7[%swap3A_1149, %swap3A_1150, %swap3A_1151] {strides = array<i32>} : memref<2x16x256xf32, #tpu.memory_space<vmem>>, vector<1x1x16xf32>,
        %swap3A_1153 = vector.shape_cast %swap3A_1152 : vector<1x1x16xf32> to vector<16xf32>
        %swap3A_1154 = vector.shape_cast %max3A_1147 : vector<16xf32> to vector<1x1x16xf32>
        tpu.vector_store %arg7[%swap3A_1149, %swap3A_1150, %swap3A_1151], %swap3A_1154 {strides = array<i32>} : memref<2x16x256xf32, #tpu.memory_space<vmem>>, vector<1x1x16xf32>,
        %get3A_1155 = arith.constant 1 : i32
        %get3A_1156 = arith.index_cast %get3A_1155 : i32 to index
        %get3A_1157 = arith.index_cast %mul3A_219 : i32 to index
        %get3A_1158 = arith.constant 224 : index
        %get3A_1159 = tpu.vector_load %arg6[%get3A_1156, %get3A_1157, %get3A_1158] {strides = array<i32>} : memref<2x112x256xf32, #tpu.memory_space<vmem>>, vector<1x1x16xf32>,
        %get3A_1160 = vector.shape_cast %get3A_1159 : vector<1x1x16xf32> to vector<16xf32>
        %add3A_1161 = arith.constant 1 : i32
        %add3A_1162 = arith.addi %mul3A_219, %add3A_1161 : i32
        %get3A_1163 = arith.constant 1 : i32
        %get3A_1164 = arith.index_cast %get3A_1163 : i32 to index
        %get3A_1165 = arith.index_cast %add3A_1162 : i32 to index
        %get3A_1166 = arith.constant 224 : index
        %get3A_1167 = tpu.vector_load %arg6[%get3A_1164, %get3A_1165, %get3A_1166] {strides = array<i32>} : memref<2x112x256xf32, #tpu.memory_space<vmem>>, vector<1x1x16xf32>,
        %get3A_1168 = vector.shape_cast %get3A_1167 : vector<1x1x16xf32> to vector<16xf32>
        %max3A_1169 = arith.maximumf %get3A_1160, %get3A_1168 : vector<16xf32>
        %add3A_1170 = arith.constant 2 : i32
        %add3A_1171 = arith.addi %mul3A_219, %add3A_1170 : i32
        %get3A_1172 = arith.constant 1 : i32
        %get3A_1173 = arith.index_cast %get3A_1172 : i32 to index
        %get3A_1174 = arith.index_cast %add3A_1171 : i32 to index
        %get3A_1175 = arith.constant 224 : index
        %get3A_1176 = tpu.vector_load %arg6[%get3A_1173, %get3A_1174, %get3A_1175] {strides = array<i32>} : memref<2x112x256xf32, #tpu.memory_space<vmem>>, vector<1x1x16xf32>,
        %get3A_1177 = vector.shape_cast %get3A_1176 : vector<1x1x16xf32> to vector<16xf32>
        %add3A_1178 = arith.constant 3 : i32
        %add3A_1179 = arith.addi %mul3A_219, %add3A_1178 : i32
        %get3A_1180 = arith.constant 1 : i32
        %get3A_1181 = arith.index_cast %get3A_1180 : i32 to index
        %get3A_1182 = arith.index_cast %add3A_1179 : i32 to index
        %get3A_1183 = arith.constant 224 : index
        %get3A_1184 = tpu.vector_load %arg6[%get3A_1181, %get3A_1182, %get3A_1183] {strides = array<i32>} : memref<2x112x256xf32, #tpu.memory_space<vmem>>, vector<1x1x16xf32>,
        %get3A_1185 = vector.shape_cast %get3A_1184 : vector<1x1x16xf32> to vector<16xf32>
        %max3A_1186 = arith.maximumf %get3A_1177, %get3A_1185 : vector<16xf32>
        %add3A_1187 = arith.constant 4 : i32
        %add3A_1188 = arith.addi %mul3A_219, %add3A_1187 : i32
        %get3A_1189 = arith.constant 1 : i32
        %get3A_1190 = arith.index_cast %get3A_1189 : i32 to index
        %get3A_1191 = arith.index_cast %add3A_1188 : i32 to index
        %get3A_1192 = arith.constant 224 : index
        %get3A_1193 = tpu.vector_load %arg6[%get3A_1190, %get3A_1191, %get3A_1192] {strides = array<i32>} : memref<2x112x256xf32, #tpu.memory_space<vmem>>, vector<1x1x16xf32>,
        %get3A_1194 = vector.shape_cast %get3A_1193 : vector<1x1x16xf32> to vector<16xf32>
        %add3A_1195 = arith.constant 5 : i32
        %add3A_1196 = arith.addi %mul3A_219, %add3A_1195 : i32
        %get3A_1197 = arith.constant 1 : i32
        %get3A_1198 = arith.index_cast %get3A_1197 : i32 to index
        %get3A_1199 = arith.index_cast %add3A_1196 : i32 to index
        %get3A_1200 = arith.constant 224 : index
        %get3A_1201 = tpu.vector_load %arg6[%get3A_1198, %get3A_1199, %get3A_1200] {strides = array<i32>} : memref<2x112x256xf32, #tpu.memory_space<vmem>>, vector<1x1x16xf32>,
        %get3A_1202 = vector.shape_cast %get3A_1201 : vector<1x1x16xf32> to vector<16xf32>
        %max3A_1203 = arith.maximumf %get3A_1194, %get3A_1202 : vector<16xf32>
        %add3A_1204 = arith.constant 96 : i32
        %add3A_1205 = arith.addi %add3A_1204, %scan3A_217 : i32
        %get3A_1206 = arith.constant 1 : i32
        %get3A_1207 = arith.index_cast %get3A_1206 : i32 to index
        %get3A_1208 = arith.index_cast %add3A_1205 : i32 to index
        %get3A_1209 = arith.constant 224 : index
        %get3A_1210 = tpu.vector_load %arg6[%get3A_1207, %get3A_1208, %get3A_1209] {strides = array<i32>} : memref<2x112x256xf32, #tpu.memory_space<vmem>>, vector<1x1x16xf32>,
        %get3A_1211 = vector.shape_cast %get3A_1210 : vector<1x1x16xf32> to vector<16xf32>
        %max3A_1212 = arith.maximumf %max3A_1203, %get3A_1211 : vector<16xf32>
        %max3A_1213 = arith.maximumf %max3A_1169, %max3A_1186 : vector<16xf32>
        %max3A_1214 = arith.maximumf %max3A_1213, %max3A_1212 : vector<16xf32>
        %swap3A_1215 = arith.constant 1 : i32
        %swap3A_1216 = arith.index_cast %swap3A_1215 : i32 to index
        %swap3A_1217 = arith.index_cast %scan3A_217 : i32 to index
        %swap3A_1218 = arith.constant 224 : index
        %swap3A_1219 = tpu.vector_load %arg7[%swap3A_1216, %swap3A_1217, %swap3A_1218] {strides = array<i32>} : memref<2x16x256xf32, #tpu.memory_space<vmem>>, vector<1x1x16xf32>,
        %swap3A_1220 = vector.shape_cast %swap3A_1219 : vector<1x1x16xf32> to vector<16xf32>
        %swap3A_1221 = vector.shape_cast %max3A_1214 : vector<16xf32> to vector<1x1x16xf32>
        tpu.vector_store %arg7[%swap3A_1216, %swap3A_1217, %swap3A_1218], %swap3A_1221 {strides = array<i32>} : memref<2x16x256xf32, #tpu.memory_space<vmem>>, vector<1x1x16xf32>,
        %get3A_1222 = arith.constant 1 : i32
        %get3A_1223 = arith.index_cast %get3A_1222 : i32 to index
        %get3A_1224 = arith.index_cast %mul3A_219 : i32 to index
        %get3A_1225 = arith.constant 240 : index
        %get3A_1226 = tpu.vector_load %arg6[%get3A_1223, %get3A_1224, %get3A_1225] {strides = array<i32>} : memref<2x112x256xf32, #tpu.memory_space<vmem>>, vector<1x1x16xf32>,
        %get3A_1227 = vector.shape_cast %get3A_1226 : vector<1x1x16xf32> to vector<16xf32>
        %add3A_1228 = arith.constant 1 : i32
        %add3A_1229 = arith.addi %mul3A_219, %add3A_1228 : i32
        %get3A_1230 = arith.constant 1 : i32
        %get3A_1231 = arith.index_cast %get3A_1230 : i32 to index
        %get3A_1232 = arith.index_cast %add3A_1229 : i32 to index
        %get3A_1233 = arith.constant 240 : index
        %get3A_1234 = tpu.vector_load %arg6[%get3A_1231, %get3A_1232, %get3A_1233] {strides = array<i32>} : memref<2x112x256xf32, #tpu.memory_space<vmem>>, vector<1x1x16xf32>,
        %get3A_1235 = vector.shape_cast %get3A_1234 : vector<1x1x16xf32> to vector<16xf32>
        %max3A_1236 = arith.maximumf %get3A_1227, %get3A_1235 : vector<16xf32>
        %add3A_1237 = arith.constant 2 : i32
        %add3A_1238 = arith.addi %mul3A_219, %add3A_1237 : i32
        %get3A_1239 = arith.constant 1 : i32
        %get3A_1240 = arith.index_cast %get3A_1239 : i32 to index
        %get3A_1241 = arith.index_cast %add3A_1238 : i32 to index
        %get3A_1242 = arith.constant 240 : index
        %get3A_1243 = tpu.vector_load %arg6[%get3A_1240, %get3A_1241, %get3A_1242] {strides = array<i32>} : memref<2x112x256xf32, #tpu.memory_space<vmem>>, vector<1x1x16xf32>,
        %get3A_1244 = vector.shape_cast %get3A_1243 : vector<1x1x16xf32> to vector<16xf32>
        %add3A_1245 = arith.constant 3 : i32
        %add3A_1246 = arith.addi %mul3A_219, %add3A_1245 : i32
        %get3A_1247 = arith.constant 1 : i32
        %get3A_1248 = arith.index_cast %get3A_1247 : i32 to index
        %get3A_1249 = arith.index_cast %add3A_1246 : i32 to index
        %get3A_1250 = arith.constant 240 : index
        %get3A_1251 = tpu.vector_load %arg6[%get3A_1248, %get3A_1249, %get3A_1250] {strides = array<i32>} : memref<2x112x256xf32, #tpu.memory_space<vmem>>, vector<1x1x16xf32>,
        %get3A_1252 = vector.shape_cast %get3A_1251 : vector<1x1x16xf32> to vector<16xf32>
        %max3A_1253 = arith.maximumf %get3A_1244, %get3A_1252 : vector<16xf32>
        %add3A_1254 = arith.constant 4 : i32
        %add3A_1255 = arith.addi %mul3A_219, %add3A_1254 : i32
        %get3A_1256 = arith.constant 1 : i32
        %get3A_1257 = arith.index_cast %get3A_1256 : i32 to index
        %get3A_1258 = arith.index_cast %add3A_1255 : i32 to index
        %get3A_1259 = arith.constant 240 : index
        %get3A_1260 = tpu.vector_load %arg6[%get3A_1257, %get3A_1258, %get3A_1259] {strides = array<i32>} : memref<2x112x256xf32, #tpu.memory_space<vmem>>, vector<1x1x16xf32>,
        %get3A_1261 = vector.shape_cast %get3A_1260 : vector<1x1x16xf32> to vector<16xf32>
        %add3A_1262 = arith.constant 5 : i32
        %add3A_1263 = arith.addi %mul3A_219, %add3A_1262 : i32
        %get3A_1264 = arith.constant 1 : i32
        %get3A_1265 = arith.index_cast %get3A_1264 : i32 to index
        %get3A_1266 = arith.index_cast %add3A_1263 : i32 to index
        %get3A_1267 = arith.constant 240 : index
        %get3A_1268 = tpu.vector_load %arg6[%get3A_1265, %get3A_1266, %get3A_1267] {strides = array<i32>} : memref<2x112x256xf32, #tpu.memory_space<vmem>>, vector<1x1x16xf32>,
        %get3A_1269 = vector.shape_cast %get3A_1268 : vector<1x1x16xf32> to vector<16xf32>
        %max3A_1270 = arith.maximumf %get3A_1261, %get3A_1269 : vector<16xf32>
        %add3A_1271 = arith.constant 96 : i32
        %add3A_1272 = arith.addi %add3A_1271, %scan3A_217 : i32
        %get3A_1273 = arith.constant 1 : i32
        %get3A_1274 = arith.index_cast %get3A_1273 : i32 to index
        %get3A_1275 = arith.index_cast %add3A_1272 : i32 to index
        %get3A_1276 = arith.constant 240 : index
        %get3A_1277 = tpu.vector_load %arg6[%get3A_1274, %get3A_1275, %get3A_1276] {strides = array<i32>} : memref<2x112x256xf32, #tpu.memory_space<vmem>>, vector<1x1x16xf32>,
        %get3A_1278 = vector.shape_cast %get3A_1277 : vector<1x1x16xf32> to vector<16xf32>
        %max3A_1279 = arith.maximumf %max3A_1270, %get3A_1278 : vector<16xf32>
        %max3A_1280 = arith.maximumf %max3A_1236, %max3A_1253 : vector<16xf32>
        %max3A_1281 = arith.maximumf %max3A_1280, %max3A_1279 : vector<16xf32>
        %swap3A_1282 = arith.constant 1 : i32
        %swap3A_1283 = arith.index_cast %swap3A_1282 : i32 to index
        %swap3A_1284 = arith.index_cast %scan3A_217 : i32 to index
        %swap3A_1285 = arith.constant 240 : index
        %swap3A_1286 = tpu.vector_load %arg7[%swap3A_1283, %swap3A_1284, %swap3A_1285] {strides = array<i32>} : memref<2x16x256xf32, #tpu.memory_space<vmem>>, vector<1x1x16xf32>,
        %swap3A_1287 = vector.shape_cast %swap3A_1286 : vector<1x1x16xf32> to vector<16xf32>
        %swap3A_1288 = vector.shape_cast %max3A_1281 : vector<16xf32> to vector<1x1x16xf32>
        tpu.vector_store %arg7[%swap3A_1283, %swap3A_1284, %swap3A_1285], %swap3A_1288 {strides = array<i32>} : memref<2x16x256xf32, #tpu.memory_space<vmem>>, vector<1x1x16xf32>,
      }
      %scan3A_193 = arith.constant 16 : i32
      %add3A_194 = arith.constant 2 : i32
      %add3A_195 = arith.addi %add3A_155, %add3A_194 : i32
      %lt3A_196 = arith.constant 82 : i32
      %lt3A_197 = arith.cmpi slt, %add3A_195, %lt3A_196 : i32
      %convert_element_type3A_198 = arith.extui %lt3A_197 : i1 to i32
      %cond3A_199 = arith.constant 0 : i32
      %cond3A_200 = arith.cmpi ne, %convert_element_type3A_198, %cond3A_199 : i32
      scf.if %cond3A_200 {
        %add3A_217 = arith.constant 2 : i32
        %add3A_218 = arith.addi %add3A_155, %add3A_217 : i32
        %dma_start3A_219 = arith.constant 1 : i32
        %dma_start3A_220 = arith.constant 0 : i32
        %dma_start3A_221 = arith.constant 0 : i32
        %dma_start3A_222 = tpu.memref_slice %arg6[%dma_start3A_219, %dma_start3A_220, %dma_start3A_221] : memref<2x112x256xf32, #tpu.memory_space<vmem>> -> memref<1x96x256xf32, #tpu.memory_space<vmem>>
        %dma_start3A_223 = tpu.memref_squeeze %dma_start3A_222 : memref<1x96x256xf32, #tpu.memory_space<vmem>> -> memref<96x256xf32, #tpu.memory_space<vmem>>
        %dma_start3A_224 = arith.constant 0 : i32
        %dma_start3A_225 = tpu.memref_slice %arg5[%add3A_218, %dma_start3A_224] : memref<82x96xi32, #tpu.memory_space<vmem>> -> memref<1x96xi32, #tpu.memory_space<vmem>>
        %dma_start3A_226 = tpu.memref_squeeze %dma_start3A_225 : memref<1x96xi32, #tpu.memory_space<vmem>> -> memref<96xi32, #tpu.memory_space<vmem>>
        %dma_start3A_227 = arith.constant 0 : i32
        %dma_start3A_228 = arith.constant 0 : i32
        %dma_start3A_229 = tpu.memref_slice %arg2[%dma_start3A_227, %dma_start3A_228] : memref<163842x256xf32, #tpu.memory_space<hbm>> -> memref<163842x256xf32, #tpu.memory_space<hbm>>
        tpu.enqueue_indirect_dma source(%dma_start3A_229 : memref<163842x256xf32, #tpu.memory_space<hbm>>) target(%dma_start3A_223 : memref<96x256xf32, #tpu.memory_space<vmem>>) offsets(%dma_start3A_226 : memref<96xi32, #tpu.memory_space<vmem>>) semaphore(%arg9 : memref<!tpu.dma_semaphore, #tpu.memory_space<semaphore_mem>>)
        %add3A_230 = arith.constant 2 : i32
        %add3A_231 = arith.addi %add3A_155, %add3A_230 : i32
        %mul3A_232 = arith.constant 16 : i32
        %mul3A_233 = arith.muli %add3A_231, %mul3A_232 : i32
        %add3A_234 = arith.addi %mul3A_2, %mul3A_233 : i32
        %dma_start3A_235 = arith.constant 1 : i32
        %dma_start3A_236 = arith.constant 96 : i32
        %dma_start3A_237 = arith.constant 0 : i32
        %dma_start3A_238 = tpu.memref_slice %arg6[%dma_start3A_235, %dma_start3A_236, %dma_start3A_237] : memref<2x112x256xf32, #tpu.memory_space<vmem>> -> memref<1x16x256xf32, #tpu.memory_space<vmem>>
        %dma_start3A_239 = tpu.memref_squeeze %dma_start3A_238 : memref<1x16x256xf32, #tpu.memory_space<vmem>> -> memref<16x256xf32, #tpu.memory_space<vmem>>
        %dma_start3A_240 = arith.constant 0 : i32
        %dma_start3A_241 = tpu.memref_slice %arg2[%add3A_234, %dma_start3A_240] : memref<163842x256xf32, #tpu.memory_space<hbm>> -> memref<16x256xf32, #tpu.memory_space<hbm>>
        %dma_start3A_242 = arith.constant 96 : i32
        %dma_start3A_243 = arith.constant 0 : i32
        %dma_start3A_244 = tpu.memref_slice %arg6[%dma_start3A_235, %dma_start3A_242, %dma_start3A_243] : memref<2x112x256xf32, #tpu.memory_space<vmem>> -> memref<1x16x256xf32, #tpu.memory_space<vmem>>
        %dma_start3A_245 = tpu.memref_squeeze %dma_start3A_244 : memref<1x16x256xf32, #tpu.memory_space<vmem>> -> memref<16x256xf32, #tpu.memory_space<vmem>>
        %dma_start3A_246 = arith.constant 0 : i32
        %dma_start3A_247 = tpu.memref_slice %arg2[%add3A_234, %dma_start3A_246] : memref<163842x256xf32, #tpu.memory_space<hbm>> -> memref<16x256xf32, #tpu.memory_space<hbm>>
        tpu.enqueue_dma source(%dma_start3A_247 : memref<16x256xf32, #tpu.memory_space<hbm>>) target(%dma_start3A_245 : memref<16x256xf32, #tpu.memory_space<vmem>>) target_semaphore(%arg11 : memref<!tpu.dma_semaphore, #tpu.memory_space<semaphore_mem>>)
      } else {
      }
      %mul3A_201 = arith.constant 16 : i32
      %mul3A_202 = arith.muli %add3A_155, %mul3A_201 : i32
      %add3A_203 = arith.addi %mul3A_2, %mul3A_202 : i32
      %dma_start3A_204 = arith.constant 1 : i32
      %dma_start3A_205 = arith.constant 0 : i32
      %dma_start3A_206 = arith.constant 0 : i32
      %dma_start3A_207 = tpu.memref_slice %arg7[%dma_start3A_204, %dma_start3A_205, %dma_start3A_206] : memref<2x16x256xf32, #tpu.memory_space<vmem>> -> memref<1x16x256xf32, #tpu.memory_space<vmem>>
      %dma_start3A_208 = tpu.memref_squeeze %dma_start3A_207 : memref<1x16x256xf32, #tpu.memory_space<vmem>> -> memref<16x256xf32, #tpu.memory_space<vmem>>
      %dma_start3A_209 = arith.constant 0 : i32
      %dma_start3A_210 = tpu.memref_slice %arg4[%add3A_203, %dma_start3A_209] : memref<41984x256xf32, #tpu.memory_space<hbm>> -> memref<16x256xf32, #tpu.memory_space<hbm>>
      %dma_start3A_211 = arith.constant 0 : i32
      %dma_start3A_212 = tpu.memref_slice %arg4[%add3A_203, %dma_start3A_211] : memref<41984x256xf32, #tpu.memory_space<hbm>> -> memref<16x256xf32, #tpu.memory_space<hbm>>
      %dma_start3A_213 = arith.constant 0 : i32
      %dma_start3A_214 = arith.constant 0 : i32
      %dma_start3A_215 = tpu.memref_slice %arg7[%dma_start3A_204, %dma_start3A_213, %dma_start3A_214] : memref<2x16x256xf32, #tpu.memory_space<vmem>> -> memref<1x16x256xf32, #tpu.memory_space<vmem>>
      %dma_start3A_216 = tpu.memref_squeeze %dma_start3A_215 : memref<1x16x256xf32, #tpu.memory_space<vmem>> -> memref<16x256xf32, #tpu.memory_space<vmem>>
      tpu.enqueue_dma source(%dma_start3A_216 : memref<16x256xf32, #tpu.memory_space<vmem>>) target(%dma_start3A_212 : memref<16x256xf32, #tpu.memory_space<hbm>>) target_semaphore(%arg13 : memref<!tpu.dma_semaphore, #tpu.memory_space<semaphore_mem>>)
    }
    %scan3A_60 = arith.constant 41 : i32
    %add3A_61 = arith.constant 1280 : i32
    %add3A_62 = arith.addi %mul3A_2, %add3A_61 : i32
    %dma_wait3A = arith.constant 0 : i32
    %dma_wait3A_63 = arith.constant 0 : i32
    %dma_wait3A_64 = arith.constant 0 : i32
    %dma_wait3A_65 = tpu.memref_slice %arg7[%dma_wait3A, %dma_wait3A_63, %dma_wait3A_64] : memref<2x16x256xf32, #tpu.memory_space<vmem>> -> memref<1x16x256xf32, #tpu.memory_space<vmem>>
    %dma_wait3A_66 = tpu.memref_squeeze %dma_wait3A_65 : memref<1x16x256xf32, #tpu.memory_space<vmem>> -> memref<16x256xf32, #tpu.memory_space<vmem>>
    %dma_wait3A_67 = arith.constant 0 : i32
    %dma_wait3A_68 = tpu.memref_slice %arg4[%add3A_62, %dma_wait3A_67] : memref<41984x256xf32, #tpu.memory_space<hbm>> -> memref<16x256xf32, #tpu.memory_space<hbm>>
    %dma_wait3A_69 = arith.constant 0 : i32
    %dma_wait3A_70 = tpu.memref_slice %arg4[%add3A_62, %dma_wait3A_69] : memref<41984x256xf32, #tpu.memory_space<hbm>> -> memref<16x256xf32, #tpu.memory_space<hbm>>
    %dma_wait3A_71 = arith.constant 0 : i32
    %dma_wait3A_72 = arith.constant 0 : i32
    %dma_wait3A_73 = tpu.memref_slice %arg7[%dma_wait3A, %dma_wait3A_71, %dma_wait3A_72] : memref<2x16x256xf32, #tpu.memory_space<vmem>> -> memref<1x16x256xf32, #tpu.memory_space<vmem>>
    %dma_wait3A_74 = tpu.memref_squeeze %dma_wait3A_73 : memref<1x16x256xf32, #tpu.memory_space<vmem>> -> memref<16x256xf32, #tpu.memory_space<vmem>>
    tpu.wait_dma2 semaphore(%arg12 : memref<!tpu.dma_semaphore, #tpu.memory_space<semaphore_mem>>) src(%dma_wait3A_74 : memref<16x256xf32, #tpu.memory_space<vmem>>) dst(%dma_wait3A_70 : memref<16x256xf32, #tpu.memory_space<hbm>>)
    %add3A_75 = arith.constant 1296 : i32
    %add3A_76 = arith.addi %mul3A_2, %add3A_75 : i32
    %dma_wait3A_77 = arith.constant 1 : i32
    %dma_wait3A_78 = arith.constant 0 : i32
    %dma_wait3A_79 = arith.constant 0 : i32
    %dma_wait3A_80 = tpu.memref_slice %arg7[%dma_wait3A_77, %dma_wait3A_78, %dma_wait3A_79] : memref<2x16x256xf32, #tpu.memory_space<vmem>> -> memref<1x16x256xf32, #tpu.memory_space<vmem>>
    %dma_wait3A_81 = tpu.memref_squeeze %dma_wait3A_80 : memref<1x16x256xf32, #tpu.memory_space<vmem>> -> memref<16x256xf32, #tpu.memory_space<vmem>>
    %dma_wait3A_82 = arith.constant 0 : i32
    %dma_wait3A_83 = tpu.memref_slice %arg4[%add3A_76, %dma_wait3A_82] : memref<41984x256xf32, #tpu.memory_space<hbm>> -> memref<16x256xf32, #tpu.memory_space<hbm>>
    %dma_wait3A_84 = arith.constant 0 : i32
    %dma_wait3A_85 = tpu.memref_slice %arg4[%add3A_76, %dma_wait3A_84] : memref<41984x256xf32, #tpu.memory_space<hbm>> -> memref<16x256xf32, #tpu.memory_space<hbm>>
    %dma_wait3A_86 = arith.constant 0 : i32
    %dma_wait3A_87 = arith.constant 0 : i32
    %dma_wait3A_88 = tpu.memref_slice %arg7[%dma_wait3A_77, %dma_wait3A_86, %dma_wait3A_87] : memref<2x16x256xf32, #tpu.memory_space<vmem>> -> memref<1x16x256xf32, #tpu.memory_space<vmem>>
    %dma_wait3A_89 = tpu.memref_squeeze %dma_wait3A_88 : memref<1x16x256xf32, #tpu.memory_space<vmem>> -> memref<16x256xf32, #tpu.memory_space<vmem>>
    tpu.wait_dma2 semaphore(%arg13 : memref<!tpu.dma_semaphore, #tpu.memory_space<semaphore_mem>>) src(%dma_wait3A_89 : memref<16x256xf32, #tpu.memory_space<vmem>>) dst(%dma_wait3A_85 : memref<16x256xf32, #tpu.memory_space<hbm>>)
    return
  }
}

</mosaic_0001>

<sc_bundles>
// kernel: _pool.3.cloned.1.call-start
scs
__scs_entry_jumppad:
0x0: {  	(pc) =	sbr.rel $0x88, $3  }
0x1: {  	(tag) =	ssettag $0x0;
	lr =	simm.s32 $0x1  }
0x2: {  	[smem:$0x3F9F] =	sst lr;
	_ =	strace $0xD0000000  }
0x3: {  	_ = 	snop  }
0x4: {  	_ = 	snop  }
0x5: {  	_ = 	snop  }
0x6: {  	_ = 	snop  }
0x7: {  	_ = 	snop  }
__scs_overlays_trampoline_lowered:
0x8: {  	[smem:$0x3FAE] =	sst s0  }
0x9: {  	[smem:$0x3FAF] =	sst s1  }
0xa: {  	[smem:$0x3FB0] =	sst s2  }
0xb: {  	[smem:$0x3FB1] =	sst s3  }
0xc: {  	[smem:$0x3FB2] =	sst s4  }
0xd: {  	[smem:$0x3FB3] =	sst s5  }
0xe: {  	[smem:$0x3FB4] =	sst s6  }
0xf: {  	[smem:$0x3FB5] =	sst s7  }
0x10: {  	[smem:$0x3FB6] =	sst s8  }
0x11: {  	[smem:$0x3FB7] =	sst s9;
	s0 =	simm.s32 @!p0 $0x0  }
0x12: {  	s1 =	sld [smem:$0x3F9D];
	s0 =	simm.s32 @p0 $0x1  }
0x13: {  	[smem:$0x3FB8] =	sst s0;
	s0 =	simm.s32 @!p1 $0x0  }
0x14: {  	s2 =	sld [smem:$0x3F9C];
	s0 =	simm.s32 @p1 $0x1  }
0x15: {  	[smem:$0x3FB9] =	sst s0;
	s0 =	simm.s32 @!p2 $0x0  }
0x16: {  	s3 =	sld [smem:$0x3FDB];
	s0 =	simm.s32 @p2 $0x1  }
0x17: {  	s4 =	simm.s32 $0x1BF5;
	[smem:$0x3FBB] =	sst s0  }
0x18: {  	s0 =	sld [smem:$0x3F9E];
	_ =	swait.ge [sflag:s4], $0x0  }
0x19: {  	s7 =	sld [smem:$0x3F9F]  }
0x1a: {  	s8 =	sadd.s32 $0xFFFFE003, lr  }
0x1b: {  	s9 =	sadd.s32 $0xFFFFFEF7, lr;
	s5 =	simm.s32 $0xFFFFFFFF;
	p2 =	slt.u32 s8, $0xFFFFF086  }
0x1c: {  	p1 =	slt.u32 s9, $0xF7A;
	s5 =	simm.s32 @!p2 $0x0  }
0x1d: {  	s5 =	simm.s32 @p1 $0x1;
	p0 =	seq.s32 s7, s2  }
0x1e: {  	s7 =	smul.u32 @!p0 $0xF7A, s2;
	p2 =	seq.s32 @!p0 s5, $0x0  }
0x1f: {  	s9 =	smul.u32 $0xF7A, s1;
	s8 =	simm.s32 @!p0 $0x1BF5;
	p2 =	por !p2, p0  }
0x20: {  	[sflag:s8] =	ssyncset.s32 @!p0 $0xFFFFF086;
	s6 =	sadd.s32 @!p0 s3, s7;
	s7 =	simm.s32 @!p0 $0x108  }
0x21: {  	s3 =	sadd.s32 s3, s9;
	s6 =	sadd.s32 @!p0 $0x88, s6;
	s7 =	simm.s32 @p2 $0x1082  }
0x22: {  	[simem:s7], [sflag:s8] =	dma.local @!p0 [hbm:s6], $0xF7A  }
0x23: {  	s9 =	sor.u32 $0xD0000000, s2;
	s6 =	simm.s32 $0x108;
	_ =	swait.ge @!p0 [sflag:s8], $0x0  }
0x24: {  	s3 =	sadd.s32 $0x88, s3;
	s6 =	simm.s32 @!p1 $0x1082;
	[sflag:s4] =	ssyncset.s32 $0xFFFFF086  }
0x25: {  	[simem:s6], [sflag:s4] =	dma.local [hbm:s3], $0xF7A  }
0x26: {  	[smem:$0x3F9F] =	sst s1;
	(tag) =	ssettag s2;
	_ =	strace s9  }
0x27: {  	s1 =	sld [smem:$0x3FAF]  }
0x28: {  	s2 =	sld [smem:$0x3FB0]  }
0x29: {  	s4 =	sld [smem:$0x3FB2]  }
0x2a: {  	p0 =	seq.s32 s5, $0x0;
	s5 =	sld [smem:$0x3FB3]  }
0x2b: {  	s6 =	sld [smem:$0x3FB4]  }
0x2c: {  	s7 =	sld [smem:$0x3FB5]  }
0x2d: {  	s3 =	simm.s32 $0x108;
	s8 =	sld [smem:$0x3FB6]  }
0x2e: {  	s3 =	simm.s32 @!p0 $0x1082;
	s9 =	sld [smem:$0x3FB7]  }
0x2f: {  	lr =	sadd.s32 s0, s3;
	s0 =	sld [smem:$0x3FAE]  }
0x30: {  	s3 =	sld [smem:$0x3FB1]  }
0x31: {  	[smem:$0x3FBA] =	sst s10  }
0x32: {  	s10 =	sld [smem:$0x3FB8];
	_ =	sdelay $0x3  }
0x33: {  	p0 =	seq.s32 s10, $0x1;
	s10 =	sld [smem:$0x3FBA];
	_ =	sdelay $0x3  }
0x34: {  	[smem:$0x3FBA] =	sst s10  }
0x35: {  	s10 =	sld [smem:$0x3FB9];
	_ =	sdelay $0x3  }
0x36: {  	p1 =	seq.s32 s10, $0x1;
	s10 =	sld [smem:$0x3FBA];
	_ =	sdelay $0x3  }
0x37: {  	[smem:$0x3FBA] =	sst s10  }
0x38: {  	s10 =	sld [smem:$0x3FBB]  }
0x39: {  	_ = 	snop;
	(pc) =	sbr.ind lr, $3  }
0x3a: {  	_ = 	snop  }
0x3b: {  	_ = 	snop  }
0x3c: {  	p2 =	seq.s32 s10, $0x1;
	s10 =	sld [smem:$0x3FBA]  }
0x3d: {  	_ =	shalt  }
0x3e: {  	_ =	shalt  }
0x3f: {  	_ =	shalt  }
0x40: {  	_ =	shalt  }
0x41: {  	_ =	shalt  }
0x42: {  	_ =	shalt  }
0x43: {  	_ =	shalt  }
0x44: {  	_ =	shalt  }
0x45: {  	_ =	shalt  }
0x46: {  	_ =	shalt  }
0x47: {  	_ =	shalt  }
0x48: {  	_ =	shalt  }
0x49: {  	_ =	shalt  }
0x4a: {  	_ =	shalt  }
0x4b: {  	_ =	shalt  }
0x4c: {  	_ =	shalt  }
0x4d: {  	_ =	shalt  }
0x4e: {  	_ =	shalt  }
0x4f: {  	_ =	shalt  }
0x50: {  	_ =	shalt  }
0x51: {  	_ =	shalt  }
0x52: {  	_ =	shalt  }
0x53: {  	_ =	shalt  }
0x54: {  	_ =	shalt  }
0x55: {  	_ =	shalt  }
0x56: {  	_ =	shalt  }
0x57: {  	_ =	shalt  }
0x58: {  	_ =	shalt  }
0x59: {  	_ =	shalt  }
0x5a: {  	_ =	shalt  }
0x5b: {  	_ =	shalt  }
0x5c: {  	_ =	shalt  }
0x5d: {  	_ =	shalt  }
0x5e: {  	_ =	shalt  }
0x5f: {  	_ =	shalt  }
0x60: {  	_ =	shalt  }
0x61: {  	_ =	shalt  }
0x62: {  	_ =	shalt  }
0x63: {  	_ =	shalt  }
0x64: {  	_ =	shalt  }
0x65: {  	_ =	shalt  }
0x66: {  	_ =	shalt  }
0x67: {  	_ =	shalt  }
0x68: {  	_ =	shalt  }
0x69: {  	_ =	shalt  }
0x6a: {  	_ =	shalt  }
0x6b: {  	_ =	shalt  }
0x6c: {  	_ =	shalt  }
0x6d: {  	_ =	shalt  }
0x6e: {  	_ =	shalt  }
0x6f: {  	_ =	shalt  }
0x70: {  	_ =	shalt  }
0x71: {  	_ =	shalt  }
0x72: {  	_ =	shalt  }
0x73: {  	_ =	shalt  }
0x74: {  	_ =	shalt  }
0x75: {  	_ =	shalt  }
0x76: {  	_ =	shalt  }
0x77: {  	_ =	shalt  }
0x78: {  	_ =	shalt  }
0x79: {  	_ =	shalt  }
0x7a: {  	_ =	shalt  }
0x7b: {  	_ =	shalt  }
0x7c: {  	_ =	shalt  }
0x7d: {  	_ =	shalt  }
0x7e: {  	_ =	shalt  }
0x7f: {  	_ =	shalt  }
0x80: {  	_ =	shalt  }
0x81: {  	_ =	shalt  }
0x82: {  	_ =	shalt  }
0x83: {  	_ =	shalt  }
0x84: {  	_ =	shalt  }
0x85: {  	_ =	shalt  }
0x86: {  	_ =	shalt  }
0x87: {  	_ =	shalt  }
.Lfunc_end0:
.L_simem_size_0:
called_computation.2_lowered:
.L_overlay_start_0:
0x88: {  	s2 =	sld [smem:$0x3FD9]  }
0x89: {  	s3 =	sld [smem:$0x3FFE];
	_ =	sdelay $0x1  }
0x8a: {  	s1 =	srdreg.scid  }
0x8b: {  	s0 =	sand.u32 $0x1, s1  }
0x8c: {  	s17 =	sshll.u32 s0, $0xA;
	s2 =	sadd.s32 s3, s2  }
0x8d: {  	s2 =	sadd.s32 s2, s17  }
0x8e: {  	[smem:$0x3FC6] =	sst s2  }
0x8f: {  	_ = 	snop  }
0x90: {  	s2 =	sld [smem:$0x3FD0];
	(tm) =	ssettm $0x1  }
0x91: {  	s18 =	sld [smem:$0x3FFB];
	_ =	sdelay $0x3  }
0x92: {  	_ =	strace s18  }
0x93: {  	s3 =	sld [smem:$0x3FFC];
	_ =	sdelay $0x3  }
0x94: {  	_ =	strace s3  }
0x95: {  	s3 =	sld [smem:$0x3FFD];
	_ =	sdelay $0x3  }
0x96: {  	_ =	strace s3  }
0x97: {  	_ =	strace $0x8FFFFFFF  }
0x98: {  	s19 =	sld [smem:$0x3FDB];
	_ =	sdelay $0x1  }
0x99: {  	s4 =	simm.s32 $_scs_section_size  }
0x9a: {  	s5 =	simm.s32 $_size__tile_overlayer_lowered;
	s6 =	simm.s32 $_tile_overlayer_lowered  }
0x9b: {  	s22 =	simm.s32 $0x1BFF;
	s21 =	sshll.u32 s6, $0x1;
	s3 =	sadd.s32 s4, s19  }
0x9c: {  	s7 =	simm.s32 $0x0;
	s20 =	sshll.u32 s5, $0x1;
	s5 =	sadd.s32 s21, s3  }
0x9d: {  	[timem:s7], [sflag:s22] =	dma.local [hbm:s5], s20  }
0x9e: {  	_ =	swait.ge [sflag:s22], s20  }
0x9f: {  	s4 =	ssub.s32 $0x0, s20;
	[sflag:s22] =	ssyncset.done $0x0  }
0xa0: {  	[sflag:s22] =	ssyncadd.s32 s4;
	_ =	sdelay $0x1  }
0xa1: {  	s23 =	simm.s32 $0x1B8B  }
0xa2: {  	_ =	swait.ge [sflag:s23], $0x1  }
0xa3: {  	[sflag:s23] =	ssyncset.done $0x0  }
0xa4: {  	s25 =	simm.s32 $0x1B8E;
	s24 =	sld [smem:$0x3FFE];
	[sflag:s23] =	ssyncadd.s32 $0xFFFFFFFF  }
0xa5: {  	s26 =	simm.s32 $execute0_lowered;
	[smem:$0x3FD2] =	sst s25  }
0xa6: {  	s5 =	sshll.u32 s26, $0x1;
	_ =	strace $0x80000049;
	[dreg:$0x1] =	wrdreg $0xFFFFFFFF  }
0xa7: {  	s28 =	simm.s32 $_size_execute0_lowered;
	s3 =	sadd.s32 s3, s5;
	[dreg:$0x0] =	wrdreg $0x0  }
0xa8: {  	s5 =	sshll.u32 s28, $0x1;
	[dreg:$0x2] =	wrdreg s3  }
0xa9: {  	[dreg:$0x3] =	wrdreg s5  }
0xaa: {  	[dreg:$0x4] =	wrdreg $0xC0  }
0xab: {  	_ =	task [dreg:s7], $0x5FFFF  }
0xac: {  	[dreg:$0x1] =	wrdreg $0xFFFFFFFF  }
0xad: {  	[dreg:$0x0] =	wrdreg $0x60  }
0xae: {  	[dreg:$0x2] =	wrdreg s24  }
0xaf: {  	[dreg:$0x3] =	wrdreg s2  }
0xb0: {  	[dreg:$0x4] =	wrdreg $0x9  }
0xb1: {  	_ =	task.clear_ibuf [dreg:s7], $0x5FFFF;
	_ =	strace $0x90000049  }
0xb2: {  	s29 =	simm.s32 $0x9;
	_ =	strace $0x8000004B  }
0xb3: {  	_ =	swait.ge [sflag:s29], $0x1  }
0xb4: {  	[sflag:s29] =	ssyncadd.s32 $0xFFFFFFFF  }
0xb5: {  	_ =	strace $0x9000004B  }
0xb6: {  	_ =	sfence  }
0xb7: {  	s30 =	sld [smem:$0x0];
	_ =	sdelay $0x2  }
0xb8: {  	s31 =	sshll.u32 s1, $0xD;
	s1 =	sshrl.u32 s1, $0x2  }
0xb9: {  	s3 =	sand.u32 $0x4000, s31;
	s1 =	sadd.s32 s1, s30  }
0xba: {  	s0 =	sor.u32 s3, s0;
	s1 =	sshll.u32 s1, $0x11  }
0xbb: {  	s0 =	sor.u32 s1, s0  }
0xbc: {  	s0 =	sadd.s32 $0x8F2B, s0  }
0xbd: {  	[sflag:s0] =	ssyncadd.remote.s32 $0x1  }
0xbe: {  	_ =	sfence.sel $0xFFFF  }
0xbf: {  	[dreg:$0x0] =	wrdreg $0xFFFFFFFF;
	(pc) =	sbr.abs _section_cstart, $3  }
0xc0: {  	[dreg:$0x1] =	wrdreg $0xFFFFFFFF  }
0xc1: {  	_ =	task.clear_ibuf [dreg:s7], $0x2FFFF;
	_ =	strace $0x9FFFFFFF  }
0xc2: {  	(tm) =	ssettm $0x7FFFFFFF  }
0xc3: {  	_ =	shalt  }
tec
execute0_lowered:
.L_overlay_start_1:
0x0: {  	(tag) =	ssettag $0x1  }
0x1: {  	s0 =	rddreg [dreg:$0x0]  }
0x2: {  	s1 =	rddreg [dreg:$0x1];
	s3 =	srdreg.scid  }
0x3: {  	s4 =	stileid.u32;
	s2 =	simm.s32 $0x0;
	s11 =	simm.s32 $0xFC00  }
0x4: {  	s12 =	simm.s32 $0x1;
	s13 =	simm.s32 $0x3;
	s14 =	simm.s32 $0x10C00  }
0x5: {  	s15 =	simm.s32 $0x2;
	s3 =	sand.u32 $0x1, s3;
	s4 =	sshll.u32 s4, $0x1  }
0x6: {  	s16 =	simm.s32 $0x4;
	s17 =	simm.s32 $0x11C00;
	s5 =	sor.u32 s3, s4  }
0x7: {  	[smem:$0x7FF] =	sst s2;
	s6 =	ssub.s32 $0x2, s3;
	s7 =	smul.u32 $0xA400, s5  }
0x8: {  	_ =	strace $0x8000004A;
	s8 =	sshrl.u32 s6, $0x1;
	s9 =	smul.u32 $0x580, s5  }
0x9: {  	s3 =	sadd.s32 $0xE00, s0;
	s28 =	ssub.s32 s6, s8;
	s8 =	smul.u32 $0x52000, s5  }
.Ltmp0:
0xa: {  	s4 =	sadd.s32 $0x501000, s0;
	s1 =	sadd.s32 s1, s9;
	(pc) =	sbr.rel .LBB2_1-.Ltmp0, $4  }
0xb: {  	s5 =	simm.s32 $0xF400;
	s29 =	sadd.s32 s3, s7;
	[dreg:$0x4] =	wrdreg s1  }
0xc: {  	v2 =	vlaneseq.u32;
	s6 =	simm.s32 $0x0;
	s0 =	smax.u32 s28, $0x1;
	[dreg:$0x3] =	wrdreg s29  }
0xd: {  	vm0 =	vmmov $0xffff;
	v1 =	vshrl.u32 v2, $0x3;
	s31 =	sadd.s32 s7, s4;
	s30 =	sadd.s32 $0x200, s29;
	[dreg:$0x6] =	wrdreg s0  }
0xe: {  	v0 =	vand.u32 $0x7, v2;
	v2 =	vor.u32 $0x8, v2;
	v1 =	vmul.u32 $0x8, v1;
	s9 =	simm.s32 $0xEC00;
	s10 =	sadd.s32 $0x200, s31;
	[dreg:$0x5] =	wrdreg s30  }
.LBB2_11:
0xf: {  	s0 =	simm.s32 $0x5  }
0x10: {  	_ =	swait.ge [sflag:s0], $0x1000  }
0x11: {  	[sflag:s0] =	ssyncset.done $0x0  }
0x12: {  	s1 =	simm.s32 $0x6;
	[sflag:s0] =	ssyncadd.s32 $0xFFFFF000  }
0x13: {  	_ =	swait.ge [sflag:s1], $0x1000  }
0x14: {  	s6 =	rddreg [dreg:$0x7]  }
0x15: {  	s31 =	rddreg [dreg:$0x6];
	s6 =	sadd.s32 $0x1, s6  }
0x16: {  	p0 =	sne.s32 s6, s31  }
.Ltmp1:
0x17: {  	_ = 	snop;
	(pc) =	sbr.rel @!p0 .LBB2_12-.Ltmp1, $3  }
0x18: {  	_ =	sdelay $0x1  }
0x19: {  	[sflag:s1] =	ssyncset.done $0x0  }
0x1a: {  	[sflag:s1] =	ssyncadd.s32 $0xFFFFF000  }
.LBB2_1:
0x1b: {  	[dreg:$0x7] =	wrdreg s6  }
0x1c: {  	s0 =	rddreg [dreg:$0x4];
	s22 =	simm.s32 $0x7  }
0x1d: {  	[tilespmem:s2], [sflag:$0x7] =	stream.linear.gather [hbm4b:s0+s2], $0x2900, $0x38;
	[tilespmem:$0x12C00] =	vst v63  }
0x1e: {  	_ =	swait.ge [sflag:s22], $0x2900  }
0x1f: {  	[sflag:s22] =	ssyncset.done $0x0  }
0x20: {  	[sflag:s22] =	ssyncadd.s32 $0xFFFFD700  }
0x21: {  	v3 =	vld [tilespmem:$0x0];
	_ =	sdelay $0x4  }
0x22: {  	v4 =	vshll.u32 v3, $0x1  }
0x23: {  	v3 =	vand.u32 $0x7, v3;
	v4 =	vand.u32 $0xFFFFFFF0, v4  }
0x24: {  	v3 =	vor.u32 v3, v4  }
0x25: {  	v4 =	vperm.xlane v3, v0;
	_ =	sdelay $0x1  }
0x26: {  	v3 =	vperm.xlane v3, v2;
	v4 =	vadd.s32 v1, v4;
	_ =	sdelay $0x1  }
0x27: {  	v3 =	vadd.s32 v1, v3;
	_ =	sdelay $0x1  }
0x28: {  	s23 =	simm.s32 $0x2C00  }
0x29: {  	[tilespmem:s23], [sflag:$0x1] =	stream.indirect_vreg.gather [hbm4b:s3+s2], $0x80, v4, vm0, $0xb8;
	[tilespmem:$0x12C00] =	vst v63  }
0x2a: {  	s24 =	simm.s32 $0x3400  }
0x2b: {  	[tilespmem:s24], [sflag:$0x1] =	stream.indirect_vreg.gather [hbm4b:s3+s2], $0x80, v3, vm0, $0xb8;
	[tilespmem:$0x12C00] =	vst v63  }
0x2c: {  	v3 =	vld [tilespmem:$0x10];
	_ =	sdelay $0x4  }
0x2d: {  	v53 =	vshll.u32 v3, $0x1  }
0x2e: {  	v3 =	vand.u32 $0x7, v3;
	v4 =	vand.u32 $0xFFFFFFF0, v53  }
0x2f: {  	v3 =	vor.u32 v3, v4  }
0x30: {  	v4 =	vperm.xlane v3, v0;
	_ =	sdelay $0x1  }
0x31: {  	v3 =	vperm.xlane v3, v2;
	v4 =	vadd.s32 v1, v4;
	_ =	sdelay $0x1  }
0x32: {  	v3 =	vadd.s32 v1, v3;
	_ =	sdelay $0x1  }
0x33: {  	s25 =	simm.s32 $0x3C00  }
0x34: {  	[tilespmem:s25], [sflag:$0x1] =	stream.indirect_vreg.gather [hbm4b:s3+s2], $0x80, v4, vm0, $0xb8;
	[tilespmem:$0x12C00] =	vst v63  }
0x35: {  	s26 =	simm.s32 $0x4400  }
0x36: {  	[tilespmem:s26], [sflag:$0x1] =	stream.indirect_vreg.gather [hbm4b:s3+s2], $0x80, v3, vm0, $0xb8;
	[tilespmem:$0x12C00] =	vst v63  }
0x37: {  	v3 =	vld [tilespmem:$0x20];
	_ =	sdelay $0x4  }
0x38: {  	v54 =	vshll.u32 v3, $0x1  }
0x39: {  	v3 =	vand.u32 $0x7, v3;
	v4 =	vand.u32 $0xFFFFFFF0, v54  }
0x3a: {  	v3 =	vor.u32 v3, v4  }
0x3b: {  	v4 =	vperm.xlane v3, v0;
	_ =	sdelay $0x1  }
0x3c: {  	v3 =	vperm.xlane v3, v2;
	v4 =	vadd.s32 v1, v4;
	_ =	sdelay $0x1  }
0x3d: {  	v3 =	vadd.s32 v1, v3;
	_ =	sdelay $0x1  }
0x3e: {  	s28 =	simm.s32 $0x4C00  }
0x3f: {  	[tilespmem:s28], [sflag:$0x1] =	stream.indirect_vreg.gather [hbm4b:s3+s2], $0x80, v4, vm0, $0xb8;
	[tilespmem:$0x12C00] =	vst v63  }
0x40: {  	s29 =	simm.s32 $0x5400  }
0x41: {  	[tilespmem:s29], [sflag:$0x1] =	stream.indirect_vreg.gather [hbm4b:s3+s2], $0x80, v3, vm0, $0xb8;
	[tilespmem:$0x12C00] =	vst v63  }
0x42: {  	v3 =	vld [tilespmem:$0x30];
	_ =	sdelay $0x4  }
0x43: {  	v55 =	vshll.u32 v3, $0x1  }
0x44: {  	v3 =	vand.u32 $0x7, v3;
	v4 =	vand.u32 $0xFFFFFFF0, v55  }
0x45: {  	v3 =	vor.u32 v3, v4  }
0x46: {  	v4 =	vperm.xlane v3, v0;
	_ =	sdelay $0x1  }
0x47: {  	v3 =	vperm.xlane v3, v2;
	v4 =	vadd.s32 v1, v4;
	_ =	sdelay $0x1  }
0x48: {  	v3 =	vadd.s32 v1, v3;
	_ =	sdelay $0x1  }
0x49: {  	s30 =	simm.s32 $0x5C00  }
0x4a: {  	[tilespmem:s30], [sflag:$0x1] =	stream.indirect_vreg.gather [hbm4b:s3+s2], $0x80, v4, vm0, $0xb8;
	[tilespmem:$0x12C00] =	vst v63  }
0x4b: {  	s31 =	simm.s32 $0x6400  }
0x4c: {  	[tilespmem:s31], [sflag:$0x1] =	stream.indirect_vreg.gather [hbm4b:s3+s2], $0x80, v3, vm0, $0xb8;
	[tilespmem:$0x12C00] =	vst v63  }
0x4d: {  	v3 =	vld [tilespmem:$0x40];
	_ =	sdelay $0x4  }
0x4e: {  	v56 =	vshll.u32 v3, $0x1  }
0x4f: {  	v3 =	vand.u32 $0x7, v3;
	v4 =	vand.u32 $0xFFFFFFF0, v56  }
0x50: {  	v3 =	vor.u32 v3, v4  }
0x51: {  	v4 =	vperm.xlane v3, v0;
	_ =	sdelay $0x1  }
0x52: {  	v3 =	vperm.xlane v3, v2;
	v4 =	vadd.s32 v1, v4;
	_ =	sdelay $0x1  }
0x53: {  	v3 =	vadd.s32 v1, v3;
	_ =	sdelay $0x1  }
0x54: {  	s1 =	simm.s32 $0x6C00  }
0x55: {  	[tilespmem:s1], [sflag:$0x1] =	stream.indirect_vreg.gather [hbm4b:s3+s2], $0x80, v4, vm0, $0xb8;
	[tilespmem:$0x12C00] =	vst v63  }
0x56: {  	s6 =	simm.s32 $0x7400  }
0x57: {  	[tilespmem:s6], [sflag:$0x1] =	stream.indirect_vreg.gather [hbm4b:s3+s2], $0x80, v3, vm0, $0xb8;
	[tilespmem:$0x12C00] =	vst v63  }
0x58: {  	v3 =	vld [tilespmem:$0x50];
	_ =	sdelay $0x4  }
0x59: {  	v57 =	vshll.u32 v3, $0x1  }
0x5a: {  	v3 =	vand.u32 $0x7, v3;
	v4 =	vand.u32 $0xFFFFFFF0, v57  }
0x5b: {  	v3 =	vor.u32 v3, v4  }
0x5c: {  	v4 =	vperm.xlane v3, v0;
	_ =	sdelay $0x1  }
0x5d: {  	v3 =	vperm.xlane v3, v2;
	v4 =	vadd.s32 v1, v4;
	_ =	sdelay $0x1  }
0x5e: {  	v3 =	vadd.s32 v1, v3;
	_ =	sdelay $0x1  }
0x5f: {  	s7 =	simm.s32 $0x7C00  }
0x60: {  	[tilespmem:s7], [sflag:$0x1] =	stream.indirect_vreg.gather [hbm4b:s3+s2], $0x80, v4, vm0, $0xb8;
	[tilespmem:$0x12C00] =	vst v63  }
0x61: {  	s18 =	simm.s32 $0x8400  }
0x62: {  	[tilespmem:s18], [sflag:$0x1] =	stream.indirect_vreg.gather [hbm4b:s3+s2], $0x80, v3, vm0, $0xb8;
	[tilespmem:$0x12C00] =	vst v63  }
0x63: {  	s19 =	rddreg [dreg:$0x3];
	s1 =	simm.s32 $0x8C00  }
0x64: {  	[tilespmem:s1], [sflag:$0x3] =	stream.linear.gather [hbm4b:s19+s2], $0x1000, $0x38;
	[tilespmem:$0x12C00] =	vst v63  }
0x65: {  	v3 =	vld [tilespmem:$0x80];
	_ =	sdelay $0x4  }
0x66: {  	v58 =	vshll.u32 v3, $0x1  }
0x67: {  	v3 =	vand.u32 $0x7, v3;
	v4 =	vand.u32 $0xFFFFFFF0, v58  }
0x68: {  	v3 =	vor.u32 v3, v4  }
0x69: {  	v4 =	vperm.xlane v3, v0;
	_ =	sdelay $0x1  }
0x6a: {  	v3 =	vperm.xlane v3, v2;
	v4 =	vadd.s32 v1, v4;
	_ =	sdelay $0x1  }
0x6b: {  	v3 =	vadd.s32 v1, v3;
	_ =	sdelay $0x1  }
0x6c: {  	s20 =	simm.s32 $0x9C00  }
0x6d: {  	[tilespmem:s20], [sflag:$0x2] =	stream.indirect_vreg.gather [hbm4b:s3+s2], $0x80, v4, vm0, $0xb8;
	[tilespmem:$0x12C00] =	vst v63  }
0x6e: {  	s21 =	simm.s32 $0xA400  }
0x6f: {  	[tilespmem:s21], [sflag:$0x2] =	stream.indirect_vreg.gather [hbm4b:s3+s2], $0x80, v3, vm0, $0xb8;
	[tilespmem:$0x12C00] =	vst v63  }
0x70: {  	v3 =	vld [tilespmem:$0x90];
	_ =	sdelay $0x4  }
0x71: {  	v59 =	vshll.u32 v3, $0x1  }
0x72: {  	v3 =	vand.u32 $0x7, v3;
	v4 =	vand.u32 $0xFFFFFFF0, v59  }
0x73: {  	v3 =	vor.u32 v3, v4  }
0x74: {  	v4 =	vperm.xlane v3, v0;
	_ =	sdelay $0x1  }
0x75: {  	v3 =	vperm.xlane v3, v2;
	v4 =	vadd.s32 v1, v4;
	_ =	sdelay $0x1  }
0x76: {  	v3 =	vadd.s32 v1, v3;
	_ =	sdelay $0x1  }
0x77: {  	s22 =	simm.s32 $0xAC00  }
0x78: {  	[tilespmem:s22], [sflag:$0x2] =	stream.indirect_vreg.gather [hbm4b:s3+s2], $0x80, v4, vm0, $0xb8;
	[tilespmem:$0x12C00] =	vst v63  }
0x79: {  	s23 =	simm.s32 $0xB400  }
0x7a: {  	[tilespmem:s23], [sflag:$0x2] =	stream.indirect_vreg.gather [hbm4b:s3+s2], $0x80, v3, vm0, $0xb8;
	[tilespmem:$0x12C00] =	vst v63  }
0x7b: {  	v3 =	vld [tilespmem:$0xA0];
	_ =	sdelay $0x4  }
0x7c: {  	v60 =	vshll.u32 v3, $0x1  }
0x7d: {  	v3 =	vand.u32 $0x7, v3;
	v4 =	vand.u32 $0xFFFFFFF0, v60  }
0x7e: {  	v3 =	vor.u32 v3, v4  }
0x7f: {  	v4 =	vperm.xlane v3, v0;
	_ =	sdelay $0x1  }
0x80: {  	v3 =	vperm.xlane v3, v2;
	v4 =	vadd.s32 v1, v4;
	_ =	sdelay $0x1  }
0x81: {  	v3 =	vadd.s32 v1, v3;
	_ =	sdelay $0x1  }
0x82: {  	s24 =	simm.s32 $0xBC00  }
0x83: {  	[tilespmem:s24], [sflag:$0x2] =	stream.indirect_vreg.gather [hbm4b:s3+s2], $0x80, v4, vm0, $0xb8;
	[tilespmem:$0x12C00] =	vst v63  }
0x84: {  	s25 =	simm.s32 $0xC400  }
0x85: {  	[tilespmem:s25], [sflag:$0x2] =	stream.indirect_vreg.gather [hbm4b:s3+s2], $0x80, v3, vm0, $0xb8;
	[tilespmem:$0x12C00] =	vst v63  }
0x86: {  	v3 =	vld [tilespmem:$0xB0];
	_ =	sdelay $0x4  }
0x87: {  	v61 =	vshll.u32 v3, $0x1  }
0x88: {  	v3 =	vand.u32 $0x7, v3;
	v4 =	vand.u32 $0xFFFFFFF0, v61  }
0x89: {  	v3 =	vor.u32 v3, v4  }
0x8a: {  	v4 =	vperm.xlane v3, v0;
	_ =	sdelay $0x1  }
0x8b: {  	v3 =	vperm.xlane v3, v2;
	v4 =	vadd.s32 v1, v4;
	_ =	sdelay $0x1  }
0x8c: {  	v3 =	vadd.s32 v1, v3;
	_ =	sdelay $0x1  }
0x8d: {  	s26 =	simm.s32 $0xCC00  }
0x8e: {  	[tilespmem:s26], [sflag:$0x2] =	stream.indirect_vreg.gather [hbm4b:s3+s2], $0x80, v4, vm0, $0xb8;
	[tilespmem:$0x12C00] =	vst v63  }
0x8f: {  	s28 =	simm.s32 $0xD400  }
0x90: {  	[tilespmem:s28], [sflag:$0x2] =	stream.indirect_vreg.gather [hbm4b:s3+s2], $0x80, v3, vm0, $0xb8;
	[tilespmem:$0x12C00] =	vst v63  }
0x91: {  	v3 =	vld [tilespmem:$0xC0];
	_ =	sdelay $0x4  }
0x92: {  	v62 =	vshll.u32 v3, $0x1  }
0x93: {  	v3 =	vand.u32 $0x7, v3;
	v4 =	vand.u32 $0xFFFFFFF0, v62  }
0x94: {  	v3 =	vor.u32 v3, v4  }
0x95: {  	v4 =	vperm.xlane v3, v0;
	_ =	sdelay $0x1  }
0x96: {  	v3 =	vperm.xlane v3, v2;
	v4 =	vadd.s32 v1, v4;
	_ =	sdelay $0x1  }
0x97: {  	v3 =	vadd.s32 v1, v3;
	_ =	sdelay $0x1  }
0x98: {  	s29 =	simm.s32 $0xDC00  }
0x99: {  	[tilespmem:s29], [sflag:$0x2] =	stream.indirect_vreg.gather [hbm4b:s3+s2], $0x80, v4, vm0, $0xb8;
	[tilespmem:$0x12C00] =	vst v63  }
0x9a: {  	s30 =	simm.s32 $0xE400  }
0x9b: {  	[tilespmem:s30], [sflag:$0x2] =	stream.indirect_vreg.gather [hbm4b:s3+s2], $0x80, v3, vm0, $0xb8;
	[tilespmem:$0x12C00] =	vst v63  }
0x9c: {  	v3 =	vld [tilespmem:$0xD0];
	_ =	sdelay $0x4  }
0x9d: {  	v63 =	vshll.u32 v3, $0x1  }
0x9e: {  	v3 =	vand.u32 $0x7, v3;
	v4 =	vand.u32 $0xFFFFFFF0, v63  }
0x9f: {  	v3 =	vor.u32 v3, v4  }
0xa0: {  	v4 =	vperm.xlane v3, v0;
	_ =	sdelay $0x1  }
0xa1: {  	v4 =	vadd.s32 v1, v4  }
0xa2: {  	v3 =	vperm.xlane v3, v2;
	_ =	sdelay $0x1  }
0xa3: {  	v3 =	vadd.s32 v1, v3;
	_ =	sdelay $0x1  }
0xa4: {  	[tilespmem:s9], [sflag:$0x2] =	stream.indirect_vreg.gather [hbm4b:s3+s2], $0x80, v4, vm0, $0xb8;
	[tilespmem:$0x12C00] =	vst v63  }
.Ltmp2:
0xa5: {  	_ = 	snop;
	(pc) =	sbr.rel .LBB2_2-.Ltmp2, $4  }
0xa6: {  	_ = 	snop  }
0xa7: {  	[tilespmem:s5], [sflag:$0x2] =	stream.indirect_vreg.gather [hbm4b:s3+s2], $0x80, v3, vm0, $0xb8;
	[tilespmem:$0x12C00] =	vst v63  }
0xa8: {  	s31 =	rddreg [dreg:$0x5];
	s18 =	simm.s32 $0x0  }
0xa9: {  	[tilespmem:s11], [sflag:$0x4] =	stream.linear.gather [hbm4b:s31+s2], $0x1000, $0x38;
	[tilespmem:$0x12C00] =	vst v63  }
.LBB2_10:
0xaa: {  	s0 =	sshll.u32 s18, $0xA;
	s18 =	sadd.s32 $0x1, s18  }
0xab: {  	p0 =	sne.s32 s18, $0x29  }
.Ltmp3:
0xac: {  	_ = 	snop;
	(pc) =	sbr.rel @!p0 .LBB2_11-.Ltmp3, $3  }
0xad: {  	_ =	sdelay $0x1  }
0xae: {  	s0 =	sadd.s32 s10, s0  }
0xaf: {  	[hbm4b:s0+s2] =	stream.linear.scatter [tilespmem:s17], [sflag:$0x6], $0x1000, $0x38;
	[tilespmem:$0x12C00] =	vst v63  }
.LBB2_2:
0xb0: {  	_ =	swait.ge [sflag:s12], $0x6000  }
0xb1: {  	[sflag:s12] =	ssyncset.done $0x0  }
0xb2: {  	[sflag:s12] =	ssyncadd.s32 $0xFFFFA000  }
0xb3: {  	_ =	swait.ge [sflag:s13], $0x1000  }
0xb4: {  	p1 =	seq.s32 s18, $0x0;
	[sflag:s13] =	ssyncset.done $0x0  }
0xb5: {  	s0 =	simm.s32 @!p1 $0x5;
	[sflag:s13] =	ssyncadd.s32 $0xFFFFF000  }
0xb6: {  	s19 =	sshll.u32 s18, $0x1;
	_ =	swait.ge @!p1 [sflag:s0], $0x1000  }
0xb7: {  	s20 =	simm.s32 $0x0;
	s21 =	simm.s32 $0x0;
	[sflag:s0] =	ssyncset.done @!p1 $0x0  }
0xb8: {  	s22 =	simm.s32 $0x0;
	s23 =	simm.s32 $0x0;
	[sflag:s0] =	ssyncadd.s32 @!p1 $0xFFFFF000  }
.LBB2_3:
0xb9: {  	s0 =	sand.u32 $0x7800, s20  }
0xba: {  	s1 =	sand.u32 $0x300, s23;
	s6 =	sadd.s32 $0x200, s20;
	s25 =	sadd.s32 $0x100, s23  }
0xbb: {  	s7 =	sadd.s32 $0x300, s20;
	s26 =	sadd.s32 $0x180, s23;
	s28 =	sadd.s32 $0x400, s20  }
0xbc: {  	s30 =	sadd.s32 $0x200, s23;
	s31 =	sadd.s32 $0x500, s20;
	s24 =	sor.u32 s1, s0  }
0xbd: {  	s1 =	sand.u32 $0xF800, s6;
	s6 =	sand.u32 $0x300, s25;
	s0 =	sand.u32 $0xF800, s7;
	v3 =	vld [tilespmem:s24+$0x2C00]  }
0xbe: {  	s29 =	sand.u32 $0xF800, s28;
	s25 =	sor.u32 s6, s1;
	s1 =	sand.u32 $0x380, s26;
	v4 =	vld [tilespmem:s24+$0x2C80]  }
0xbf: {  	s28 =	sadd.s32 $0x280, s23;
	s26 =	sor.u32 s1, s0;
	v5 =	vld [tilespmem:s25+$0x2C00];
	s1 =	sand.u32 $0x300, s30  }
0xc0: {  	s6 =	sand.u32 $0x380, s28;
	v6 =	vld [tilespmem:s26+$0x2C00];
	s29 =	sor.u32 s1, s29;
	s1 =	sand.u32 $0xF800, s31  }
0xc1: {  	s7 =	sand.u32 $0x800, s21;
	s28 =	sand.u32 $0x380, s22;
	v7 =	vld [tilespmem:s29+$0x2C00];
	s30 =	sor.u32 s6, s1  }
0xc2: {  	s31 =	sor.u32 s28, s7;
	v8 =	vld [tilespmem:s30+$0x2C00]  }
0xc3: {  	v9 =	vld [tilespmem:s31+$0x8C00];
	_ =	sdelay $0x3  }
0xc4: {  	v3 =	vmax.f32 v3, v4;
	v48 =	vmax.f32 v5, v6;
	v49 =	vmax.f32 v7, v8  }
0xc5: {  	v3 =	vmax.f32 v3, v48;
	v5 =	vmax.f32 v49, v9  }
0xc6: {  	v3 =	vmax.f32 v3, v5  }
0xc7: {  	[tilespmem:s31+$0x10C00] =	vst v3  }
0xc8: {  	v3 =	vld [tilespmem:s24+$0x2C10]  }
0xc9: {  	v50 =	vld [tilespmem:s24+$0x2C90]  }
0xca: {  	v51 =	vld [tilespmem:s25+$0x2C10]  }
0xcb: {  	v52 =	vld [tilespmem:s26+$0x2C10]  }
0xcc: {  	v53 =	vld [tilespmem:s29+$0x2C10]  }
0xcd: {  	v54 =	vld [tilespmem:s30+$0x2C10]  }
0xce: {  	v55 =	vld [tilespmem:s31+$0x8C10];
	_ =	sdelay $0x3  }
0xcf: {  	v3 =	vmax.f32 v3, v50;
	v56 =	vmax.f32 v51, v52;
	v57 =	vmax.f32 v53, v54  }
0xd0: {  	v5 =	vmax.f32 v57, v55;
	v3 =	vmax.f32 v3, v56  }
0xd1: {  	v3 =	vmax.f32 v3, v5  }
0xd2: {  	[tilespmem:s31+$0x10C10] =	vst v3  }
0xd3: {  	v3 =	vld [tilespmem:s24+$0x2C20]  }
0xd4: {  	v58 =	vld [tilespmem:s24+$0x2CA0]  }
0xd5: {  	v59 =	vld [tilespmem:s25+$0x2C20]  }
0xd6: {  	v60 =	vld [tilespmem:s26+$0x2C20]  }
0xd7: {  	v61 =	vld [tilespmem:s29+$0x2C20]  }
0xd8: {  	v62 =	vld [tilespmem:s30+$0x2C20]  }
0xd9: {  	v63 =	vld [tilespmem:s31+$0x8C20];
	_ =	sdelay $0x3  }
0xda: {  	v3 =	vmax.f32 v3, v58;
	v10 =	vmax.f32 v59, v60;
	v11 =	vmax.f32 v61, v62  }
0xdb: {  	v5 =	vmax.f32 v11, v63;
	v3 =	vmax.f32 v3, v10  }
0xdc: {  	v3 =	vmax.f32 v3, v5  }
0xdd: {  	[tilespmem:s31+$0x10C20] =	vst v3  }
0xde: {  	v3 =	vld [tilespmem:s24+$0x2C30]  }
0xdf: {  	v12 =	vld [tilespmem:s24+$0x2CB0]  }
0xe0: {  	v13 =	vld [tilespmem:s25+$0x2C30]  }
0xe1: {  	v14 =	vld [tilespmem:s26+$0x2C30]  }
0xe2: {  	v15 =	vld [tilespmem:s29+$0x2C30]  }
0xe3: {  	v16 =	vld [tilespmem:s30+$0x2C30]  }
0xe4: {  	v17 =	vld [tilespmem:s31+$0x8C30];
	_ =	sdelay $0x3  }
0xe5: {  	v3 =	vmax.f32 v3, v12;
	v18 =	vmax.f32 v13, v14;
	v19 =	vmax.f32 v15, v16  }
0xe6: {  	v5 =	vmax.f32 v19, v17;
	v3 =	vmax.f32 v3, v18  }
0xe7: {  	v3 =	vmax.f32 v3, v5  }
0xe8: {  	[tilespmem:s31+$0x10C30] =	vst v3  }
0xe9: {  	v3 =	vld [tilespmem:s24+$0x2C40]  }
0xea: {  	v20 =	vld [tilespmem:s24+$0x2CC0]  }
0xeb: {  	v21 =	vld [tilespmem:s25+$0x2C40]  }
0xec: {  	v22 =	vld [tilespmem:s26+$0x2C40]  }
0xed: {  	v23 =	vld [tilespmem:s29+$0x2C40]  }
0xee: {  	v24 =	vld [tilespmem:s30+$0x2C40]  }
0xef: {  	v25 =	vld [tilespmem:s31+$0x8C40];
	_ =	sdelay $0x3  }
0xf0: {  	v3 =	vmax.f32 v3, v20;
	v26 =	vmax.f32 v21, v22;
	v27 =	vmax.f32 v23, v24  }
0xf1: {  	v5 =	vmax.f32 v27, v25;
	v3 =	vmax.f32 v3, v26  }
0xf2: {  	v3 =	vmax.f32 v3, v5  }
0xf3: {  	[tilespmem:s31+$0x10C40] =	vst v3  }
0xf4: {  	v3 =	vld [tilespmem:s24+$0x2C50]  }
0xf5: {  	v28 =	vld [tilespmem:s24+$0x2CD0]  }
0xf6: {  	v29 =	vld [tilespmem:s25+$0x2C50]  }
0xf7: {  	v30 =	vld [tilespmem:s26+$0x2C50]  }
0xf8: {  	v31 =	vld [tilespmem:s29+$0x2C50]  }
0xf9: {  	v32 =	vld [tilespmem:s30+$0x2C50]  }
0xfa: {  	v33 =	vld [tilespmem:s31+$0x8C50];
	_ =	sdelay $0x3  }
0xfb: {  	v3 =	vmax.f32 v3, v28;
	v34 =	vmax.f32 v29, v30;
	v35 =	vmax.f32 v31, v32  }
0xfc: {  	v5 =	vmax.f32 v35, v33;
	v3 =	vmax.f32 v3, v34  }
0xfd: {  	v3 =	vmax.f32 v3, v5  }
0xfe: {  	[tilespmem:s31+$0x10C50] =	vst v3  }
0xff: {  	v3 =	vld [tilespmem:s24+$0x2C60]  }
0x100: {  	v36 =	vld [tilespmem:s24+$0x2CE0]  }
0x101: {  	v37 =	vld [tilespmem:s25+$0x2C60]  }
0x102: {  	v38 =	vld [tilespmem:s26+$0x2C60]  }
0x103: {  	v39 =	vld [tilespmem:s29+$0x2C60]  }
0x104: {  	v40 =	vld [tilespmem:s30+$0x2C60]  }
0x105: {  	v41 =	vld [tilespmem:s31+$0x8C60];
	_ =	sdelay $0x3  }
0x106: {  	v3 =	vmax.f32 v3, v36;
	v42 =	vmax.f32 v37, v38;
	v43 =	vmax.f32 v39, v40  }
0x107: {  	v5 =	vmax.f32 v43, v41;
	v3 =	vmax.f32 v3, v42  }
0x108: {  	v3 =	vmax.f32 v3, v5  }
0x109: {  	[tilespmem:s31+$0x10C60] =	vst v3  }
0x10a: {  	v3 =	vld [tilespmem:s24+$0x2C70]  }
0x10b: {  	v44 =	vld [tilespmem:s24+$0x2CF0]  }
0x10c: {  	v45 =	vld [tilespmem:s25+$0x2C70]  }
0x10d: {  	v46 =	vld [tilespmem:s26+$0x2C70]  }
0x10e: {  	v47 =	vld [tilespmem:s29+$0x2C70]  }
0x10f: {  	v48 =	vld [tilespmem:s30+$0x2C70]  }
0x110: {  	v49 =	vld [tilespmem:s31+$0x8C70];
	_ =	sdelay $0x3  }
0x111: {  	v3 =	vmax.f32 v3, v44;
	v50 =	vmax.f32 v45, v46;
	v51 =	vmax.f32 v47, v48  }
0x112: {  	v5 =	vmax.f32 v51, v49;
	v3 =	vmax.f32 v3, v50  }
0x113: {  	v3 =	vmax.f32 v3, v5  }
0x114: {  	[tilespmem:s31+$0x10C70] =	vst v3  }
0x115: {  	v3 =	vld [tilespmem:s24+$0x3000]  }
0x116: {  	v52 =	vld [tilespmem:s24+$0x3080]  }
0x117: {  	v53 =	vld [tilespmem:s25+$0x3000]  }
0x118: {  	v54 =	vld [tilespmem:s26+$0x3000]  }
0x119: {  	s0 =	sor.u32 s7, s22;
	v55 =	vld [tilespmem:s29+$0x3000]  }
0x11a: {  	s0 =	sor.u32 $0x6400, s0;
	v56 =	vld [tilespmem:s30+$0x3000]  }
0x11b: {  	v57 =	vld [tilespmem:s0+$0x2C00];
	_ =	sdelay $0x3  }
0x11c: {  	v3 =	vmax.f32 v3, v52;
	v58 =	vmax.f32 v53, v54;
	v59 =	vmax.f32 v55, v56  }
0x11d: {  	v5 =	vmax.f32 v59, v57;
	v3 =	vmax.f32 v3, v58  }
0x11e: {  	v3 =	vmax.f32 v3, v5  }
0x11f: {  	[tilespmem:s31+$0x11000] =	vst v3  }
0x120: {  	v3 =	vld [tilespmem:s24+$0x3010]  }
0x121: {  	v60 =	vld [tilespmem:s24+$0x3090]  }
0x122: {  	v61 =	vld [tilespmem:s25+$0x3010]  }
0x123: {  	v62 =	vld [tilespmem:s26+$0x3010]  }
0x124: {  	v63 =	vld [tilespmem:s29+$0x3010]  }
0x125: {  	v12 =	vld [tilespmem:s30+$0x3010]  }
0x126: {  	v13 =	vld [tilespmem:s0+$0x2C10];
	_ =	sdelay $0x3  }
0x127: {  	v3 =	vmax.f32 v3, v60;
	v14 =	vmax.f32 v61, v62;
	v15 =	vmax.f32 v63, v12  }
0x128: {  	v5 =	vmax.f32 v15, v13;
	v3 =	vmax.f32 v3, v14  }
0x129: {  	v3 =	vmax.f32 v3, v5  }
0x12a: {  	[tilespmem:s31+$0x11010] =	vst v3  }
0x12b: {  	v3 =	vld [tilespmem:s24+$0x3020]  }
0x12c: {  	v16 =	vld [tilespmem:s24+$0x30A0]  }
0x12d: {  	v17 =	vld [tilespmem:s25+$0x3020]  }
0x12e: {  	v18 =	vld [tilespmem:s26+$0x3020]  }
0x12f: {  	v19 =	vld [tilespmem:s29+$0x3020]  }
0x130: {  	v20 =	vld [tilespmem:s30+$0x3020]  }
0x131: {  	v21 =	vld [tilespmem:s0+$0x2C20];
	_ =	sdelay $0x3  }
0x132: {  	v3 =	vmax.f32 v3, v16;
	v22 =	vmax.f32 v17, v18;
	v23 =	vmax.f32 v19, v20  }
0x133: {  	v5 =	vmax.f32 v23, v21;
	v3 =	vmax.f32 v3, v22  }
0x134: {  	v3 =	vmax.f32 v3, v5  }
0x135: {  	[tilespmem:s31+$0x11020] =	vst v3  }
0x136: {  	v3 =	vld [tilespmem:s24+$0x3030]  }
0x137: {  	v24 =	vld [tilespmem:s24+$0x30B0]  }
0x138: {  	v25 =	vld [tilespmem:s25+$0x3030]  }
0x139: {  	v26 =	vld [tilespmem:s26+$0x3030]  }
0x13a: {  	v27 =	vld [tilespmem:s29+$0x3030]  }
0x13b: {  	v28 =	vld [tilespmem:s30+$0x3030]  }
0x13c: {  	v29 =	vld [tilespmem:s0+$0x2C30];
	_ =	sdelay $0x3  }
0x13d: {  	v3 =	vmax.f32 v3, v24;
	v30 =	vmax.f32 v25, v26;
	v31 =	vmax.f32 v27, v28  }
0x13e: {  	v5 =	vmax.f32 v31, v29;
	v3 =	vmax.f32 v3, v30  }
0x13f: {  	v3 =	vmax.f32 v3, v5  }
0x140: {  	[tilespmem:s31+$0x11030] =	vst v3  }
0x141: {  	v3 =	vld [tilespmem:s24+$0x3040]  }
0x142: {  	v32 =	vld [tilespmem:s24+$0x30C0]  }
0x143: {  	v33 =	vld [tilespmem:s25+$0x3040]  }
0x144: {  	v34 =	vld [tilespmem:s26+$0x3040]  }
0x145: {  	v35 =	vld [tilespmem:s29+$0x3040]  }
0x146: {  	v36 =	vld [tilespmem:s30+$0x3040]  }
0x147: {  	v37 =	vld [tilespmem:s0+$0x2C40];
	_ =	sdelay $0x3  }
0x148: {  	v3 =	vmax.f32 v3, v32;
	v38 =	vmax.f32 v33, v34;
	v39 =	vmax.f32 v35, v36  }
0x149: {  	v5 =	vmax.f32 v39, v37;
	v3 =	vmax.f32 v3, v38  }
0x14a: {  	v3 =	vmax.f32 v3, v5  }
0x14b: {  	[tilespmem:s31+$0x11040] =	vst v3  }
0x14c: {  	v3 =	vld [tilespmem:s24+$0x3050]  }
0x14d: {  	v40 =	vld [tilespmem:s24+$0x30D0]  }
0x14e: {  	v41 =	vld [tilespmem:s25+$0x3050]  }
0x14f: {  	v42 =	vld [tilespmem:s26+$0x3050]  }
0x150: {  	v43 =	vld [tilespmem:s29+$0x3050]  }
0x151: {  	v44 =	vld [tilespmem:s30+$0x3050]  }
0x152: {  	v45 =	vld [tilespmem:s0+$0x2C50];
	_ =	sdelay $0x3  }
0x153: {  	v3 =	vmax.f32 v3, v40;
	v46 =	vmax.f32 v41, v42;
	v47 =	vmax.f32 v43, v44  }
0x154: {  	v5 =	vmax.f32 v47, v45;
	v3 =	vmax.f32 v3, v46  }
0x155: {  	v3 =	vmax.f32 v3, v5  }
0x156: {  	[tilespmem:s31+$0x11050] =	vst v3  }
0x157: {  	v3 =	vld [tilespmem:s24+$0x3060]  }
0x158: {  	v48 =	vld [tilespmem:s24+$0x30E0]  }
0x159: {  	v49 =	vld [tilespmem:s25+$0x3060]  }
0x15a: {  	v50 =	vld [tilespmem:s26+$0x3060]  }
0x15b: {  	v51 =	vld [tilespmem:s29+$0x3060]  }
0x15c: {  	v52 =	vld [tilespmem:s30+$0x3060]  }
0x15d: {  	v53 =	vld [tilespmem:s0+$0x2C60];
	_ =	sdelay $0x3  }
0x15e: {  	v3 =	vmax.f32 v3, v48;
	v54 =	vmax.f32 v49, v50;
	v55 =	vmax.f32 v51, v52  }
0x15f: {  	v5 =	vmax.f32 v55, v53;
	v3 =	vmax.f32 v3, v54  }
0x160: {  	v3 =	vmax.f32 v3, v5  }
0x161: {  	[tilespmem:s31+$0x11060] =	vst v3  }
0x162: {  	v3 =	vld [tilespmem:s24+$0x3070]  }
0x163: {  	v56 =	vld [tilespmem:s24+$0x30F0]  }
0x164: {  	v57 =	vld [tilespmem:s25+$0x3070]  }
0x165: {  	v58 =	vld [tilespmem:s26+$0x3070]  }
0x166: {  	v59 =	vld [tilespmem:s29+$0x3070]  }
0x167: {  	v60 =	vld [tilespmem:s30+$0x3070]  }
0x168: {  	v61 =	vld [tilespmem:s0+$0x2C70];
	_ =	sdelay $0x1  }
0x169: {  	p0 =	sne.s32 s23, $0x2D00  }
.Ltmp4:
0x16a: {  	_ = 	snop;
	(pc) =	sbr.rel @p0 .LBB2_3-.Ltmp4, $4  }
0x16b: {  	v3 =	vmax.f32 v3, v56;
	v62 =	vmax.f32 v57, v58;
	v63 =	vmax.f32 v59, v60  }
0x16c: {  	v5 =	vmax.f32 v63, v61;
	v3 =	vmax.f32 v3, v62  }
0x16d: {  	s20 =	sadd.s32 $0x600, s20;
	v3 =	vmax.f32 v3, v5  }
0x16e: {  	s21 =	sadd.s32 $0x100, s21;
	s23 =	sadd.s32 $0x300, s23;
	s22 =	sadd.s32 $0x80, s22;
	[tilespmem:s31+$0x11070] =	vst v3  }
0x16f: {  	p0 =	seq.s32 s18, $0x28  }
.Ltmp5:
0x170: {  	_ = 	snop;
	(pc) =	sbr.rel @p0 .LBB2_6-.Ltmp5, $1  }
0x171: {  	_ =	sdelay $0x3  }
0x172: {  	s0 =	sadd.s32 $0x2, s19  }
0x173: {  	s1 =	sshll.u32 s0, $0x7  }
0x174: {  	s1 =	sand.u32 $0x3FFFFF80, s1  }
0x175: {  	v3 =	vld [tilespmem:s1+$0x0];
	_ =	sdelay $0x4  }
0x176: {  	v4 =	vshll.u32 v3, $0x1  }
0x177: {  	v3 =	vand.u32 $0x7, v3;
	v4 =	vand.u32 $0xFFFFFFF0, v4  }
0x178: {  	v3 =	vor.u32 v3, v4  }
0x179: {  	v4 =	vperm.xlane v3, v0;
	_ =	sdelay $0x1  }
0x17a: {  	v3 =	vperm.xlane v3, v2;
	v4 =	vadd.s32 v1, v4;
	_ =	sdelay $0x1  }
0x17b: {  	v3 =	vadd.s32 v1, v3;
	_ =	sdelay $0x1  }
0x17c: {  	s6 =	simm.s32 $0x2C00  }
0x17d: {  	[tilespmem:s6], [sflag:$0x1] =	stream.indirect_vreg.gather [hbm4b:s3+s2], $0x80, v4, vm0, $0xb8;
	[tilespmem:$0x12C00] =	vst v63  }
0x17e: {  	s7 =	simm.s32 $0x3400  }
0x17f: {  	[tilespmem:s7], [sflag:$0x1] =	stream.indirect_vreg.gather [hbm4b:s3+s2], $0x80, v3, vm0, $0xb8;
	[tilespmem:$0x12C00] =	vst v63  }
0x180: {  	v3 =	vld [tilespmem:s1+$0x10];
	_ =	sdelay $0x4  }
0x181: {  	v59 =	vshll.u32 v3, $0x1  }
0x182: {  	v3 =	vand.u32 $0x7, v3;
	v4 =	vand.u32 $0xFFFFFFF0, v59  }
0x183: {  	v3 =	vor.u32 v3, v4  }
0x184: {  	v4 =	vperm.xlane v3, v0;
	_ =	sdelay $0x1  }
0x185: {  	v3 =	vperm.xlane v3, v2;
	v4 =	vadd.s32 v1, v4;
	_ =	sdelay $0x1  }
0x186: {  	v3 =	vadd.s32 v1, v3;
	_ =	sdelay $0x1  }
0x187: {  	s20 =	simm.s32 $0x3C00  }
0x188: {  	[tilespmem:s20], [sflag:$0x1] =	stream.indirect_vreg.gather [hbm4b:s3+s2], $0x80, v4, vm0, $0xb8;
	[tilespmem:$0x12C00] =	vst v63  }
0x189: {  	s21 =	simm.s32 $0x4400  }
0x18a: {  	[tilespmem:s21], [sflag:$0x1] =	stream.indirect_vreg.gather [hbm4b:s3+s2], $0x80, v3, vm0, $0xb8;
	[tilespmem:$0x12C00] =	vst v63  }
0x18b: {  	v3 =	vld [tilespmem:s1+$0x20];
	_ =	sdelay $0x4  }
0x18c: {  	v60 =	vshll.u32 v3, $0x1  }
0x18d: {  	v3 =	vand.u32 $0x7, v3;
	v4 =	vand.u32 $0xFFFFFFF0, v60  }
0x18e: {  	v3 =	vor.u32 v3, v4  }
0x18f: {  	v4 =	vperm.xlane v3, v0;
	_ =	sdelay $0x1  }
0x190: {  	v3 =	vperm.xlane v3, v2;
	v4 =	vadd.s32 v1, v4;
	_ =	sdelay $0x1  }
0x191: {  	v3 =	vadd.s32 v1, v3;
	_ =	sdelay $0x1  }
0x192: {  	s22 =	simm.s32 $0x4C00  }
0x193: {  	[tilespmem:s22], [sflag:$0x1] =	stream.indirect_vreg.gather [hbm4b:s3+s2], $0x80, v4, vm0, $0xb8;
	[tilespmem:$0x12C00] =	vst v63  }
0x194: {  	s23 =	simm.s32 $0x5400  }
0x195: {  	[tilespmem:s23], [sflag:$0x1] =	stream.indirect_vreg.gather [hbm4b:s3+s2], $0x80, v3, vm0, $0xb8;
	[tilespmem:$0x12C00] =	vst v63  }
0x196: {  	v3 =	vld [tilespmem:s1+$0x30];
	_ =	sdelay $0x4  }
0x197: {  	v61 =	vshll.u32 v3, $0x1  }
0x198: {  	v3 =	vand.u32 $0x7, v3;
	v4 =	vand.u32 $0xFFFFFFF0, v61  }
0x199: {  	v3 =	vor.u32 v3, v4  }
0x19a: {  	v4 =	vperm.xlane v3, v0;
	_ =	sdelay $0x1  }
0x19b: {  	v3 =	vperm.xlane v3, v2;
	v4 =	vadd.s32 v1, v4;
	_ =	sdelay $0x1  }
0x19c: {  	v3 =	vadd.s32 v1, v3;
	_ =	sdelay $0x1  }
0x19d: {  	s24 =	simm.s32 $0x5C00  }
0x19e: {  	[tilespmem:s24], [sflag:$0x1] =	stream.indirect_vreg.gather [hbm4b:s3+s2], $0x80, v4, vm0, $0xb8;
	[tilespmem:$0x12C00] =	vst v63  }
0x19f: {  	s25 =	simm.s32 $0x6400  }
0x1a0: {  	[tilespmem:s25], [sflag:$0x1] =	stream.indirect_vreg.gather [hbm4b:s3+s2], $0x80, v3, vm0, $0xb8;
	[tilespmem:$0x12C00] =	vst v63  }
0x1a1: {  	v3 =	vld [tilespmem:s1+$0x40];
	_ =	sdelay $0x4  }
0x1a2: {  	v62 =	vshll.u32 v3, $0x1  }
0x1a3: {  	v3 =	vand.u32 $0x7, v3;
	v4 =	vand.u32 $0xFFFFFFF0, v62  }
0x1a4: {  	v3 =	vor.u32 v3, v4  }
0x1a5: {  	v4 =	vperm.xlane v3, v0;
	_ =	sdelay $0x1  }
0x1a6: {  	v3 =	vperm.xlane v3, v2;
	v4 =	vadd.s32 v1, v4;
	_ =	sdelay $0x1  }
0x1a7: {  	v3 =	vadd.s32 v1, v3;
	_ =	sdelay $0x1  }
0x1a8: {  	s26 =	simm.s32 $0x6C00  }
0x1a9: {  	[tilespmem:s26], [sflag:$0x1] =	stream.indirect_vreg.gather [hbm4b:s3+s2], $0x80, v4, vm0, $0xb8;
	[tilespmem:$0x12C00] =	vst v63  }
0x1aa: {  	s28 =	simm.s32 $0x7400  }
0x1ab: {  	[tilespmem:s28], [sflag:$0x1] =	stream.indirect_vreg.gather [hbm4b:s3+s2], $0x80, v3, vm0, $0xb8;
	[tilespmem:$0x12C00] =	vst v63  }
0x1ac: {  	v3 =	vld [tilespmem:s1+$0x50];
	_ =	sdelay $0x4  }
0x1ad: {  	v63 =	vshll.u32 v3, $0x1  }
0x1ae: {  	v3 =	vand.u32 $0x7, v3;
	v4 =	vand.u32 $0xFFFFFFF0, v63  }
0x1af: {  	v3 =	vor.u32 v3, v4  }
0x1b0: {  	v4 =	vperm.xlane v3, v0;
	_ =	sdelay $0x1  }
0x1b1: {  	v3 =	vperm.xlane v3, v2;
	v4 =	vadd.s32 v1, v4;
	_ =	sdelay $0x1  }
0x1b2: {  	v3 =	vadd.s32 v1, v3  }
0x1b3: {  	s0 =	sshll.u32 s0, $0xC  }
0x1b4: {  	s29 =	simm.s32 $0x7C00;
	s0 =	sadd.s32 s8, s0  }
0x1b5: {  	[tilespmem:s29], [sflag:$0x1] =	stream.indirect_vreg.gather [hbm4b:s3+s2], $0x80, v4, vm0, $0xb8;
	[tilespmem:$0x12C00] =	vst v63  }
0x1b6: {  	s30 =	simm.s32 $0x8400;
	s0 =	sshrl.u32 s0, $0x3  }
0x1b7: {  	[tilespmem:s30], [sflag:$0x1] =	stream.indirect_vreg.gather [hbm4b:s3+s2], $0x80, v3, vm0, $0xb8;
	[tilespmem:$0x12C00] =	vst v63  }
0x1b8: {  	s31 =	simm.s32 $0x8C00;
	s0 =	sadd.s32 s3, s0  }
0x1b9: {  	[tilespmem:s31], [sflag:$0x3] =	stream.linear.gather [hbm4b:s0+s2], $0x1000, $0x38;
	[tilespmem:$0x12C00] =	vst v63  }
.LBB2_6:
0x1ba: {  	s0 =	sshll.u32 s18, $0xD  }
0x1bb: {  	s0 =	sadd.s32 s8, s0  }
0x1bc: {  	s0 =	sshrl.u32 s0, $0x3  }
0x1bd: {  	s0 =	sadd.s32 s4, s0  }
0x1be: {  	[hbm4b:s0+s2] =	stream.linear.scatter [tilespmem:s14], [sflag:$0x5], $0x1000, $0x38;
	[tilespmem:$0x12C00] =	vst v63  }
0x1bf: {  	_ =	swait.ge [sflag:s15], $0x6000  }
0x1c0: {  	[sflag:s15] =	ssyncset.done $0x0  }
0x1c1: {  	[sflag:s15] =	ssyncadd.s32 $0xFFFFA000  }
0x1c2: {  	_ =	swait.ge [sflag:s16], $0x1000  }
0x1c3: {  	[sflag:s16] =	ssyncset.done $0x0  }
0x1c4: {  	s0 =	simm.s32 @!p1 $0x6;
	[sflag:s16] =	ssyncadd.s32 $0xFFFFF000  }
0x1c5: {  	_ =	swait.ge @!p1 [sflag:s0], $0x1000  }
0x1c6: {  	s20 =	simm.s32 $0x0;
	s21 =	simm.s32 $0x0;
	[sflag:s0] =	ssyncset.done @!p1 $0x0  }
0x1c7: {  	s22 =	simm.s32 $0x0;
	s23 =	simm.s32 $0x0;
	[sflag:s0] =	ssyncadd.s32 @!p1 $0xFFFFF000  }
.LBB2_7:
0x1c8: {  	s30 =	sand.u32 $0x7800, s20  }
0x1c9: {  	s29 =	sand.u32 $0x300, s23;
	s6 =	sadd.s32 $0x200, s20;
	s24 =	sadd.s32 $0x100, s23  }
0x1ca: {  	s28 =	sadd.s32 $0x300, s20;
	s25 =	sadd.s32 $0x180, s23;
	s26 =	sadd.s32 $0x400, s20  }
0x1cb: {  	s1 =	sadd.s32 $0x9C00, s30;
	s31 =	sor.u32 $0x80, s29;
	s6 =	sand.u32 $0xF800, s6  }
0x1cc: {  	s24 =	sand.u32 $0x300, s24;
	s25 =	sand.u32 $0x380, s25;
	s0 =	sor.u32 s29, s1  }
0x1cd: {  	s1 =	sor.u32 s31, s1;
	s24 =	sor.u32 s24, s6;
	s6 =	sand.u32 $0xF800, s28;
	v3 =	vld [tilespmem:s0+$0x0]  }
0x1ce: {  	s7 =	sadd.s32 $0x200, s23;
	s28 =	sadd.s32 $0x500, s20;
	v4 =	vld [tilespmem:s1+$0x0];
	s25 =	sor.u32 s25, s6  }
0x1cf: {  	s6 =	sand.u32 $0xF800, s26;
	v5 =	vld [tilespmem:s24+$0x9C00];
	s26 =	sand.u32 $0x300, s7;
	s7 =	sadd.s32 $0x280, s23  }
0x1d0: {  	s28 =	sand.u32 $0xF800, s28;
	v6 =	vld [tilespmem:s25+$0x9C00];
	s26 =	sor.u32 s26, s6;
	s7 =	sand.u32 $0x380, s7  }
0x1d1: {  	s6 =	sand.u32 $0x800, s21;
	v7 =	vld [tilespmem:s26+$0x9C00];
	s28 =	sor.u32 s7, s28;
	s7 =	sand.u32 $0x380, s22  }
0x1d2: {  	v8 =	vld [tilespmem:s28+$0x9C00];
	s6 =	sor.u32 s7, s6  }
0x1d3: {  	v9 =	vld [tilespmem:s6+$0xFC00];
	_ =	sdelay $0x3  }
0x1d4: {  	v3 =	vmax.f32 v3, v4;
	v48 =	vmax.f32 v5, v6;
	v49 =	vmax.f32 v7, v8  }
0x1d5: {  	v3 =	vmax.f32 v3, v48;
	v5 =	vmax.f32 v49, v9  }
0x1d6: {  	v3 =	vmax.f32 v3, v5  }
0x1d7: {  	[tilespmem:s6+$0x11C00] =	vst v3  }
0x1d8: {  	v3 =	vld [tilespmem:s0+$0x10]  }
0x1d9: {  	v50 =	vld [tilespmem:s1+$0x10]  }
0x1da: {  	v51 =	vld [tilespmem:s24+$0x9C10]  }
0x1db: {  	v52 =	vld [tilespmem:s25+$0x9C10]  }
0x1dc: {  	v53 =	vld [tilespmem:s26+$0x9C10]  }
0x1dd: {  	v54 =	vld [tilespmem:s28+$0x9C10]  }
0x1de: {  	v55 =	vld [tilespmem:s6+$0xFC10];
	_ =	sdelay $0x3  }
0x1df: {  	v3 =	vmax.f32 v3, v50;
	v56 =	vmax.f32 v51, v52;
	v57 =	vmax.f32 v53, v54  }
0x1e0: {  	v5 =	vmax.f32 v57, v55;
	v3 =	vmax.f32 v3, v56  }
0x1e1: {  	v3 =	vmax.f32 v3, v5  }
0x1e2: {  	[tilespmem:s6+$0x11C10] =	vst v3  }
0x1e3: {  	v3 =	vld [tilespmem:s0+$0x20]  }
0x1e4: {  	v58 =	vld [tilespmem:s1+$0x20]  }
0x1e5: {  	v59 =	vld [tilespmem:s24+$0x9C20]  }
0x1e6: {  	v60 =	vld [tilespmem:s25+$0x9C20]  }
0x1e7: {  	v61 =	vld [tilespmem:s26+$0x9C20]  }
0x1e8: {  	v62 =	vld [tilespmem:s28+$0x9C20]  }
0x1e9: {  	v63 =	vld [tilespmem:s6+$0xFC20];
	_ =	sdelay $0x3  }
0x1ea: {  	v3 =	vmax.f32 v3, v58;
	v10 =	vmax.f32 v59, v60;
	v11 =	vmax.f32 v61, v62  }
0x1eb: {  	v5 =	vmax.f32 v11, v63;
	v3 =	vmax.f32 v3, v10  }
0x1ec: {  	v3 =	vmax.f32 v3, v5  }
0x1ed: {  	[tilespmem:s6+$0x11C20] =	vst v3  }
0x1ee: {  	v3 =	vld [tilespmem:s0+$0x30]  }
0x1ef: {  	v12 =	vld [tilespmem:s1+$0x30]  }
0x1f0: {  	v13 =	vld [tilespmem:s24+$0x9C30]  }
0x1f1: {  	v14 =	vld [tilespmem:s25+$0x9C30]  }
0x1f2: {  	v15 =	vld [tilespmem:s26+$0x9C30]  }
0x1f3: {  	v16 =	vld [tilespmem:s28+$0x9C30]  }
0x1f4: {  	v17 =	vld [tilespmem:s6+$0xFC30];
	_ =	sdelay $0x3  }
0x1f5: {  	v3 =	vmax.f32 v3, v12;
	v18 =	vmax.f32 v13, v14;
	v19 =	vmax.f32 v15, v16  }
0x1f6: {  	v5 =	vmax.f32 v19, v17;
	v3 =	vmax.f32 v3, v18  }
0x1f7: {  	v3 =	vmax.f32 v3, v5  }
0x1f8: {  	[tilespmem:s6+$0x11C30] =	vst v3  }
0x1f9: {  	v3 =	vld [tilespmem:s0+$0x40]  }
0x1fa: {  	v20 =	vld [tilespmem:s1+$0x40]  }
0x1fb: {  	v21 =	vld [tilespmem:s24+$0x9C40]  }
0x1fc: {  	v22 =	vld [tilespmem:s25+$0x9C40]  }
0x1fd: {  	v23 =	vld [tilespmem:s26+$0x9C40]  }
0x1fe: {  	v24 =	vld [tilespmem:s28+$0x9C40]  }
0x1ff: {  	v25 =	vld [tilespmem:s6+$0xFC40];
	_ =	sdelay $0x3  }
0x200: {  	v3 =	vmax.f32 v3, v20;
	v26 =	vmax.f32 v21, v22;
	v27 =	vmax.f32 v23, v24  }
0x201: {  	v5 =	vmax.f32 v27, v25;
	v3 =	vmax.f32 v3, v26  }
0x202: {  	v3 =	vmax.f32 v3, v5  }
0x203: {  	[tilespmem:s6+$0x11C40] =	vst v3  }
0x204: {  	v3 =	vld [tilespmem:s0+$0x50]  }
0x205: {  	v28 =	vld [tilespmem:s1+$0x50]  }
0x206: {  	v29 =	vld [tilespmem:s24+$0x9C50]  }
0x207: {  	v30 =	vld [tilespmem:s25+$0x9C50]  }
0x208: {  	v31 =	vld [tilespmem:s26+$0x9C50]  }
0x209: {  	v32 =	vld [tilespmem:s28+$0x9C50]  }
0x20a: {  	v33 =	vld [tilespmem:s6+$0xFC50];
	_ =	sdelay $0x3  }
0x20b: {  	v3 =	vmax.f32 v3, v28;
	v34 =	vmax.f32 v29, v30;
	v35 =	vmax.f32 v31, v32  }
0x20c: {  	v5 =	vmax.f32 v35, v33;
	v3 =	vmax.f32 v3, v34  }
0x20d: {  	v3 =	vmax.f32 v3, v5  }
0x20e: {  	[tilespmem:s6+$0x11C50] =	vst v3  }
0x20f: {  	v3 =	vld [tilespmem:s0+$0x60]  }
0x210: {  	v36 =	vld [tilespmem:s1+$0x60]  }
0x211: {  	v37 =	vld [tilespmem:s24+$0x9C60]  }
0x212: {  	v38 =	vld [tilespmem:s25+$0x9C60]  }
0x213: {  	v39 =	vld [tilespmem:s26+$0x9C60]  }
0x214: {  	v40 =	vld [tilespmem:s28+$0x9C60]  }
0x215: {  	v41 =	vld [tilespmem:s6+$0xFC60];
	_ =	sdelay $0x3  }
0x216: {  	v3 =	vmax.f32 v3, v36;
	v42 =	vmax.f32 v37, v38;
	v43 =	vmax.f32 v39, v40  }
0x217: {  	v5 =	vmax.f32 v43, v41;
	v3 =	vmax.f32 v3, v42  }
0x218: {  	v3 =	vmax.f32 v3, v5  }
0x219: {  	[tilespmem:s6+$0x11C60] =	vst v3  }
0x21a: {  	v3 =	vld [tilespmem:s0+$0x70]  }
0x21b: {  	v44 =	vld [tilespmem:s1+$0x70]  }
0x21c: {  	v45 =	vld [tilespmem:s24+$0x9C70]  }
0x21d: {  	v46 =	vld [tilespmem:s25+$0x9C70]  }
0x21e: {  	v47 =	vld [tilespmem:s26+$0x9C70]  }
0x21f: {  	v48 =	vld [tilespmem:s28+$0x9C70]  }
0x220: {  	v49 =	vld [tilespmem:s6+$0xFC70];
	_ =	sdelay $0x3  }
0x221: {  	v3 =	vmax.f32 v3, v44;
	v50 =	vmax.f32 v45, v46;
	v51 =	vmax.f32 v47, v48  }
0x222: {  	v5 =	vmax.f32 v51, v49;
	v3 =	vmax.f32 v3, v50  }
0x223: {  	s0 =	sadd.s32 $0xA000, s30;
	v3 =	vmax.f32 v3, v5  }
0x224: {  	s7 =	sor.u32 s29, s0;
	[tilespmem:s6+$0x11C70] =	vst v3  }
0x225: {  	s1 =	sor.u32 s31, s0;
	v3 =	vld [tilespmem:s7+$0x0]  }
0x226: {  	v52 =	vld [tilespmem:s1+$0x0]  }
0x227: {  	v53 =	vld [tilespmem:s24+$0xA000]  }
0x228: {  	s30 =	sand.u32 $0xFFFFF800, s21;
	v54 =	vld [tilespmem:s25+$0xA000]  }
0x229: {  	s6 =	sadd.s32 s30, s22;
	v55 =	vld [tilespmem:s26+$0xA000]  }
0x22a: {  	v56 =	vld [tilespmem:s28+$0xA000];
	s31 =	sor.u32 $0xD400, s6  }
0x22b: {  	v57 =	vld [tilespmem:s31+$0x2C00];
	_ =	sdelay $0x3  }
0x22c: {  	v3 =	vmax.f32 v3, v52;
	v58 =	vmax.f32 v53, v54;
	v59 =	vmax.f32 v55, v56  }
0x22d: {  	v5 =	vmax.f32 v59, v57;
	v3 =	vmax.f32 v3, v58  }
0x22e: {  	s6 =	sor.u32 $0x1400, s6;
	v3 =	vmax.f32 v3, v5  }
0x22f: {  	[tilespmem:s6+$0x10C00] =	vst v3  }
0x230: {  	v3 =	vld [tilespmem:s7+$0x10]  }
0x231: {  	v60 =	vld [tilespmem:s1+$0x10]  }
0x232: {  	v61 =	vld [tilespmem:s24+$0xA010]  }
0x233: {  	v62 =	vld [tilespmem:s25+$0xA010]  }
0x234: {  	v63 =	vld [tilespmem:s26+$0xA010]  }
0x235: {  	v12 =	vld [tilespmem:s28+$0xA010]  }
0x236: {  	v13 =	vld [tilespmem:s31+$0x2C10];
	_ =	sdelay $0x3  }
0x237: {  	v3 =	vmax.f32 v3, v60;
	v14 =	vmax.f32 v61, v62;
	v15 =	vmax.f32 v63, v12  }
0x238: {  	v5 =	vmax.f32 v15, v13;
	v3 =	vmax.f32 v3, v14  }
0x239: {  	v3 =	vmax.f32 v3, v5  }
0x23a: {  	[tilespmem:s6+$0x10C10] =	vst v3  }
0x23b: {  	v3 =	vld [tilespmem:s7+$0x20]  }
0x23c: {  	v16 =	vld [tilespmem:s1+$0x20]  }
0x23d: {  	v17 =	vld [tilespmem:s24+$0xA020]  }
0x23e: {  	v18 =	vld [tilespmem:s25+$0xA020]  }
0x23f: {  	v19 =	vld [tilespmem:s26+$0xA020]  }
0x240: {  	v20 =	vld [tilespmem:s28+$0xA020]  }
0x241: {  	v21 =	vld [tilespmem:s31+$0x2C20];
	_ =	sdelay $0x3  }
0x242: {  	v3 =	vmax.f32 v3, v16;
	v22 =	vmax.f32 v17, v18;
	v23 =	vmax.f32 v19, v20  }
0x243: {  	v5 =	vmax.f32 v23, v21;
	v3 =	vmax.f32 v3, v22  }
0x244: {  	v3 =	vmax.f32 v3, v5  }
0x245: {  	[tilespmem:s6+$0x10C20] =	vst v3  }
0x246: {  	v3 =	vld [tilespmem:s7+$0x30]  }
0x247: {  	v24 =	vld [tilespmem:s1+$0x30]  }
0x248: {  	v25 =	vld [tilespmem:s24+$0xA030]  }
0x249: {  	v26 =	vld [tilespmem:s25+$0xA030]  }
0x24a: {  	v27 =	vld [tilespmem:s26+$0xA030]  }
0x24b: {  	v28 =	vld [tilespmem:s28+$0xA030]  }
0x24c: {  	v29 =	vld [tilespmem:s31+$0x2C30];
	_ =	sdelay $0x3  }
0x24d: {  	v3 =	vmax.f32 v3, v24;
	v30 =	vmax.f32 v25, v26;
	v31 =	vmax.f32 v27, v28  }
0x24e: {  	v5 =	vmax.f32 v31, v29;
	v3 =	vmax.f32 v3, v30  }
0x24f: {  	v3 =	vmax.f32 v3, v5  }
0x250: {  	[tilespmem:s6+$0x10C30] =	vst v3  }
0x251: {  	v3 =	vld [tilespmem:s7+$0x40]  }
0x252: {  	v32 =	vld [tilespmem:s1+$0x40]  }
0x253: {  	v33 =	vld [tilespmem:s24+$0xA040]  }
0x254: {  	v34 =	vld [tilespmem:s25+$0xA040]  }
0x255: {  	v35 =	vld [tilespmem:s26+$0xA040]  }
0x256: {  	v36 =	vld [tilespmem:s28+$0xA040]  }
0x257: {  	v37 =	vld [tilespmem:s31+$0x2C40];
	_ =	sdelay $0x3  }
0x258: {  	v3 =	vmax.f32 v3, v32;
	v38 =	vmax.f32 v33, v34;
	v39 =	vmax.f32 v35, v36  }
0x259: {  	v5 =	vmax.f32 v39, v37;
	v3 =	vmax.f32 v3, v38  }
0x25a: {  	v3 =	vmax.f32 v3, v5  }
0x25b: {  	[tilespmem:s6+$0x10C40] =	vst v3  }
0x25c: {  	v3 =	vld [tilespmem:s7+$0x50]  }
0x25d: {  	v40 =	vld [tilespmem:s1+$0x50]  }
0x25e: {  	v41 =	vld [tilespmem:s24+$0xA050]  }
0x25f: {  	v42 =	vld [tilespmem:s25+$0xA050]  }
0x260: {  	v43 =	vld [tilespmem:s26+$0xA050]  }
0x261: {  	v44 =	vld [tilespmem:s28+$0xA050]  }
0x262: {  	v45 =	vld [tilespmem:s31+$0x2C50];
	_ =	sdelay $0x3  }
0x263: {  	v3 =	vmax.f32 v3, v40;
	v46 =	vmax.f32 v41, v42;
	v47 =	vmax.f32 v43, v44  }
0x264: {  	v5 =	vmax.f32 v47, v45;
	v3 =	vmax.f32 v3, v46  }
0x265: {  	v3 =	vmax.f32 v3, v5  }
0x266: {  	[tilespmem:s6+$0x10C50] =	vst v3  }
0x267: {  	v3 =	vld [tilespmem:s7+$0x60]  }
0x268: {  	v48 =	vld [tilespmem:s1+$0x60]  }
0x269: {  	v49 =	vld [tilespmem:s24+$0xA060]  }
0x26a: {  	v50 =	vld [tilespmem:s25+$0xA060]  }
0x26b: {  	v51 =	vld [tilespmem:s26+$0xA060]  }
0x26c: {  	v52 =	vld [tilespmem:s28+$0xA060]  }
0x26d: {  	v53 =	vld [tilespmem:s31+$0x2C60];
	_ =	sdelay $0x3  }
0x26e: {  	v3 =	vmax.f32 v3, v48;
	v54 =	vmax.f32 v49, v50;
	v55 =	vmax.f32 v51, v52  }
0x26f: {  	v5 =	vmax.f32 v55, v53;
	v3 =	vmax.f32 v3, v54  }
0x270: {  	v3 =	vmax.f32 v3, v5  }
0x271: {  	[tilespmem:s6+$0x10C60] =	vst v3  }
0x272: {  	v3 =	vld [tilespmem:s7+$0x70]  }
0x273: {  	v56 =	vld [tilespmem:s1+$0x70]  }
0x274: {  	v57 =	vld [tilespmem:s24+$0xA070]  }
0x275: {  	v58 =	vld [tilespmem:s25+$0xA070]  }
0x276: {  	v59 =	vld [tilespmem:s26+$0xA070]  }
0x277: {  	v60 =	vld [tilespmem:s28+$0xA070]  }
0x278: {  	v61 =	vld [tilespmem:s31+$0x2C70];
	_ =	sdelay $0x1  }
0x279: {  	p1 =	sne.s32 s23, $0x2D00  }
.Ltmp6:
0x27a: {  	_ = 	snop;
	(pc) =	sbr.rel @p1 .LBB2_7-.Ltmp6, $4  }
0x27b: {  	v3 =	vmax.f32 v3, v56;
	v62 =	vmax.f32 v57, v58;
	v63 =	vmax.f32 v59, v60  }
0x27c: {  	v5 =	vmax.f32 v63, v61;
	v3 =	vmax.f32 v3, v62  }
0x27d: {  	s20 =	sadd.s32 $0x600, s20;
	v3 =	vmax.f32 v3, v5  }
0x27e: {  	s23 =	sadd.s32 $0x300, s23;
	s21 =	sadd.s32 $0x100, s21;
	s22 =	sadd.s32 $0x80, s22;
	[tilespmem:s6+$0x10C70] =	vst v3  }
.Ltmp7:
0x27f: {  	(pc) =	sbr.rel @p0 .LBB2_10-.Ltmp7, $1  }
0x280: {  	_ =	sdelay $0x3  }
0x281: {  	s0 =	sadd.s32 $0x3, s19  }
0x282: {  	s1 =	sshll.u32 s0, $0x7  }
0x283: {  	s1 =	sand.u32 $0x3FFFFF80, s1  }
0x284: {  	v3 =	vld [tilespmem:s1+$0x0];
	_ =	sdelay $0x4  }
0x285: {  	v4 =	vshll.u32 v3, $0x1  }
0x286: {  	v3 =	vand.u32 $0x7, v3;
	v4 =	vand.u32 $0xFFFFFFF0, v4  }
0x287: {  	v3 =	vor.u32 v3, v4  }
0x288: {  	v4 =	vperm.xlane v3, v0;
	_ =	sdelay $0x1  }
0x289: {  	v3 =	vperm.xlane v3, v2;
	v4 =	vadd.s32 v1, v4;
	_ =	sdelay $0x1  }
0x28a: {  	v3 =	vadd.s32 v1, v3;
	_ =	sdelay $0x1  }
0x28b: {  	s6 =	simm.s32 $0x9C00  }
0x28c: {  	[tilespmem:s6], [sflag:$0x2] =	stream.indirect_vreg.gather [hbm4b:s3+s2], $0x80, v4, vm0, $0xb8;
	[tilespmem:$0x12C00] =	vst v63  }
0x28d: {  	s22 =	simm.s32 $0xA400  }
0x28e: {  	[tilespmem:s22], [sflag:$0x2] =	stream.indirect_vreg.gather [hbm4b:s3+s2], $0x80, v3, vm0, $0xb8;
	[tilespmem:$0x12C00] =	vst v63  }
0x28f: {  	v3 =	vld [tilespmem:s1+$0x10];
	_ =	sdelay $0x4  }
0x290: {  	v59 =	vshll.u32 v3, $0x1  }
0x291: {  	v3 =	vand.u32 $0x7, v3;
	v4 =	vand.u32 $0xFFFFFFF0, v59  }
0x292: {  	v3 =	vor.u32 v3, v4  }
0x293: {  	v4 =	vperm.xlane v3, v0;
	_ =	sdelay $0x1  }
0x294: {  	v3 =	vperm.xlane v3, v2;
	v4 =	vadd.s32 v1, v4;
	_ =	sdelay $0x1  }
0x295: {  	v3 =	vadd.s32 v1, v3;
	_ =	sdelay $0x1  }
0x296: {  	s23 =	simm.s32 $0xAC00  }
0x297: {  	[tilespmem:s23], [sflag:$0x2] =	stream.indirect_vreg.gather [hbm4b:s3+s2], $0x80, v4, vm0, $0xb8;
	[tilespmem:$0x12C00] =	vst v63  }
0x298: {  	s24 =	simm.s32 $0xB400  }
0x299: {  	[tilespmem:s24], [sflag:$0x2] =	stream.indirect_vreg.gather [hbm4b:s3+s2], $0x80, v3, vm0, $0xb8;
	[tilespmem:$0x12C00] =	vst v63  }
0x29a: {  	v3 =	vld [tilespmem:s1+$0x20];
	_ =	sdelay $0x4  }
0x29b: {  	v60 =	vshll.u32 v3, $0x1  }
0x29c: {  	v3 =	vand.u32 $0x7, v3;
	v4 =	vand.u32 $0xFFFFFFF0, v60  }
0x29d: {  	v3 =	vor.u32 v3, v4  }
0x29e: {  	v4 =	vperm.xlane v3, v0;
	_ =	sdelay $0x1  }
0x29f: {  	v3 =	vperm.xlane v3, v2;
	v4 =	vadd.s32 v1, v4;
	_ =	sdelay $0x1  }
0x2a0: {  	v3 =	vadd.s32 v1, v3;
	_ =	sdelay $0x1  }
0x2a1: {  	s25 =	simm.s32 $0xBC00  }
0x2a2: {  	[tilespmem:s25], [sflag:$0x2] =	stream.indirect_vreg.gather [hbm4b:s3+s2], $0x80, v4, vm0, $0xb8;
	[tilespmem:$0x12C00] =	vst v63  }
0x2a3: {  	s26 =	simm.s32 $0xC400  }
0x2a4: {  	[tilespmem:s26], [sflag:$0x2] =	stream.indirect_vreg.gather [hbm4b:s3+s2], $0x80, v3, vm0, $0xb8;
	[tilespmem:$0x12C00] =	vst v63  }
0x2a5: {  	v3 =	vld [tilespmem:s1+$0x30];
	_ =	sdelay $0x4  }
0x2a6: {  	v61 =	vshll.u32 v3, $0x1  }
0x2a7: {  	v3 =	vand.u32 $0x7, v3;
	v4 =	vand.u32 $0xFFFFFFF0, v61  }
0x2a8: {  	v3 =	vor.u32 v3, v4  }
0x2a9: {  	v4 =	vperm.xlane v3, v0;
	_ =	sdelay $0x1  }
0x2aa: {  	v3 =	vperm.xlane v3, v2;
	v4 =	vadd.s32 v1, v4;
	_ =	sdelay $0x1  }
0x2ab: {  	v3 =	vadd.s32 v1, v3;
	_ =	sdelay $0x1  }
0x2ac: {  	s28 =	simm.s32 $0xCC00  }
0x2ad: {  	[tilespmem:s28], [sflag:$0x2] =	stream.indirect_vreg.gather [hbm4b:s3+s2], $0x80, v4, vm0, $0xb8;
	[tilespmem:$0x12C00] =	vst v63  }
0x2ae: {  	s29 =	simm.s32 $0xD400  }
0x2af: {  	[tilespmem:s29], [sflag:$0x2] =	stream.indirect_vreg.gather [hbm4b:s3+s2], $0x80, v3, vm0, $0xb8;
	[tilespmem:$0x12C00] =	vst v63  }
0x2b0: {  	v3 =	vld [tilespmem:s1+$0x40];
	_ =	sdelay $0x4  }
0x2b1: {  	v62 =	vshll.u32 v3, $0x1  }
0x2b2: {  	v3 =	vand.u32 $0x7, v3;
	v4 =	vand.u32 $0xFFFFFFF0, v62  }
0x2b3: {  	v3 =	vor.u32 v3, v4  }
0x2b4: {  	v4 =	vperm.xlane v3, v0;
	_ =	sdelay $0x1  }
0x2b5: {  	v3 =	vperm.xlane v3, v2;
	v4 =	vadd.s32 v1, v4;
	_ =	sdelay $0x1  }
0x2b6: {  	v3 =	vadd.s32 v1, v3;
	_ =	sdelay $0x1  }
0x2b7: {  	s30 =	simm.s32 $0xDC00  }
0x2b8: {  	[tilespmem:s30], [sflag:$0x2] =	stream.indirect_vreg.gather [hbm4b:s3+s2], $0x80, v4, vm0, $0xb8;
	[tilespmem:$0x12C00] =	vst v63  }
0x2b9: {  	s31 =	simm.s32 $0xE400  }
0x2ba: {  	[tilespmem:s31], [sflag:$0x2] =	stream.indirect_vreg.gather [hbm4b:s3+s2], $0x80, v3, vm0, $0xb8;
	[tilespmem:$0x12C00] =	vst v63  }
0x2bb: {  	v3 =	vld [tilespmem:s1+$0x50];
	_ =	sdelay $0x4  }
0x2bc: {  	v63 =	vshll.u32 v3, $0x1  }
0x2bd: {  	v3 =	vand.u32 $0x7, v3;
	v4 =	vand.u32 $0xFFFFFFF0, v63  }
0x2be: {  	v3 =	vor.u32 v3, v4  }
0x2bf: {  	v4 =	vperm.xlane v3, v0;
	_ =	sdelay $0x1  }
0x2c0: {  	v4 =	vadd.s32 v1, v4  }
0x2c1: {  	v3 =	vperm.xlane v3, v2;
	_ =	sdelay $0x1  }
0x2c2: {  	v3 =	vadd.s32 v1, v3  }
0x2c3: {  	s0 =	sshll.u32 s0, $0xC  }
0x2c4: {  	[tilespmem:s9], [sflag:$0x2] =	stream.indirect_vreg.gather [hbm4b:s3+s2], $0x80, v4, vm0, $0xb8;
	[tilespmem:$0x12C00] =	vst v63  }
.Ltmp8:
0x2c5: {  	s0 =	sadd.s32 s8, s0;
	(pc) =	sbr.rel .LBB2_10-.Ltmp8, $4  }
0x2c6: {  	s0 =	sshrl.u32 s0, $0x3  }
0x2c7: {  	[tilespmem:s5], [sflag:$0x2] =	stream.indirect_vreg.gather [hbm4b:s3+s2], $0x80, v3, vm0, $0xb8;
	[tilespmem:$0x12C00] =	vst v63  }
0x2c8: {  	s0 =	sadd.s32 s3, s0  }
0x2c9: {  	[tilespmem:s11], [sflag:$0x4] =	stream.linear.gather [hbm4b:s0+s2], $0x1000, $0x38;
	[tilespmem:$0x12C00] =	vst v63  }
.LBB2_12:
0x2ca: {  	_ =	sfence.sel $0x180000  }
0x2cb: {  	[bflag:$0x0] =	sbarrier.arrive $0xFFFF  }
0x2cc: {  	_ =	strace $0x9000004A  }
0x2cd: {  	s0 =	stileid.u32;
	[bflag:$0x2] =	sbarrier.arrive $0xFFFF  }
0x2ce: {  	p0 =	sne.s32 s0, $0x0;
	s0 =	rddreg [dreg:$0x2]  }
0x2cf: {  	s0 =	sadd.s32 @!p0 $0x100000, s0  }
0x2d0: {  	[sflag:s0] =	ssyncadd.tile.s32 @!p0 $0x1;
	_ =	shalt  }
.Lfunc_end2:
_tile_overlayer_lowered:
.L_overlay_start_2:
0x2d1: {  	(tag) =	ssettag $0x2  }
0x2d2: {  	s0 =	rddreg [dreg:$0x0];
	s2 =	stileid.u32  }
0x2d3: {  	s1 =	rddreg [dreg:$0x1];
	p0 =	sne.s32 s2, $0x0  }
0x2d4: {  	s3 =	rddreg [dreg:$0x2];
	[bflag:$0x3] =	sbarrier.arrive $0xFFFF;
	s2 =	simm.s32 @!p0 $0x1C07  }
0x2d5: {  	[timem:s3], [sflag:s2] =	dma.local @!p0 [hbm:s0], s1  }
0x2d6: {  	s0 =	simm.s32 @!p0 $0x7  }
0x2d7: {  	_ =	swait.ge @!p0 [sflag:s0], s1  }
0x2d8: {  	s1 =	ssub.s32 @!p0 $0x0, s1;
	[sflag:s0] =	ssyncset.done @!p0 $0x0  }
0x2d9: {  	[sflag:s0] =	ssyncadd.s32 @!p0 s1  }
0x2da: {  	[bflag:$0x3] =	sbarrier.arrive $0xFFFF  }
0x2db: {  	_ =	shalt  }

// kernel: sparse-core-data-format-call.1.cloned.1.call-start
scs
called_computation.1_lowered:
.L_overlay_start_0:
0x0: {  	s2 =	sld [smem:$0x3FD9]  }
0x1: {  	s3 =	sld [smem:$0x3FFE];
	_ =	sdelay $0x1  }
0x2: {  	s1 =	srdreg.scid  }
0x3: {  	s0 =	sand.u32 $0x1, s1  }
0x4: {  	s18 =	sshll.u32 s0, $0xA;
	s2 =	sadd.s32 s3, s2  }
0x5: {  	s2 =	sadd.s32 s2, s18  }
0x6: {  	[smem:$0x3FC6] =	sst s2  }
0x7: {  	_ = 	snop  }
0x8: {  	s2 =	sld [smem:$0x3FC9];
	(tm) =	ssettm $0x1  }
0x9: {  	s19 =	sld [smem:$0x3FFB];
	_ =	sdelay $0x3  }
0xa: {  	_ =	strace s19  }
0xb: {  	s3 =	sld [smem:$0x3FFC];
	_ =	sdelay $0x3  }
0xc: {  	_ =	strace s3  }
0xd: {  	s3 =	sld [smem:$0x3FFD];
	_ =	sdelay $0x3  }
0xe: {  	_ =	strace s3  }
0xf: {  	_ =	strace $0x8FFFFFFF  }
0x10: {  	s20 =	sld [smem:$0x3FDB];
	_ =	sdelay $0x1  }
0x11: {  	s4 =	simm.s32 $_scs_section_size  }
0x12: {  	s5 =	simm.s32 $_size__tile_overlayer_lowered;
	s6 =	simm.s32 $_tile_overlayer_lowered  }
0x13: {  	s23 =	simm.s32 $0x1BFF;
	s22 =	sshll.u32 s6, $0x1;
	s3 =	sadd.s32 s4, s20  }
0x14: {  	s7 =	simm.s32 $0x0;
	s21 =	sshll.u32 s5, $0x1;
	s5 =	sadd.s32 s22, s3  }
0x15: {  	[timem:s7], [sflag:s23] =	dma.local [hbm:s5], s21  }
0x16: {  	_ =	swait.ge [sflag:s23], s21  }
0x17: {  	s4 =	ssub.s32 $0x0, s21;
	[sflag:s23] =	ssyncset.done $0x0  }
0x18: {  	[sflag:s23] =	ssyncadd.s32 s4;
	_ =	sdelay $0x1  }
0x19: {  	s24 =	simm.s32 $0x1B8B  }
0x1a: {  	_ =	swait.ge [sflag:s24], $0x1  }
0x1b: {  	[sflag:s24] =	ssyncset.done $0x0  }
0x1c: {  	s26 =	simm.s32 $0x1B8E;
	s25 =	sld [smem:$0x3FFE];
	[sflag:s24] =	ssyncadd.s32 $0xFFFFFFFF  }
0x1d: {  	s27 =	simm.s32 $execute0_lowered;
	[smem:$0x3FD2] =	sst s26  }
0x1e: {  	s5 =	sshll.u32 s27, $0x1;
	_ =	strace $0x80000046;
	[dreg:$0x1] =	wrdreg $0xFFFFFFFF  }
0x1f: {  	s28 =	simm.s32 $_size_execute0_lowered;
	s3 =	sadd.s32 s3, s5;
	[dreg:$0x0] =	wrdreg $0x0  }
0x20: {  	s5 =	sshll.u32 s28, $0x1;
	[dreg:$0x2] =	wrdreg s3  }
0x21: {  	[dreg:$0x3] =	wrdreg s5  }
0x22: {  	[dreg:$0x4] =	wrdreg $0xC0  }
0x23: {  	_ =	task [dreg:s7], $0x5FFFF  }
0x24: {  	[dreg:$0x1] =	wrdreg $0xFFFFFFFF  }
0x25: {  	[dreg:$0x0] =	wrdreg $0x60  }
0x26: {  	[dreg:$0x2] =	wrdreg s2  }
0x27: {  	[dreg:$0x3] =	wrdreg s25  }
0x28: {  	[dreg:$0x4] =	wrdreg $0x9  }
0x29: {  	_ =	task.clear_ibuf [dreg:s7], $0x5FFFF;
	_ =	strace $0x90000046  }
0x2a: {  	s29 =	simm.s32 $0x9;
	_ =	strace $0x80000048  }
0x2b: {  	_ =	swait.ge [sflag:s29], $0x1  }
0x2c: {  	[sflag:s29] =	ssyncadd.s32 $0xFFFFFFFF  }
0x2d: {  	_ =	strace $0x90000048  }
0x2e: {  	_ =	sfence  }
0x2f: {  	s30 =	sld [smem:$0x0];
	_ =	sdelay $0x2  }
0x30: {  	s31 =	sshll.u32 s1, $0xD;
	s1 =	sshrl.u32 s1, $0x2  }
0x31: {  	s3 =	sand.u32 $0x4000, s31;
	s1 =	sadd.s32 s1, s30  }
0x32: {  	s0 =	sor.u32 s3, s0;
	s1 =	sshll.u32 s1, $0x11  }
0x33: {  	s0 =	sor.u32 s1, s0  }
0x34: {  	s0 =	sadd.s32 $0x8F2B, s0  }
0x35: {  	[sflag:s0] =	ssyncadd.remote.s32 $0x1  }
0x36: {  	_ =	sfence.sel $0xFFFF  }
0x37: {  	[dreg:$0x0] =	wrdreg $0xFFFFFFFF;
	(pc) =	sbr.abs _section_cstart, $3  }
0x38: {  	[dreg:$0x1] =	wrdreg $0xFFFFFFFF  }
0x39: {  	_ =	task.clear_ibuf [dreg:s7], $0x2FFFF;
	_ =	strace $0x9FFFFFFF  }
0x3a: {  	(tm) =	ssettm $0x7FFFFFFF  }
0x3b: {  	_ =	shalt  }
tec
execute0_lowered:
.L_overlay_start_1:
0x0: {  	(tag) =	ssettag $0x1  }
0x1: {  	s0 =	stileid.u32  }
0x2: {  	s1 =	srdreg.scid;
	s7 =	rddreg [dreg:$0x1];
	s31 =	simm.s32 $0x2  }
0x3: {  	s16 =	simm.s32 $0x0;
	p0 =	por $0x0, $0x0;
	s9 =	simm.s32 $0x800  }
0x4: {  	s15 =	simm.s32 $0x0;
	s10 =	simm.s32 $0x0;
	s11 =	simm.s32 $0x0  }
0x5: {  	s2 =	sshll.u32 s0, $0x7;
	s3 =	sshll.u32 s0, $0x6;
	s4 =	sshll.u32 s1, $0xA  }
0x6: {  	s14 =	simm.s32 $0x0;
	s1 =	sand.u32 $0x80, s2;
	s29 =	sor.u32 s3, s4  }
0x7: {  	s3 =	rddreg [dreg:$0x0];
	s4 =	sand.u32 $0x780, s29;
	s30 =	ssub.s32 $0x100, s1  }
0x8: {  	s5 =	sshrl.u32 s30, $0x7;
	s6 =	ssub.s32 $0x28000, s4;
	s8 =	sshrl.u32 s30, $0x8  }
.Ltmp0:
0x9: {  	s5 =	sand.u32 $0x1, s5;
	s6 =	sshrl.u32 s6, $0xB;
	(pc) =	sbr.rel .LBB1_1-.Ltmp0, $4  }
0xa: {  	s2 =	rddreg [dreg:$0x2];
	s8 =	sadd.s32 s8, s5;
	s6 =	sadd.s32 $0x1, s6  }
0xb: {  	_ =	strace $0x80000047;
	s5 =	simm.s32 $0x1;
	s6 =	smul.u32 s8, s6  }
0xc: {  	s7 =	sadd.s32 $0xE00, s7;
	s13 =	smov.u32 s1;
	[sflag:s5] =	ssyncpa.u1 $0x0  }
0xd: {  	s12 =	smov.u32 s4;
	[sflag:s31] =	ssyncpa.u1 $0x0;
	s8 =	sadd.s32 $0x1, s6  }
.LBB1_4:
0xe: {  	s21 =	sshra.s32 s21, $0x2;
	s22 =	sshll.u32 s10, $0x8  }
0xf: {  	s23 =	sshll.u32 s11, $0x3;
	s24 =	sshll.u32 s10, $0x7;
	s27 =	sand.u32 $0x78, s11  }
0x10: {  	p1 =	sgt.s32 s10, $0x27F88;
	s22 =	sand.u32 $0xFFFFF800, s22;
	s23 =	sand.u32 $0xFFFFFC00, s23  }
0x11: {  	s20 =	sadd.s32 s21, s20;
	s26 =	sand.u32 $0x300, s24;
	s28 =	sand.u32 $0x80, s24  }
0x12: {  	v5 =	vld [tilespmem:s18+$0xFFFFFFD0];
	[tilespmem:s19+$0x2040 ss:$0x81] =	vst.msk $0xffff, v4;
	s25 =	sadd.s32 s23, s22;
	s22 =	sor.u32 s27, s28;
	s23 =	smov.u32 s10  }
0x13: {  	v58 =	vld [tilespmem:s18+$0xFFFFFFE0];
	[tilespmem:s19+$0x2850 ss:$0x81] =	vst.msk $0xffff, v3;
	s21 =	sor.u32 s26, s25;
	s23 =	simm.s32 @!p1 $0x27F88;
	s25 =	sshra.s32 s10, $0x1F  }
0x14: {  	v59 =	vld [tilespmem:s18+$0xFFFFFFF0];
	[tilespmem:s19+$0x3060 ss:$0x81] =	vst.msk $0xffff, v2;
	p1 =	sgt.s32 s11, $0x80;
	s26 =	sshra.s32 s11, $0x1F;
	s21 =	sshrl.u32 s21, $0x8  }
0x15: {  	v60 =	vld [tilespmem:s18+$0x0];
	[tilespmem:s19+$0x0 ss:$0x81] =	vst.msk $0xffff, v1;
	s30 =	sand.u32 s25, s10;
	s25 =	smov.u32 s11;
	s31 =	sand.u32 s26, s11  }
0x16: {  	v61 =	vld [tilespmem:s18+$0x10];
	[tilespmem:s20+$0x3870 ss:$0x81] =	vst.msk $0xffff, v0;
	s29 =	smulhi.u32 $0x66651F, s21;
	s19 =	ssub.s32 s23, s30;
	s25 =	simm.s32 @!p1 $0x80  }
0x17: {  	v62 =	vld [tilespmem:s18+$0x20];
	[tilespmem:s20+$0x810 ss:$0x81] =	vst.msk $0xffff, v5;
	s23 =	ssub.s32 s25, s31;
	s26 =	sadd.s32 $0xFFFD8078, s19;
	s19 =	ssub.s32 $0x28008, s19  }
0x18: {  	v63 =	vld [tilespmem:s18+$0xFFFFFFC0];
	[tilespmem:s20+$0x1020 ss:$0x81] =	vst.msk $0xffff, v58;
	s24 =	sshrl.u32 s29, $0x8;
	p1 =	sgt.s32 s26, $0x7F;
	s28 =	sadd.s32 $0xFFFFFF80, s23  }
0x19: {  	[tilespmem:s20+$0x1830 ss:$0x81] =	vst.msk $0xffff, v59;
	s23 =	ssub.s32 $0x100, s23;
	s27 =	smul.u32 $0x28008, s24;
	p2 =	sgt.s32 s28, $0x7F  }
0x1a: {  	[tilespmem:s20+$0x2040 ss:$0x81] =	vst.msk $0xffff, v60;
	s30 =	sand.u32 $0x7, s11;
	s19 =	simm.s32 @p1 $0x0;
	s23 =	simm.s32 @p2 $0x0  }
0x1b: {  	[tilespmem:s20+$0x2850 ss:$0x81] =	vst.msk $0xffff, v61;
	s29 =	sshrl.u32 s22, $0x3;
	s18 =	ssub.s32 s21, s27;
	s19 =	smul.u32 s23, s19  }
0x1c: {  	[tilespmem:s20+$0x3060 ss:$0x81] =	vst.msk $0xffff, v62;
	s22 =	sshll.u32 s30, $0x12;
	s21 =	sadd.s32 s7, s29;
	s18 =	sshll.u32 s18, $0x5  }
0x1d: {  	[tilespmem:s20+$0x0 ss:$0x81] =	vst.msk $0xffff, v63;
	s31 =	sor.u32 $0x400, s22;
	s19 =	sand.u32 $0x3FFFFFFF, s19;
	s18 =	sadd.s32 s18, s21  }
0x1e: {  	[hbm4b:s18+s31] =	stream.strided.scatter [tilespmem:s17], [sflag:$0x2], s19, s9, s31, $0x20;
	[tilespmem:$0x10100] =	vst v63  }
.LBB1_5:
0x1f: {  	p1 =	slt.u32 s14, $0x2  }
0x20: {  	s18 =	smov.u32 s16;
	p2 =	sgt.s32 @!p1 s16, $0x27F88;
	s17 =	sshra.s32 @!p1 s16, $0x1F  }
0x21: {  	p3 =	sgt.s32 @!p1 s15, $0x80;
	s19 =	sshra.s32 @!p1 s15, $0x1F;
	p2 =	por !p2, p1  }
0x22: {  	s16 =	sand.u32 @!p1 s17, s16;
	p3 =	por !p3, p1;
	s17 =	smov.u32 s15  }
0x23: {  	s15 =	sand.u32 @!p1 s19, s15;
	s18 =	simm.s32 @p2 $0x27F88;
	s17 =	simm.s32 @p3 $0x80  }
0x24: {  	s16 =	ssub.s32 @!p1 s18, s16;
	s15 =	ssub.s32 @!p1 s17, s15  }
0x25: {  	s19 =	smov.u32 s13;
	s17 =	sadd.s32 @!p1 $0xFFFD8078, s16;
	s18 =	sadd.s32 @!p1 $0xFFFFFF80, s15  }
0x26: {  	s16 =	ssub.s32 @!p1 $0x28008, s16;
	p2 =	sgt.s32 @!p1 s17, $0x7F;
	p3 =	sgt.s32 @!p1 s18, $0x7F  }
0x27: {  	s15 =	ssub.s32 @!p1 $0x100, s15;
	p2 =	por !p2, p1;
	p3 =	por !p3, p1  }
0x28: {  	s17 =	sadd.s32 $0x800, s12;
	s16 =	simm.s32 @!p2 $0x0;
	s15 =	simm.s32 @!p3 $0x0  }
0x29: {  	p2 =	sgt.s32 s17, $0x28001;
	s15 =	smul.u32 @!p1 s15, s16;
	s16 =	sadd.s32 $0x100, s13  }
0x2a: {  	s19 =	smov.u32 @p2 s16  }
0x2b: {  	s17 =	smov.u32 @p2 s4;
	p2 =	sgt.s32 s19, $0xFF  }
0x2c: {  	s19 =	smov.u32 @p2 s1;
	p2 =	sne.s32 s14, s8  }
.Ltmp1:
0x2d: {  	p0 =	por !p0, !p0;
	s18 =	simm.s32 @!p1 $0x2;
	(pc) =	sbr.rel @!p2 .LBB1_6-.Ltmp1, $4  }
0x2e: {  	s16 =	smov.u32 s10;
	s10 =	smov.u32 s12;
	s15 =	sand.u32 @!p1 $0x3FFFFFFF, s15  }
0x2f: {  	s12 =	smov.u32 s17;
	_ =	swait.ge @!p1 [sflag:s18], s15;
	s20 =	ssub.s32 @!p1 $0x0, s15  }
0x30: {  	s15 =	smov.u32 s11;
	s14 =	sadd.s32 $0x1, s14;
	[sflag:s18] =	ssyncset.done @!p1 $0x0  }
0x31: {  	s11 =	smov.u32 s13;
	s13 =	smov.u32 s19;
	[sflag:s18] =	ssyncadd.s32 @!p1 s20  }
.LBB1_1:
0x32: {  	p1 =	sge.u32 s14, s6  }
0x33: {  	s17 =	sshrl.u32 @!p1 s13, $0x3  }
0x34: {  	s18 =	sshll.u32 @!p1 s12, $0x3;
	s17 =	smul.u32 @!p1 $0x140400, s17  }
0x35: {  	s19 =	sshll.u32 @!p1 s13, $0x7;
	s18 =	sand.u32 @!p1 $0xFFFFFC00, s18  }
0x36: {  	s17 =	sadd.s32 @!p1 s17, s18;
	s18 =	sand.u32 @!p1 $0x380, s19  }
0x37: {  	s19 =	sand.u32 @!p1 $0x7F, s12;
	s17 =	sor.u32 @!p1 s18, s17  }
0x38: {  	s18 =	sor.u32 @!p1 s19, s17  }
0x39: {  	s19 =	smulhi.u32 @!p1 $0x6651EF9D, s18;
	_ =	sdelay $0x1  }
0x3a: {  	s17 =	smulhi.u32 @!p1 $0x6651EF9D, s17;
	s19 =	sshrl.u32 @!p1 s19, $0x10  }
0x3b: {  	s19 =	smul.u32 @!p1 $0x28080, s19  }
0x3c: {  	s31 =	sadd.s32 $0xFFFFFFFF, s14;
	s20 =	sxor.u32 @!p1 $0xFFFFFFFF, s14;
	s17 =	sshrl.u32 @!p1 s17, $0x10  }
0x3d: {  	s20 =	sshll.u32 @!p1 s20, $0xE;
	s17 =	sand.u32 @!p1 $0xFF, s17;
	s18 =	ssub.s32 @!p1 s18, s19  }
0x3e: {  	s17 =	smul.u32 @!p1 $0x5010, s17;
	s19 =	sshrl.u32 @!p1 s18, $0x3;
	s18 =	sand.u32 @!p1 $0x7, s18  }
0x3f: {  	s20 =	sand.u32 @!p1 $0x4000, s20;
	s19 =	sadd.s32 @!p1 s3, s19;
	s18 =	sshll.u32 @!p1 s18, $0x12  }
0x40: {  	s17 =	sadd.s32 @!p1 s17, s19;
	s18 =	sor.u32 @!p1 $0x400, s18;
	s19 =	simm.s32 @!p1 $0x140400  }
0x41: {  	[tilespmem:s20], [sflag:$0x1] =	stream.strided.gather @!p1 [hbm4b:s17+s18], $0x4000, s19, s18, $0x38;
	[tilespmem:$0x10100] =	vst v63  }
0x42: {  	p1 =	sge.u32 s31, s6  }
.Ltmp2:
0x43: {  	_ = 	snop;
	(pc) =	sbr.rel @p1 .LBB1_5-.Ltmp2, $1  }
0x44: {  	_ =	sdelay $0x3  }
0x45: {  	s17 =	simm.s32 $0x1  }
0x46: {  	_ =	swait.ge [sflag:s5], $0x4000;
	s17 =	simm.s32 @!p0 $0x0  }
0x47: {  	[sflag:s5] =	ssyncset.done $0x0;
	s18 =	sshll.u32 s17, $0xE  }
0x48: {  	[sflag:s5] =	ssyncadd.s32 $0xFFFFC000;
	s18 =	sor.u32 $0x40, s18  }
0x49: {  	s17 =	smul.u32 $0x10200, s17;
	v0 =	vld [tilespmem:s18+$0x30]  }
0x4a: {  	v1 =	vld [tilespmem:s18+$0xFFFFFFD0]  }
0x4b: {  	s17 =	sshrl.u32 s17, $0x2;
	v5 =	vld [tilespmem:s18+$0xFFFFFFE0]  }
0x4c: {  	v6 =	vld [tilespmem:s18+$0xFFFFFFF0];
	s20 =	sor.u32 $0x8000, s17  }
0x4d: {  	s31 =	sand.u32 $0x1, s14;
	v4 =	vld [tilespmem:s18+$0x0];
	s19 =	sadd.s32 $0x0, s20  }
0x4e: {  	v3 =	vld [tilespmem:s18+$0x10];
	s17 =	smul.u32 $0x10200, s31;
	[tilespmem:s19+$0x3870 ss:$0x81] =	vst.msk $0xffff, v0  }
0x4f: {  	v2 =	vld [tilespmem:s18+$0x20];
	[tilespmem:s19+$0x810 ss:$0x81] =	vst.msk $0xffff, v1  }
0x50: {  	s17 =	sshrl.u32 s17, $0x2;
	v1 =	vld [tilespmem:s18+$0xFFFFFFC0];
	[tilespmem:s19+$0x1020 ss:$0x81] =	vst.msk $0xffff, v5;
	s18 =	sadd.s32 $0x80, s18  }
0x51: {  	s21 =	simm.s32 $0x4;
	s22 =	simm.s32 $0x8;
	s17 =	sor.u32 $0x8000, s17;
	[tilespmem:s19+$0x1830 ss:$0x81] =	vst.msk $0xffff, v6;
	v0 =	vld [tilespmem:s18+$0x30]  }
.LBB1_3:
0x52: {  	p1 =	sne.s32 s22, $0x1FC;
	v5 =	vld [tilespmem:s18+$0xFFFFFFD0];
	[tilespmem:s19+$0x2040 ss:$0x81] =	vst.msk $0xffff, v4  }
0x53: {  	v6 =	vld [tilespmem:s18+$0xFFFFFFE0];
	[tilespmem:s19+$0x2850 ss:$0x81] =	vst.msk $0xffff, v3  }
0x54: {  	s23 =	sshra.s32 s21, $0x2;
	s21 =	smov.u32 s22;
	v7 =	vld [tilespmem:s18+$0xFFFFFFF0];
	[tilespmem:s19+$0x3060 ss:$0x81] =	vst.msk $0xffff, v2  }
.Ltmp3:
0x55: {  	v4 =	vld [tilespmem:s18+$0x0];
	[tilespmem:s19+$0x0 ss:$0x81] =	vst.msk $0xffff, v1;
	s19 =	sadd.s32 s23, s20;
	(pc) =	sbr.rel @p1 .LBB1_3-.Ltmp3, $4  }
0x56: {  	v3 =	vld [tilespmem:s18+$0x10];
	[tilespmem:s19+$0x3870 ss:$0x81] =	vst.msk $0xffff, v0  }
0x57: {  	[tilespmem:s19+$0x810 ss:$0x81] =	vst.msk $0xffff, v5;
	v2 =	vld [tilespmem:s18+$0x20]  }
0x58: {  	v1 =	vld [tilespmem:s18+$0xFFFFFFC0];
	[tilespmem:s19+$0x1020 ss:$0x81] =	vst.msk $0xffff, v6;
	s18 =	sadd.s32 $0x80, s18  }
0x59: {  	s22 =	sadd.s32 $0x4, s22;
	v0 =	vld [tilespmem:s18+$0x30];
	[tilespmem:s19+$0x1830 ss:$0x81] =	vst.msk $0xffff, v7  }
.Ltmp4:
0x5a: {  	_ = 	snop;
	(pc) =	sbr.rel .LBB1_4-.Ltmp4, $1  }
0x5b: {  	_ =	sdelay $0x3  }
.LBB1_6:
0x5c: {  	_ =	sfence.sel $0x180000  }
0x5d: {  	s1 =	simm.s32 $0x1;
	[bflag:$0x0] =	sbarrier.arrive $0xFFFF  }
0x5e: {  	s31 =	simm.s32 $0x2;
	[sflag:s1] =	ssyncpa.u1 $0x1  }
0x5f: {  	[sflag:s31] =	ssyncpa.u1 $0x1  }
0x60: {  	p0 =	sne.s32 s0, $0x0;
	_ =	strace $0x90000047  }
0x61: {  	s0 =	sadd.s32 @!p0 $0x100000, s2;
	[bflag:$0x2] =	sbarrier.arrive $0xFFFF  }
0x62: {  	[sflag:s0] =	ssyncadd.tile.s32 @!p0 $0x1;
	_ =	shalt  }
.Lfunc_end1:
_tile_overlayer_lowered:
.L_overlay_start_2:
0x63: {  	(tag) =	ssettag $0x2  }
0x64: {  	s0 =	rddreg [dreg:$0x0];
	s2 =	stileid.u32  }
0x65: {  	s1 =	rddreg [dreg:$0x1];
	p0 =	sne.s32 s2, $0x0  }
0x66: {  	s3 =	rddreg [dreg:$0x2];
	[bflag:$0x3] =	sbarrier.arrive $0xFFFF;
	s2 =	simm.s32 @!p0 $0x1C01  }
0x67: {  	[timem:s3], [sflag:s2] =	dma.local @!p0 [hbm:s0], s1  }
0x68: {  	s0 =	simm.s32 @!p0 $0x1  }
0x69: {  	_ =	swait.ge @!p0 [sflag:s0], s1  }
0x6a: {  	s1 =	ssub.s32 @!p0 $0x0, s1;
	[sflag:s0] =	ssyncset.done @!p0 $0x0  }
0x6b: {  	[sflag:s0] =	ssyncadd.s32 @!p0 s1  }
0x6c: {  	[bflag:$0x3] =	sbarrier.arrive $0xFFFF  }
0x6d: {  	_ =	shalt  }

// kernel: sparse-core-data-format-call.cloned.1.call-start
scs
called_computation_lowered:
.L_overlay_start_0:
0x0: {  	s2 =	sld [smem:$0x3FD9]  }
0x1: {  	s3 =	sld [smem:$0x3FFE];
	_ =	sdelay $0x1  }
0x2: {  	s1 =	srdreg.scid  }
0x3: {  	s0 =	sand.u32 $0x1, s1  }
0x4: {  	s18 =	sshll.u32 s0, $0xA;
	s2 =	sadd.s32 s3, s2  }
0x5: {  	s2 =	sadd.s32 s2, s18  }
0x6: {  	[smem:$0x3FC6] =	sst s2  }
0x7: {  	_ = 	snop  }
0x8: {  	s2 =	sld [smem:$0x3FD0];
	(tm) =	ssettm $0x1  }
0x9: {  	s19 =	sld [smem:$0x3FFB];
	_ =	sdelay $0x3  }
0xa: {  	_ =	strace s19  }
0xb: {  	s3 =	sld [smem:$0x3FFC];
	_ =	sdelay $0x3  }
0xc: {  	_ =	strace s3  }
0xd: {  	s3 =	sld [smem:$0x3FFD];
	_ =	sdelay $0x3  }
0xe: {  	_ =	strace s3  }
0xf: {  	_ =	strace $0x8FFFFFFF  }
0x10: {  	s20 =	sld [smem:$0x3FDB];
	_ =	sdelay $0x1  }
0x11: {  	s4 =	simm.s32 $_scs_section_size  }
0x12: {  	s5 =	simm.s32 $_size__tile_overlayer_lowered;
	s6 =	simm.s32 $_tile_overlayer_lowered  }
0x13: {  	s23 =	simm.s32 $0x1BFF;
	s22 =	sshll.u32 s6, $0x1;
	s3 =	sadd.s32 s4, s20  }
0x14: {  	s7 =	simm.s32 $0x0;
	s21 =	sshll.u32 s5, $0x1;
	s5 =	sadd.s32 s22, s3  }
0x15: {  	[timem:s7], [sflag:s23] =	dma.local [hbm:s5], s21  }
0x16: {  	_ =	swait.ge [sflag:s23], s21  }
0x17: {  	s4 =	ssub.s32 $0x0, s21;
	[sflag:s23] =	ssyncset.done $0x0  }
0x18: {  	[sflag:s23] =	ssyncadd.s32 s4;
	_ =	sdelay $0x1  }
0x19: {  	s24 =	simm.s32 $0x1B8B  }
0x1a: {  	_ =	swait.ge [sflag:s24], $0x1  }
0x1b: {  	[sflag:s24] =	ssyncset.done $0x0  }
0x1c: {  	s26 =	simm.s32 $0x1B8E;
	s25 =	sld [smem:$0x3FFE];
	[sflag:s24] =	ssyncadd.s32 $0xFFFFFFFF  }
0x1d: {  	s27 =	simm.s32 $execute0_lowered;
	[smem:$0x3FD2] =	sst s26  }
0x1e: {  	s5 =	sshll.u32 s27, $0x1;
	_ =	strace $0x8000004C;
	[dreg:$0x1] =	wrdreg $0xFFFFFFFF  }
0x1f: {  	s28 =	simm.s32 $_size_execute0_lowered;
	s3 =	sadd.s32 s3, s5;
	[dreg:$0x0] =	wrdreg $0x0  }
0x20: {  	s5 =	sshll.u32 s28, $0x1;
	[dreg:$0x2] =	wrdreg s3  }
0x21: {  	[dreg:$0x3] =	wrdreg s5  }
0x22: {  	[dreg:$0x4] =	wrdreg $0xC0  }
0x23: {  	_ =	task [dreg:s7], $0x5FFFF  }
0x24: {  	[dreg:$0x1] =	wrdreg $0xFFFFFFFF  }
0x25: {  	[dreg:$0x0] =	wrdreg $0x60  }
0x26: {  	[dreg:$0x2] =	wrdreg s25  }
0x27: {  	[dreg:$0x3] =	wrdreg s2  }
0x28: {  	[dreg:$0x4] =	wrdreg $0x9  }
0x29: {  	_ =	task.clear_ibuf [dreg:s7], $0x5FFFF;
	_ =	strace $0x9000004C  }
0x2a: {  	s29 =	simm.s32 $0x9;
	_ =	strace $0x8000004E  }
0x2b: {  	_ =	swait.ge [sflag:s29], $0x1  }
0x2c: {  	[sflag:s29] =	ssyncadd.s32 $0xFFFFFFFF  }
0x2d: {  	_ =	strace $0x9000004E  }
0x2e: {  	_ =	sfence  }
0x2f: {  	s30 =	sld [smem:$0x0];
	_ =	sdelay $0x2  }
0x30: {  	s31 =	sshll.u32 s1, $0xD;
	s1 =	sshrl.u32 s1, $0x2  }
0x31: {  	s3 =	sand.u32 $0x4000, s31;
	s1 =	sadd.s32 s1, s30  }
0x32: {  	s0 =	sor.u32 s3, s0;
	s1 =	sshll.u32 s1, $0x11  }
0x33: {  	s0 =	sor.u32 s1, s0  }
0x34: {  	s0 =	sadd.s32 $0x8F2B, s0  }
0x35: {  	[sflag:s0] =	ssyncadd.remote.s32 $0x1  }
0x36: {  	_ =	sfence.sel $0xFFFF  }
0x37: {  	[dreg:$0x0] =	wrdreg $0xFFFFFFFF;
	(pc) =	sbr.abs _section_cstart, $3  }
0x38: {  	[dreg:$0x1] =	wrdreg $0xFFFFFFFF  }
0x39: {  	_ =	task.clear_ibuf [dreg:s7], $0x2FFFF;
	_ =	strace $0x9FFFFFFF  }
0x3a: {  	(tm) =	ssettm $0x7FFFFFFF  }
0x3b: {  	_ =	shalt  }
tec
execute0_lowered:
.L_overlay_start_1:
0x0: {  	(tag) =	ssettag $0x1  }
0x1: {  	s0 =	srdreg.scid;
	s7 =	rddreg [dreg:$0x0]  }
0x2: {  	s2 =	rddreg [dreg:$0x1];
	s1 =	stileid.u32;
	s31 =	simm.s32 $0x2  }
0x3: {  	s14 =	simm.s32 $0x0;
	p0 =	por $0x0, $0x0;
	s0 =	sshll.u32 s0, $0x7  }
0x4: {  	s10 =	simm.s32 $0x50400;
	s4 =	sshll.u32 s1, $0x7;
	s3 =	sand.u32 $0x80, s0  }
0x5: {  	s13 =	simm.s32 $0x0;
	s6 =	ssub.s32 $0xA000, s4;
	s5 =	ssub.s32 $0x100, s3  }
0x6: {  	s12 =	simm.s32 $0x0;
	s6 =	sshrl.u32 s6, $0xB;
	s8 =	sshrl.u32 s5, $0x7  }
.Ltmp0:
0x7: {  	s9 =	sshrl.u32 s5, $0x8;
	s8 =	sand.u32 $0x1, s8;
	(pc) =	sbr.rel .LBB1_1-.Ltmp0, $4  }
0x8: {  	s0 =	rddreg [dreg:$0x2];
	s6 =	sadd.s32 $0x1, s6;
	s8 =	sadd.s32 s9, s8  }
0x9: {  	_ =	strace $0x8000004D;
	s5 =	simm.s32 $0x1;
	s6 =	smul.u32 s6, s8  }
0xa: {  	s7 =	sadd.s32 $0xE00, s7;
	s11 =	smov.u32 s4;
	[sflag:s5] =	ssyncpa.u1 $0x0  }
0xb: {  	[sflag:s31] =	ssyncpa.u1 $0x0;
	s8 =	sshll.u32 s3, $0x3;
	s9 =	sadd.s32 $0x1, s6  }
.LBB1_4:
0xc: {  	s14 =	sshrl.u32 s14, $0x3  }
0xd: {  	s20 =	sshll.u32 s13, $0x3;
	s14 =	smul.u32 $0x50400, s14  }
0xe: {  	v5 =	vld [tilespmem:s18+$0xFFFFFFD0];
	[tilespmem:s17+$0x2040 ss:$0x81] =	vst.msk $0xffff, v4;
	s20 =	sand.u32 $0xFFFFFC00, s20  }
0xf: {  	v58 =	vld [tilespmem:s18+$0xFFFFFFE0];
	[tilespmem:s17+$0x2850 ss:$0x81] =	vst.msk $0xffff, v3;
	s30 =	sand.u32 $0x7F, s13;
	s14 =	sadd.s32 s20, s14  }
0x10: {  	s19 =	sshra.s32 s19, $0x2;
	v59 =	vld [tilespmem:s18+$0xFFFFFFF0];
	[tilespmem:s17+$0x3060 ss:$0x81] =	vst.msk $0xffff, v2;
	s13 =	sor.u32 s30, s14  }
0x11: {  	v60 =	vld [tilespmem:s18+$0x0];
	[tilespmem:s17+$0x0 ss:$0x81] =	vst.msk $0xffff, v0;
	s16 =	sadd.s32 s19, s16;
	s31 =	smulhi.u32 $0xCC29786D, s13  }
0x12: {  	v61 =	vld [tilespmem:s18+$0x10];
	[tilespmem:s16+$0x3870 ss:$0x81] =	vst.msk $0xffff, v1  }
0x13: {  	v62 =	vld [tilespmem:s18+$0x20];
	s14 =	smulhi.u32 $0xCC29786D, s14;
	[tilespmem:s16+$0x810 ss:$0x81] =	vst.msk $0xffff, v5;
	s17 =	sshrl.u32 s31, $0xF  }
0x14: {  	v63 =	vld [tilespmem:s18+$0xFFFFFFC0];
	[tilespmem:s16+$0x1020 ss:$0x81] =	vst.msk $0xffff, v58;
	s17 =	smul.u32 $0xA080, s17  }
0x15: {  	[tilespmem:s16+$0x1830 ss:$0x81] =	vst.msk $0xffff, v59;
	s14 =	sshrl.u32 s14, $0xF  }
0x16: {  	[tilespmem:s16+$0x2040 ss:$0x81] =	vst.msk $0xffff, v60;
	s14 =	sand.u32 $0xFF, s14;
	s13 =	ssub.s32 s13, s17  }
0x17: {  	[tilespmem:s16+$0x2850 ss:$0x81] =	vst.msk $0xffff, v61;
	s14 =	smul.u32 $0x1410, s14;
	s17 =	sshrl.u32 s13, $0x3;
	s13 =	sand.u32 $0x7, s13  }
0x18: {  	[tilespmem:s16+$0x3060 ss:$0x81] =	vst.msk $0xffff, v62;
	s17 =	sadd.s32 s2, s17;
	s13 =	sshll.u32 s13, $0x12  }
0x19: {  	[tilespmem:s16+$0x0 ss:$0x81] =	vst.msk $0xffff, v63;
	s14 =	sadd.s32 s14, s17;
	s13 =	sor.u32 $0x400, s13  }
0x1a: {  	[hbm4b:s14+s13] =	stream.strided.scatter [tilespmem:s15], [sflag:$0x2], $0x4000, s10, s13, $0x20;
	[tilespmem:$0x10100] =	vst v63  }
.LBB1_5:
0x1b: {  	s15 =	sadd.s32 $0x800, s11  }
0x1c: {  	p2 =	sgt.s32 s15, $0xA001  }
0x1d: {  	s15 =	smov.u32 @p2 s4;
	p2 =	sne.s32 s12, s9  }
.Ltmp1:
0x1e: {  	p1 =	slt.u32 s12, $0x2;
	(pc) =	sbr.rel @!p2 .LBB1_6-.Ltmp1, $4  }
0x1f: {  	s14 =	simm.s32 @!p1 $0x2  }
0x20: {  	s16 =	sadd.s32 $0x1, s12;
	s13 =	smov.u32 s11;
	_ =	swait.ge @!p1 [sflag:s14], $0x4000  }
0x21: {  	p0 =	por !p0, !p0;
	s12 =	smov.u32 s16;
	[sflag:s14] =	ssyncset.done @!p1 $0x0  }
0x22: {  	s11 =	smov.u32 s15;
	[sflag:s14] =	ssyncadd.s32 @!p1 $0xFFFFC000;
	s14 =	smov.u32 s3  }
.LBB1_1:
0x23: {  	p1 =	sge.u32 s12, s6  }
0x24: {  	s15 =	sshll.u32 @!p1 s11, $0x8  }
0x25: {  	s16 =	sshll.u32 @!p1 s11, $0x7;
	s15 =	sand.u32 @!p1 $0xFFFFF800, s15  }
0x26: {  	s16 =	sand.u32 @!p1 $0x300, s16;
	s15 =	sor.u32 @!p1 s8, s15  }
0x27: {  	s15 =	sor.u32 @!p1 s16, s15  }
0x28: {  	s17 =	smov.u32 s11;
	p2 =	sgt.s32 @!p1 s11, $0x9F88;
	s15 =	sshrl.u32 @!p1 s15, $0x8  }
0x29: {  	s18 =	sshra.s32 @!p1 s11, $0x1F;
	p2 =	por !p2, p1;
	s16 =	smulhi.u32 @!p1 $0xCCC29, s15  }
0x2a: {  	s31 =	sadd.s32 $0xFFFFFFFF, s12;
	s18 =	sand.u32 @!p1 s18, s11;
	s17 =	simm.s32 @p2 $0x9F88  }
0x2b: {  	s19 =	sxor.u32 @!p1 $0xFFFFFFFF, s12;
	s17 =	ssub.s32 @!p1 s17, s18;
	s16 =	sshrl.u32 @!p1 s16, $0x3  }
0x2c: {  	s18 =	sshll.u32 @!p1 s19, $0xE;
	s17 =	sadd.s32 @!p1 $0xFFFF6078, s17;
	s16 =	smul.u32 @!p1 $0xA008, s16  }
0x2d: {  	s19 =	simm.s32 @!p1 $0x800;
	s18 =	sand.u32 @!p1 $0x4000, s18;
	p2 =	sgt.s32 @!p1 s17, $0x7F  }
0x2e: {  	s15 =	ssub.s32 @!p1 s15, s16;
	s16 =	sshll.u32 @!p1 s17, $0x7;
	s17 =	sshll.u32 @!p1 s11, $0x4  }
0x2f: {  	p2 =	por !p2, p1;
	s16 =	ssub.s32 @!p1 $0x4000, s16;
	s17 =	sand.u32 @!p1 $0x10, s17  }
0x30: {  	s15 =	sshll.u32 @!p1 s15, $0x5;
	s16 =	sand.u32 @!p1 $0x3FFFFF80, s16;
	s17 =	sadd.s32 @!p1 s7, s17  }
0x31: {  	s16 =	simm.s32 @!p2 $0x0;
	s15 =	sadd.s32 @!p1 s15, s17;
	s17 =	simm.s32 @!p1 $0x400  }
0x32: {  	[tilespmem:s18], [sflag:$0x1] =	stream.strided.gather @!p1 [hbm4b:s15+s17], s16, s19, s17, $0x38;
	[tilespmem:$0x10100] =	vst v63  }
0x33: {  	p1 =	sge.u32 s31, s6  }
.Ltmp2:
0x34: {  	_ = 	snop;
	(pc) =	sbr.rel @p1 .LBB1_5-.Ltmp2, $1  }
0x35: {  	_ =	sdelay $0x3  }
0x36: {  	p1 =	sgt.s32 s13, $0x9F88;
	s15 =	smov.u32 s13;
	s16 =	sshra.s32 s13, $0x1F  }
0x37: {  	s15 =	simm.s32 @!p1 $0x9F88;
	s16 =	sand.u32 s16, s13  }
0x38: {  	s15 =	ssub.s32 s15, s16  }
0x39: {  	s15 =	sadd.s32 $0xFFFF6078, s15  }
0x3a: {  	s29 =	sshll.u32 s15, $0x7  }
0x3b: {  	s16 =	ssub.s32 $0x4000, s29  }
0x3c: {  	p1 =	sgt.s32 s15, $0x7F;
	s15 =	sand.u32 $0x3FFFFF80, s16  }
0x3d: {  	s16 =	simm.s32 $0x1;
	s15 =	simm.s32 @p1 $0x0  }
0x3e: {  	s16 =	simm.s32 @!p0 $0x0;
	_ =	swait.ge [sflag:s5], s15  }
0x3f: {  	s17 =	sshll.u32 s16, $0xE;
	s15 =	ssub.s32 $0x0, s15;
	[sflag:s5] =	ssyncset.done $0x0  }
0x40: {  	s18 =	sor.u32 $0x40, s17;
	[sflag:s5] =	ssyncadd.s32 s15  }
0x41: {  	s30 =	smul.u32 $0x10200, s16;
	v0 =	vld [tilespmem:s18+$0x30]  }
0x42: {  	v1 =	vld [tilespmem:s18+$0xFFFFFFD0]  }
0x43: {  	s15 =	sshrl.u32 s30, $0x2;
	v5 =	vld [tilespmem:s18+$0xFFFFFFE0]  }
0x44: {  	s16 =	sor.u32 $0x8000, s15;
	v6 =	vld [tilespmem:s18+$0xFFFFFFF0]  }
0x45: {  	s31 =	sand.u32 $0x1, s12;
	v4 =	vld [tilespmem:s18+$0x0];
	s17 =	sadd.s32 $0x0, s16  }
0x46: {  	s15 =	smul.u32 $0x10200, s31;
	v3 =	vld [tilespmem:s18+$0x10];
	[tilespmem:s17+$0x3870 ss:$0x81] =	vst.msk $0xffff, v0  }
0x47: {  	v2 =	vld [tilespmem:s18+$0x20];
	[tilespmem:s17+$0x810 ss:$0x81] =	vst.msk $0xffff, v1  }
0x48: {  	s15 =	sshrl.u32 s15, $0x2;
	v0 =	vld [tilespmem:s18+$0xFFFFFFC0];
	[tilespmem:s17+$0x1020 ss:$0x81] =	vst.msk $0xffff, v5;
	s18 =	sadd.s32 $0x80, s18  }
0x49: {  	s19 =	simm.s32 $0x4;
	s20 =	simm.s32 $0x8;
	s15 =	sor.u32 $0x8000, s15;
	[tilespmem:s17+$0x1830 ss:$0x81] =	vst.msk $0xffff, v6;
	v1 =	vld [tilespmem:s18+$0x30]  }
.LBB1_3:
0x4a: {  	p1 =	sne.s32 s20, $0x1FC;
	v5 =	vld [tilespmem:s18+$0xFFFFFFD0];
	[tilespmem:s17+$0x2040 ss:$0x81] =	vst.msk $0xffff, v4  }
0x4b: {  	v6 =	vld [tilespmem:s18+$0xFFFFFFE0];
	[tilespmem:s17+$0x2850 ss:$0x81] =	vst.msk $0xffff, v3  }
0x4c: {  	s21 =	sshra.s32 s19, $0x2;
	s19 =	smov.u32 s20;
	v7 =	vld [tilespmem:s18+$0xFFFFFFF0];
	[tilespmem:s17+$0x3060 ss:$0x81] =	vst.msk $0xffff, v2  }
.Ltmp3:
0x4d: {  	v4 =	vld [tilespmem:s18+$0x0];
	[tilespmem:s17+$0x0 ss:$0x81] =	vst.msk $0xffff, v0;
	s17 =	sadd.s32 s21, s16;
	(pc) =	sbr.rel @p1 .LBB1_3-.Ltmp3, $4  }
0x4e: {  	v3 =	vld [tilespmem:s18+$0x10];
	[tilespmem:s17+$0x3870 ss:$0x81] =	vst.msk $0xffff, v1  }
0x4f: {  	[tilespmem:s17+$0x810 ss:$0x81] =	vst.msk $0xffff, v5;
	v2 =	vld [tilespmem:s18+$0x20]  }
0x50: {  	v0 =	vld [tilespmem:s18+$0xFFFFFFC0];
	[tilespmem:s17+$0x1020 ss:$0x81] =	vst.msk $0xffff, v6;
	s18 =	sadd.s32 $0x80, s18  }
0x51: {  	s20 =	sadd.s32 $0x4, s20;
	v1 =	vld [tilespmem:s18+$0x30];
	[tilespmem:s17+$0x1830 ss:$0x81] =	vst.msk $0xffff, v7  }
.Ltmp4:
0x52: {  	_ = 	snop;
	(pc) =	sbr.rel .LBB1_4-.Ltmp4, $1  }
0x53: {  	_ =	sdelay $0x3  }
.LBB1_6:
0x54: {  	_ =	sfence.sel $0x180000  }
0x55: {  	s2 =	simm.s32 $0x1;
	[bflag:$0x0] =	sbarrier.arrive $0xFFFF  }
0x56: {  	s31 =	simm.s32 $0x2;
	[sflag:s2] =	ssyncpa.u1 $0x1  }
0x57: {  	[sflag:s31] =	ssyncpa.u1 $0x1  }
0x58: {  	p0 =	sne.s32 s1, $0x0;
	_ =	strace $0x9000004D  }
0x59: {  	s0 =	sadd.s32 @!p0 $0x100000, s0;
	[bflag:$0x2] =	sbarrier.arrive $0xFFFF  }
0x5a: {  	[sflag:s0] =	ssyncadd.tile.s32 @!p0 $0x1;
	_ =	shalt  }
.Lfunc_end1:
_tile_overlayer_lowered:
.L_overlay_start_2:
0x5b: {  	(tag) =	ssettag $0x2  }
0x5c: {  	s0 =	rddreg [dreg:$0x0];
	s2 =	stileid.u32  }
0x5d: {  	s1 =	rddreg [dreg:$0x1];
	p0 =	sne.s32 s2, $0x0  }
0x5e: {  	s3 =	rddreg [dreg:$0x2];
	[bflag:$0x3] =	sbarrier.arrive $0xFFFF;
	s2 =	simm.s32 @!p0 $0x1C01  }
0x5f: {  	[timem:s3], [sflag:s2] =	dma.local @!p0 [hbm:s0], s1  }
0x60: {  	s0 =	simm.s32 @!p0 $0x1  }
0x61: {  	_ =	swait.ge @!p0 [sflag:s0], s1  }
0x62: {  	s1 =	ssub.s32 @!p0 $0x0, s1;
	[sflag:s0] =	ssyncset.done @!p0 $0x0  }
0x63: {  	[sflag:s0] =	ssyncadd.s32 @!p0 s1  }
0x64: {  	[bflag:$0x3] =	sbarrier.arrive $0xFFFF  }
0x65: {  	_ =	shalt  }

</sc_bundles>
